<compile_context>
chip_gen: v7x
topology: tpu7x:2x2x1
jax: 0.10.2.dev20260603
libtpu: 0.0.44.dev20260713+nightly
codegen_flags: <defaults>
</compile_context>

<pallas_src>
import numpy as np

import jax
import jax.numpy as jnp
from jax import lax
from jax.experimental import pallas as pl
from jax.experimental.pallas import tpu as pltpu
from jax.experimental.pallas import tpu_sc as plsc

B, S, N = 8, 1024, 4096
DIN, DOUT = 512, 256
EPS = 1e-5
M1 = B * S
M2 = B * N
RB = 1024
NBLK = N // RB

MASK10 = int(np.int32(~np.int32(1023)))

NC, NS = 2, 16
NW = NC * NS
ROWS_PER_W = M2 // NW
CHUNK = 64
NCHUNK = ROWS_PER_W // CHUNK
NCH_TOT = M2 // CHUNK
WPAD = CHUNK + 16


def _mm_bn_relu_small(x_ref, w_ref, b_ref, g_ref, be_ref, o_ref):
    y = jnp.dot(x_ref[...], w_ref[...], preferred_element_type=jnp.float32)
    y = y + b_ref[...]
    mu = jnp.mean(y, axis=0, keepdims=True)
    d = y - mu
    var = jnp.mean(d * d, axis=0, keepdims=True)
    o_ref[...] = jnp.maximum(g_ref[...] * d * jax.lax.rsqrt(var + EPS) + be_ref[...], 0.0)


def _knn_body(skip_ref, samp_ref, idx_ref, w_ref):
    b = pl.program_id(0)
    sk = skip_ref[0]
    sp = samp_ref[0]
    dx = sk[:, 0:1] - sp[0:1, :]
    dy = sk[:, 1:2] - sp[1:2, :]
    dz = sk[:, 2:3] - sp[2:3, :]
    d2 = jnp.maximum((dx * dx + dy * dy) + dz * dz, 1e-30)
    lane = jax.lax.broadcasted_iota(jnp.int32, (RB, S), 1)
    key = jax.lax.bitcast_convert_type(
        (jax.lax.bitcast_convert_type(d2, jnp.int32) & MASK10) | lane, jnp.float32)
    ks = []
    for k in range(3):
        mk = jnp.min(key, axis=1, keepdims=True)
        ks.append(mk)
        if k < 2:
            key = jnp.where(key == mk, jnp.float32(jnp.inf), key)
    kbits = [jax.lax.bitcast_convert_type(m, jnp.int32) for m in ks]
    idx = jnp.concatenate([kb & 1023 for kb in kbits], axis=1)
    dists = jnp.concatenate(
        [jax.lax.bitcast_convert_type(kb & MASK10, jnp.float32) for kb in kbits], axis=1)
    recip = 1.0 / (dists + 1e-8)
    w = recip / jnp.sum(recip, axis=1, keepdims=True)
    idx_ref[...] = jnp.transpose((idx + b * S).reshape(RB // CHUNK, CHUNK, 3), (0, 2, 1))
    wt = jnp.transpose(w.reshape(RB // CHUNK, CHUNK, 3), (0, 2, 1))
    w_ref[...] = jnp.concatenate(
        [wt, jnp.zeros((RB // CHUNK, 3, WPAD - CHUNK), jnp.float32)], axis=2)


def _mm2_stats_body(x_ref, w_ref, b_ref, y_ref, s_ref, ss_ref):
    i = pl.program_id(0)
    y = jnp.dot(x_ref[...], w_ref[...], preferred_element_type=jnp.float32)
    y = y + b_ref[...]
    y_ref[...] = y

    @pl.when(i == 0)
    def _():
        s_ref[...] = jnp.zeros_like(s_ref)
        ss_ref[...] = jnp.zeros_like(ss_ref)

    s_ref[...] += jnp.sum(y, axis=0, keepdims=True)
    ss_ref[...] += jnp.sum(y * y, axis=0, keepdims=True)


def _bn_add_body(y_ref, s_ref, ss_ref, g_ref, be_ref, it_ref, o_ref):
    mu = s_ref[...] / M2
    var = ss_ref[...] / M2 - mu * mu
    sk = jnp.maximum(g_ref[...] * (y_ref[...] - mu) * jax.lax.rsqrt(var + EPS) + be_ref[...], 0.0)
    o_ref[...] = it_ref[...] + sk


def _sc_interp(sf_hbm, idx_hbm, w_hbm, out_hbm,
               idx0_v, idx1_v, w0_v, w1_v,
               g00, g01, g02, g10, g11, g12, o_v,
               s00, s01, s02, s10, s11, s12):
    cid = lax.axis_index("c")
    sid = lax.axis_index("s")
    wid = sid * NC + cid
    cbase = wid * NCHUNK
    idx_slots = (idx0_v, idx1_v)
    w_slots = (w0_v, w1_v)
    g_slots = ((g00, g01, g02), (g10, g11, g12))
    sems = ((s00, s01, s02), (s10, s11, s12))

    def fetch(gc, slot):
        pltpu.sync_copy(idx_hbm.at[gc], idx_slots[slot])
        pltpu.sync_copy(w_hbm.at[gc], w_slots[slot])
        for k in range(3):
            pltpu.make_async_copy(
                sf_hbm.at[idx_slots[slot].at[k]], g_slots[slot][k], sems[slot][k]).start()

    fetch(cbase, 0)

    def pair_body(i, carry):
        for slot in range(2):
            ci = 2 * i + slot
            gc = cbase + ci

            @pl.when(ci + 1 < NCHUNK)
            def _():
                fetch(gc + 1, 1 - slot)

            gs = g_slots[slot]
            for k in range(3):
                pltpu.make_async_copy(
                    sf_hbm.at[idx_slots[slot].at[k]], gs[k], sems[slot][k]).wait()
            ws = w_slots[slot]

            def row_body(r, rc):
                w0 = ws[0, pl.ds(r, 16)][0]
                w1 = ws[1, pl.ds(r, 16)][0]
                w2 = ws[2, pl.ds(r, 16)][0]
                for c in range(DOUT // 16):
                    sl = pl.ds(c * 16, 16)
                    o_v[r, sl] = gs[0][r, sl] * w0 + gs[1][r, sl] * w1 + gs[2][r, sl] * w2
                return rc

            lax.fori_loop(0, CHUNK, row_body, 0)
            pltpu.sync_copy(o_v, out_hbm.at[pl.ds(gc * CHUNK, CHUNK)])
        return carry

    lax.fori_loop(0, NCHUNK // 2, pair_body, 0)


def kernel(sample_feature, sample_xyz, skip_feature, skip_xyz,
           W1, b1, g1, be1, W2, b2, g2, be2):
    f32 = jnp.float32
    x1 = sample_feature.reshape(M1, DIN)
    x2 = skip_feature.reshape(M2, DOUT)
    w1t = W1.T
    w2t = W2.T
    samp_t = sample_xyz.transpose(0, 2, 1)
    row = lambda v: v.reshape(1, DOUT)

    sf = pl.pallas_call(
        _mm_bn_relu_small,
        out_shape=jax.ShapeDtypeStruct((M1, DOUT), f32),
    )(x1, w1t, row(b1), row(g1), row(be1))

    idx, w = pl.pallas_call(
        _knn_body,
        grid=(B, NBLK),
        in_specs=[
            pl.BlockSpec((1, RB, 3), lambda b, j: (b, j, 0)),
            pl.BlockSpec((1, 3, S), lambda b, j: (b, 0, 0)),
        ],
        out_specs=[
            pl.BlockSpec((RB // CHUNK, 3, CHUNK), lambda b, j: ((b * NBLK + j), 0, 0)),
            pl.BlockSpec((RB // CHUNK, 3, WPAD), lambda b, j: ((b * NBLK + j), 0, 0)),
        ],
        out_shape=[
            jax.ShapeDtypeStruct((NCH_TOT, 3, CHUNK), jnp.int32),
            jax.ShapeDtypeStruct((NCH_TOT, 3, WPAD), f32),
        ],
    )(skip_xyz, samp_t)
    idx_c, w_c = idx, w

    y2, s2, ss2 = pl.pallas_call(
        _mm2_stats_body,
        grid=(M2 // 1024,),
        in_specs=[
            pl.BlockSpec((1024, DOUT), lambda i: (i, 0)),
            pl.BlockSpec((DOUT, DOUT), lambda i: (0, 0)),
            pl.BlockSpec((1, DOUT), lambda i: (0, 0)),
        ],
        out_specs=[
            pl.BlockSpec((1024, DOUT), lambda i: (i, 0)),
            pl.BlockSpec((1, DOUT), lambda i: (0, 0)),
            pl.BlockSpec((1, DOUT), lambda i: (0, 0)),
        ],
        out_shape=[
            jax.ShapeDtypeStruct((M2, DOUT), f32),
            jax.ShapeDtypeStruct((1, DOUT), f32),
            jax.ShapeDtypeStruct((1, DOUT), f32),
        ],
    )(x2, w2t, row(b2))

    interp = pl.kernel(
        _sc_interp,
        out_type=jax.ShapeDtypeStruct((M2, DOUT), f32),
        mesh=plsc.VectorSubcoreMesh(
            core_axis_name="c", subcore_axis_name="s",
            num_cores=NC, num_subcores=NS),
        scratch_types=[
            pltpu.VMEM((3, CHUNK), jnp.int32),
            pltpu.VMEM((3, CHUNK), jnp.int32),
            pltpu.VMEM((3, WPAD), f32),
            pltpu.VMEM((3, WPAD), f32),
            pltpu.VMEM((CHUNK, DOUT), f32),
            pltpu.VMEM((CHUNK, DOUT), f32),
            pltpu.VMEM((CHUNK, DOUT), f32),
            pltpu.VMEM((CHUNK, DOUT), f32),
            pltpu.VMEM((CHUNK, DOUT), f32),
            pltpu.VMEM((CHUNK, DOUT), f32),
            pltpu.VMEM((CHUNK, DOUT), f32),
            pltpu.SemaphoreType.DMA,
            pltpu.SemaphoreType.DMA,
            pltpu.SemaphoreType.DMA,
            pltpu.SemaphoreType.DMA,
            pltpu.SemaphoreType.DMA,
            pltpu.SemaphoreType.DMA,
        ],
    )(sf, idx_c, w_c)

    out2d = pl.pallas_call(
        _bn_add_body,
        grid=(M2 // 1024,),
        in_specs=[
            pl.BlockSpec((1024, DOUT), lambda i: (i, 0)),
            pl.BlockSpec((1, DOUT), lambda i: (0, 0)),
            pl.BlockSpec((1, DOUT), lambda i: (0, 0)),
            pl.BlockSpec((1, DOUT), lambda i: (0, 0)),
            pl.BlockSpec((1, DOUT), lambda i: (0, 0)),
            pl.BlockSpec((1024, DOUT), lambda i: (i, 0)),
        ],
        out_specs=pl.BlockSpec((1024, DOUT), lambda i: (i, 0)),
        out_shape=jax.ShapeDtypeStruct((M2, DOUT), f32),
    )(y2, s2, ss2, row(g2), row(be2), interp)

    return (out2d.reshape(B, N, DOUT), skip_xyz)

# --- scband reference (transcript-rebuilt; emitter-appended) ---
"""Pipeline reference for scband-transition-up-71820443124433 (READ-ONLY COPY).

The authoritative reference and input builder live on the scoring server;
editing this copy changes nothing except your own understanding.
"""

import jax, jax.numpy as jnp
import numpy as np

B, S, N = 8, 1024, 4096
DIN, DOUT = 512, 256
EPS = 1e-5

def setup_inputs(seed: int = 0) -> dict:
    key = jax.random.key(seed)
    ks = jax.random.split(key, 8)
    return {
        "sample_feature": jax.random.normal(ks[0], (B, S, DIN), jnp.float32),
        "sample_xyz": jax.random.uniform(ks[1], (B, S, 3), jnp.float32),
        "skip_feature": jax.random.normal(ks[2], (B, N, DOUT), jnp.float32),
        "skip_xyz": jax.random.uniform(ks[3], (B, N, 3), jnp.float32),
        "W1": jax.random.normal(ks[4], (DOUT, DIN), jnp.float32) / np.sqrt(DIN),
        "b1": jnp.zeros((DOUT,), jnp.float32),
        "g1": jnp.ones((DOUT,), jnp.float32),
        "be1": jnp.zeros((DOUT,), jnp.float32),
        "W2": jax.random.normal(ks[5], (DOUT, DOUT), jnp.float32) / np.sqrt(DOUT),
        "b2": jnp.zeros((DOUT,), jnp.float32),
        "g2": jnp.ones((DOUT,), jnp.float32),
        "be2": jnp.zeros((DOUT,), jnp.float32),
    }

def _conv_bn_relu(x, W, b, gamma, beta):
    # 1x1 Conv1d over channel dim == pointwise linear; BatchNorm1d in training mode
    y = jnp.einsum('bnc,dc->bnd', x, W) + b
    mean = jnp.mean(y, axis=(0, 1))
    var = jnp.var(y, axis=(0, 1))
    y = gamma * (y - mean) / jnp.sqrt(var + EPS) + beta
    return jax.nn.relu(y)

def _trilinear_interpolation(sample_feature, sample_xyz, skip_xyz):
    # three-NN inverse-distance-weighted interpolation (PointNet++ style)
    d2 = jnp.sum((skip_xyz[:, :, None, :] - sample_xyz[:, None, :, :]) ** 2, axis=-1)  # [B,N,S]
    neg_vals, idx = jax.lax.top_k(-d2, 3)  # 3 nearest neighbors
    dists = -neg_vals  # [B,N,3]
    recip = 1.0 / (dists + 1e-8)
    w = recip / jnp.sum(recip, axis=-1, keepdims=True)  # [B,N,3]
    gathered = jax.vmap(lambda f, i: f[i])(sample_feature, idx)  # [B,N,3,C]
    return jnp.sum(gathered * w[..., None], axis=2)  # [B,N,C]

def reference(sample_feature, sample_xyz, skip_feature, skip_xyz,
              W1, b1, g1, be1, W2, b2, g2, be2):
    sf = _conv_bn_relu(sample_feature, W1, b1, g1, be1)
    unpooled = _trilinear_interpolation(sf, sample_xyz, skip_xyz)
    sk = _conv_bn_relu(skip_feature, W2, b2, g2, be2)
    unpooled = unpooled + sk
    return (unpooled, skip_xyz)

if __name__ == "__main__":
    import jax
    _d = setup_inputs()
    print(jax.jit(kernel)(*tuple(_d.values())))

</pallas_src>

<mosaic_0001>
#map = affine_map<(d0, d1) -> (0, 0)>
#map1 = affine_map<(d0, d1) -> (0, 0, 0)>
module attributes {stable_mosaic.version = 14 : i64} {
  func.func @_sc_interp(%arg0: i32, %arg1: i32, %arg2: memref<8192x256xf32, #tpu.memory_space<hbm>>, %arg3: memref<512x3x64xi32, #tpu.memory_space<hbm>>, %arg4: memref<512x3x80xf32, #tpu.memory_space<hbm>>, %arg5: memref<32768x256xf32, #tpu.memory_space<hbm>>, %arg6: memref<3x64xi32, #tpu.memory_space<vmem>>, %arg7: memref<3x64xi32, #tpu.memory_space<vmem>>, %arg8: memref<3x80xf32, #tpu.memory_space<vmem>>, %arg9: memref<3x80xf32, #tpu.memory_space<vmem>>, %arg10: memref<64x256xf32, #tpu.memory_space<vmem>>, %arg11: memref<64x256xf32, #tpu.memory_space<vmem>>, %arg12: memref<64x256xf32, #tpu.memory_space<vmem>>, %arg13: memref<64x256xf32, #tpu.memory_space<vmem>>, %arg14: memref<64x256xf32, #tpu.memory_space<vmem>>, %arg15: memref<64x256xf32, #tpu.memory_space<vmem>>, %arg16: memref<64x256xf32, #tpu.memory_space<vmem>>, %arg17: memref<!tpu.dma_semaphore, #tpu.memory_space<semaphore_mem>>, %arg18: memref<!tpu.dma_semaphore, #tpu.memory_space<semaphore_mem>>, %arg19: memref<!tpu.dma_semaphore, #tpu.memory_space<semaphore_mem>>, %arg20: memref<!tpu.dma_semaphore, #tpu.memory_space<semaphore_mem>>, %arg21: memref<!tpu.dma_semaphore, #tpu.memory_space<semaphore_mem>>, %arg22: memref<!tpu.dma_semaphore, #tpu.memory_space<semaphore_mem>>) attributes {dimension_semantics = [#tpu.dimension_semantics<core_parallel>, #tpu.dimension_semantics<subcore_parallel>], iteration_bounds = array<i64: 2, 16>, scalar_prefetch = 0 : i64, scratch_operands = 17 : i64, tpu.core_type = #tpu.core_type<sc_vector_subcore>, window_params = [{transform_indices = #map}, {transform_indices = #map1}, {transform_indices = #map1}, {transform_indices = #map}]} {
    %mul3A = arith.constant 2 : i32
    %mul3A_0 = arith.muli %arg1, %mul3A : i32
    %add3A = arith.addi %mul3A_0, %arg0 : i32
    %mul3A_1 = arith.constant 16 : i32
    %mul3A_2 = arith.muli %add3A, %mul3A_1 : i32
    "tpu.region"() ({
      %run_scoped3A = tpu.sem_alloc : memref<!tpu.dma_semaphore, #tpu.memory_space<semaphore_mem>>
      %dma_start3A_28 = arith.constant 0 : i32
      %dma_start3A_29 = arith.constant 0 : i32
      %dma_start3A_30 = tpu.memref_slice %arg3[%mul3A_2, %dma_start3A_28, %dma_start3A_29] : memref<512x3x64xi32, #tpu.memory_space<hbm>> -> memref<1x3x64xi32, #tpu.memory_space<hbm>>
      %dma_start3A_31 = tpu.memref_squeeze %dma_start3A_30 : memref<1x3x64xi32, #tpu.memory_space<hbm>> -> memref<3x64xi32, #tpu.memory_space<hbm>>
      %dma_start3A_32 = arith.constant 0 : i32
      %dma_start3A_33 = arith.constant 0 : i32
      %dma_start3A_34 = tpu.memref_slice %arg3[%mul3A_2, %dma_start3A_32, %dma_start3A_33] : memref<512x3x64xi32, #tpu.memory_space<hbm>> -> memref<1x3x64xi32, #tpu.memory_space<hbm>>
      %dma_start3A_35 = tpu.memref_squeeze %dma_start3A_34 : memref<1x3x64xi32, #tpu.memory_space<hbm>> -> memref<3x64xi32, #tpu.memory_space<hbm>>
      tpu.enqueue_dma source(%dma_start3A_35 : memref<3x64xi32, #tpu.memory_space<hbm>>) target(%arg6 : memref<3x64xi32, #tpu.memory_space<vmem>>) target_semaphore(%run_scoped3A : memref<!tpu.dma_semaphore, #tpu.memory_space<semaphore_mem>>)
      %dma_wait3A = arith.constant 0 : i32
      %dma_wait3A_36 = arith.constant 0 : i32
      %dma_wait3A_37 = tpu.memref_slice %arg3[%mul3A_2, %dma_wait3A, %dma_wait3A_36] : memref<512x3x64xi32, #tpu.memory_space<hbm>> -> memref<1x3x64xi32, #tpu.memory_space<hbm>>
      %dma_wait3A_38 = tpu.memref_squeeze %dma_wait3A_37 : memref<1x3x64xi32, #tpu.memory_space<hbm>> -> memref<3x64xi32, #tpu.memory_space<hbm>>
      %dma_wait3A_39 = arith.constant 0 : i32
      %dma_wait3A_40 = arith.constant 0 : i32
      %dma_wait3A_41 = tpu.memref_slice %arg3[%mul3A_2, %dma_wait3A_39, %dma_wait3A_40] : memref<512x3x64xi32, #tpu.memory_space<hbm>> -> memref<1x3x64xi32, #tpu.memory_space<hbm>>
      %dma_wait3A_42 = tpu.memref_squeeze %dma_wait3A_41 : memref<1x3x64xi32, #tpu.memory_space<hbm>> -> memref<3x64xi32, #tpu.memory_space<hbm>>
      tpu.wait_dma2 semaphore(%run_scoped3A : memref<!tpu.dma_semaphore, #tpu.memory_space<semaphore_mem>>) src(%dma_wait3A_42 : memref<3x64xi32, #tpu.memory_space<hbm>>) dst(%arg6 : memref<3x64xi32, #tpu.memory_space<vmem>>)
      tpu.yield
    }) : () -> ()
    "tpu.region"() ({
      %run_scoped3A = tpu.sem_alloc : memref<!tpu.dma_semaphore, #tpu.memory_space<semaphore_mem>>
      %dma_start3A_28 = arith.constant 0 : i32
      %dma_start3A_29 = arith.constant 0 : i32
      %dma_start3A_30 = tpu.memref_slice %arg4[%mul3A_2, %dma_start3A_28, %dma_start3A_29] : memref<512x3x80xf32, #tpu.memory_space<hbm>> -> memref<1x3x80xf32, #tpu.memory_space<hbm>>
      %dma_start3A_31 = tpu.memref_squeeze %dma_start3A_30 : memref<1x3x80xf32, #tpu.memory_space<hbm>> -> memref<3x80xf32, #tpu.memory_space<hbm>>
      %dma_start3A_32 = arith.constant 0 : i32
      %dma_start3A_33 = arith.constant 0 : i32
      %dma_start3A_34 = tpu.memref_slice %arg4[%mul3A_2, %dma_start3A_32, %dma_start3A_33] : memref<512x3x80xf32, #tpu.memory_space<hbm>> -> memref<1x3x80xf32, #tpu.memory_space<hbm>>
      %dma_start3A_35 = tpu.memref_squeeze %dma_start3A_34 : memref<1x3x80xf32, #tpu.memory_space<hbm>> -> memref<3x80xf32, #tpu.memory_space<hbm>>
      tpu.enqueue_dma source(%dma_start3A_35 : memref<3x80xf32, #tpu.memory_space<hbm>>) target(%arg8 : memref<3x80xf32, #tpu.memory_space<vmem>>) target_semaphore(%run_scoped3A : memref<!tpu.dma_semaphore, #tpu.memory_space<semaphore_mem>>)
      %dma_wait3A = arith.constant 0 : i32
      %dma_wait3A_36 = arith.constant 0 : i32
      %dma_wait3A_37 = tpu.memref_slice %arg4[%mul3A_2, %dma_wait3A, %dma_wait3A_36] : memref<512x3x80xf32, #tpu.memory_space<hbm>> -> memref<1x3x80xf32, #tpu.memory_space<hbm>>
      %dma_wait3A_38 = tpu.memref_squeeze %dma_wait3A_37 : memref<1x3x80xf32, #tpu.memory_space<hbm>> -> memref<3x80xf32, #tpu.memory_space<hbm>>
      %dma_wait3A_39 = arith.constant 0 : i32
      %dma_wait3A_40 = arith.constant 0 : i32
      %dma_wait3A_41 = tpu.memref_slice %arg4[%mul3A_2, %dma_wait3A_39, %dma_wait3A_40] : memref<512x3x80xf32, #tpu.memory_space<hbm>> -> memref<1x3x80xf32, #tpu.memory_space<hbm>>
      %dma_wait3A_42 = tpu.memref_squeeze %dma_wait3A_41 : memref<1x3x80xf32, #tpu.memory_space<hbm>> -> memref<3x80xf32, #tpu.memory_space<hbm>>
      tpu.wait_dma2 semaphore(%run_scoped3A : memref<!tpu.dma_semaphore, #tpu.memory_space<semaphore_mem>>) src(%dma_wait3A_42 : memref<3x80xf32, #tpu.memory_space<hbm>>) dst(%arg8 : memref<3x80xf32, #tpu.memory_space<vmem>>)
      tpu.yield
    }) : () -> ()
    %dma_start3A = arith.constant 0 : i32
    %dma_start3A_3 = arith.constant 0 : i32
    %dma_start3A_4 = tpu.memref_slice %arg6[%dma_start3A, %dma_start3A_3] : memref<3x64xi32, #tpu.memory_space<vmem>> -> memref<1x64xi32, #tpu.memory_space<vmem>>
    %dma_start3A_5 = tpu.memref_squeeze %dma_start3A_4 : memref<1x64xi32, #tpu.memory_space<vmem>> -> memref<64xi32, #tpu.memory_space<vmem>>
    %dma_start3A_6 = arith.constant 0 : i32
    %dma_start3A_7 = arith.constant 0 : i32
    %dma_start3A_8 = tpu.memref_slice %arg2[%dma_start3A_6, %dma_start3A_7] : memref<8192x256xf32, #tpu.memory_space<hbm>> -> memref<8192x256xf32, #tpu.memory_space<hbm>>
    tpu.enqueue_indirect_dma source(%dma_start3A_8 : memref<8192x256xf32, #tpu.memory_space<hbm>>) target(%arg10 : memref<64x256xf32, #tpu.memory_space<vmem>>) offsets(%dma_start3A_5 : memref<64xi32, #tpu.memory_space<vmem>>) semaphore(%arg17 : memref<!tpu.dma_semaphore, #tpu.memory_space<semaphore_mem>>)
    %dma_start3A_9 = arith.constant 1 : i32
    %dma_start3A_10 = arith.constant 0 : i32
    %dma_start3A_11 = tpu.memref_slice %arg6[%dma_start3A_9, %dma_start3A_10] : memref<3x64xi32, #tpu.memory_space<vmem>> -> memref<1x64xi32, #tpu.memory_space<vmem>>
    %dma_start3A_12 = tpu.memref_squeeze %dma_start3A_11 : memref<1x64xi32, #tpu.memory_space<vmem>> -> memref<64xi32, #tpu.memory_space<vmem>>
    %dma_start3A_13 = arith.constant 0 : i32
    %dma_start3A_14 = arith.constant 0 : i32
    %dma_start3A_15 = tpu.memref_slice %arg2[%dma_start3A_13, %dma_start3A_14] : memref<8192x256xf32, #tpu.memory_space<hbm>> -> memref<8192x256xf32, #tpu.memory_space<hbm>>
    tpu.enqueue_indirect_dma source(%dma_start3A_15 : memref<8192x256xf32, #tpu.memory_space<hbm>>) target(%arg11 : memref<64x256xf32, #tpu.memory_space<vmem>>) offsets(%dma_start3A_12 : memref<64xi32, #tpu.memory_space<vmem>>) semaphore(%arg18 : memref<!tpu.dma_semaphore, #tpu.memory_space<semaphore_mem>>)
    %dma_start3A_16 = arith.constant 2 : i32
    %dma_start3A_17 = arith.constant 0 : i32
    %dma_start3A_18 = tpu.memref_slice %arg6[%dma_start3A_16, %dma_start3A_17] : memref<3x64xi32, #tpu.memory_space<vmem>> -> memref<1x64xi32, #tpu.memory_space<vmem>>
    %dma_start3A_19 = tpu.memref_squeeze %dma_start3A_18 : memref<1x64xi32, #tpu.memory_space<vmem>> -> memref<64xi32, #tpu.memory_space<vmem>>
    %dma_start3A_20 = arith.constant 0 : i32
    %dma_start3A_21 = arith.constant 0 : i32
    %dma_start3A_22 = tpu.memref_slice %arg2[%dma_start3A_20, %dma_start3A_21] : memref<8192x256xf32, #tpu.memory_space<hbm>> -> memref<8192x256xf32, #tpu.memory_space<hbm>>
    tpu.enqueue_indirect_dma source(%dma_start3A_22 : memref<8192x256xf32, #tpu.memory_space<hbm>>) target(%arg12 : memref<64x256xf32, #tpu.memory_space<vmem>>) offsets(%dma_start3A_19 : memref<64xi32, #tpu.memory_space<vmem>>) semaphore(%arg19 : memref<!tpu.dma_semaphore, #tpu.memory_space<semaphore_mem>>)
    %scan3A = arith.constant 0 : i32
    %scan3A_23 = arith.constant 0 : i32
    %scan3A_24 = arith.constant 8 : i32
    %scan3A_25 = arith.addi %scan3A_23, %scan3A_24 : i32
    %scan3A_26 = arith.constant 1 : i32
    scf.for %scan3A_28 = %scan3A_23 to %scan3A_25 step %scan3A_26  : i32 {
      %mul3A_29 = arith.constant 2 : i32
      %mul3A_30 = arith.muli %mul3A_29, %scan3A_28 : i32
      %add3A_31 = arith.constant 0 : i32
      %add3A_32 = arith.addi %mul3A_30, %add3A_31 : i32
      %add3A_33 = arith.addi %mul3A_2, %add3A_32 : i32
      %add3A_34 = arith.constant 1 : i32
      %add3A_35 = arith.addi %add3A_32, %add3A_34 : i32
      %lt3A = arith.constant 16 : i32
      %lt3A_36 = arith.cmpi slt, %add3A_35, %lt3A : i32
      %convert_element_type3A = arith.extui %lt3A_36 : i1 to i32
      %cond3A = arith.constant 0 : i32
      %cond3A_37 = arith.cmpi ne, %convert_element_type3A, %cond3A : i32
      scf.if %cond3A_37 {
        %add3A_107 = arith.constant 1 : i32
        %add3A_108 = arith.addi %add3A_33, %add3A_107 : i32
        "tpu.region"() ({
          %run_scoped3A = tpu.sem_alloc : memref<!tpu.dma_semaphore, #tpu.memory_space<semaphore_mem>>
          %dma_start3A_130 = arith.constant 0 : i32
          %dma_start3A_131 = arith.constant 0 : i32
          %dma_start3A_132 = tpu.memref_slice %arg3[%add3A_108, %dma_start3A_130, %dma_start3A_131] : memref<512x3x64xi32, #tpu.memory_space<hbm>> -> memref<1x3x64xi32, #tpu.memory_space<hbm>>
          %dma_start3A_133 = tpu.memref_squeeze %dma_start3A_132 : memref<1x3x64xi32, #tpu.memory_space<hbm>> -> memref<3x64xi32, #tpu.memory_space<hbm>>
          %dma_start3A_134 = arith.constant 0 : i32
          %dma_start3A_135 = arith.constant 0 : i32
          %dma_start3A_136 = tpu.memref_slice %arg3[%add3A_108, %dma_start3A_134, %dma_start3A_135] : memref<512x3x64xi32, #tpu.memory_space<hbm>> -> memref<1x3x64xi32, #tpu.memory_space<hbm>>
          %dma_start3A_137 = tpu.memref_squeeze %dma_start3A_136 : memref<1x3x64xi32, #tpu.memory_space<hbm>> -> memref<3x64xi32, #tpu.memory_space<hbm>>
          tpu.enqueue_dma source(%dma_start3A_137 : memref<3x64xi32, #tpu.memory_space<hbm>>) target(%arg7 : memref<3x64xi32, #tpu.memory_space<vmem>>) target_semaphore(%run_scoped3A : memref<!tpu.dma_semaphore, #tpu.memory_space<semaphore_mem>>)
          %dma_wait3A_138 = arith.constant 0 : i32
          %dma_wait3A_139 = arith.constant 0 : i32
          %dma_wait3A_140 = tpu.memref_slice %arg3[%add3A_108, %dma_wait3A_138, %dma_wait3A_139] : memref<512x3x64xi32, #tpu.memory_space<hbm>> -> memref<1x3x64xi32, #tpu.memory_space<hbm>>
          %dma_wait3A_141 = tpu.memref_squeeze %dma_wait3A_140 : memref<1x3x64xi32, #tpu.memory_space<hbm>> -> memref<3x64xi32, #tpu.memory_space<hbm>>
          %dma_wait3A_142 = arith.constant 0 : i32
          %dma_wait3A_143 = arith.constant 0 : i32
          %dma_wait3A_144 = tpu.memref_slice %arg3[%add3A_108, %dma_wait3A_142, %dma_wait3A_143] : memref<512x3x64xi32, #tpu.memory_space<hbm>> -> memref<1x3x64xi32, #tpu.memory_space<hbm>>
          %dma_wait3A_145 = tpu.memref_squeeze %dma_wait3A_144 : memref<1x3x64xi32, #tpu.memory_space<hbm>> -> memref<3x64xi32, #tpu.memory_space<hbm>>
          tpu.wait_dma2 semaphore(%run_scoped3A : memref<!tpu.dma_semaphore, #tpu.memory_space<semaphore_mem>>) src(%dma_wait3A_145 : memref<3x64xi32, #tpu.memory_space<hbm>>) dst(%arg7 : memref<3x64xi32, #tpu.memory_space<vmem>>)
          tpu.yield
        }) : () -> ()
        "tpu.region"() ({
          %run_scoped3A = tpu.sem_alloc : memref<!tpu.dma_semaphore, #tpu.memory_space<semaphore_mem>>
          %dma_start3A_130 = arith.constant 0 : i32
          %dma_start3A_131 = arith.constant 0 : i32
          %dma_start3A_132 = tpu.memref_slice %arg4[%add3A_108, %dma_start3A_130, %dma_start3A_131] : memref<512x3x80xf32, #tpu.memory_space<hbm>> -> memref<1x3x80xf32, #tpu.memory_space<hbm>>
          %dma_start3A_133 = tpu.memref_squeeze %dma_start3A_132 : memref<1x3x80xf32, #tpu.memory_space<hbm>> -> memref<3x80xf32, #tpu.memory_space<hbm>>
          %dma_start3A_134 = arith.constant 0 : i32
          %dma_start3A_135 = arith.constant 0 : i32
          %dma_start3A_136 = tpu.memref_slice %arg4[%add3A_108, %dma_start3A_134, %dma_start3A_135] : memref<512x3x80xf32, #tpu.memory_space<hbm>> -> memref<1x3x80xf32, #tpu.memory_space<hbm>>
          %dma_start3A_137 = tpu.memref_squeeze %dma_start3A_136 : memref<1x3x80xf32, #tpu.memory_space<hbm>> -> memref<3x80xf32, #tpu.memory_space<hbm>>
          tpu.enqueue_dma source(%dma_start3A_137 : memref<3x80xf32, #tpu.memory_space<hbm>>) target(%arg9 : memref<3x80xf32, #tpu.memory_space<vmem>>) target_semaphore(%run_scoped3A : memref<!tpu.dma_semaphore, #tpu.memory_space<semaphore_mem>>)
          %dma_wait3A_138 = arith.constant 0 : i32
          %dma_wait3A_139 = arith.constant 0 : i32
          %dma_wait3A_140 = tpu.memref_slice %arg4[%add3A_108, %dma_wait3A_138, %dma_wait3A_139] : memref<512x3x80xf32, #tpu.memory_space<hbm>> -> memref<1x3x80xf32, #tpu.memory_space<hbm>>
          %dma_wait3A_141 = tpu.memref_squeeze %dma_wait3A_140 : memref<1x3x80xf32, #tpu.memory_space<hbm>> -> memref<3x80xf32, #tpu.memory_space<hbm>>
          %dma_wait3A_142 = arith.constant 0 : i32
          %dma_wait3A_143 = arith.constant 0 : i32
          %dma_wait3A_144 = tpu.memref_slice %arg4[%add3A_108, %dma_wait3A_142, %dma_wait3A_143] : memref<512x3x80xf32, #tpu.memory_space<hbm>> -> memref<1x3x80xf32, #tpu.memory_space<hbm>>
          %dma_wait3A_145 = tpu.memref_squeeze %dma_wait3A_144 : memref<1x3x80xf32, #tpu.memory_space<hbm>> -> memref<3x80xf32, #tpu.memory_space<hbm>>
          tpu.wait_dma2 semaphore(%run_scoped3A : memref<!tpu.dma_semaphore, #tpu.memory_space<semaphore_mem>>) src(%dma_wait3A_145 : memref<3x80xf32, #tpu.memory_space<hbm>>) dst(%arg9 : memref<3x80xf32, #tpu.memory_space<vmem>>)
          tpu.yield
        }) : () -> ()
        %dma_start3A_109 = arith.constant 0 : i32
        %dma_start3A_110 = arith.constant 0 : i32
        %dma_start3A_111 = tpu.memref_slice %arg7[%dma_start3A_109, %dma_start3A_110] : memref<3x64xi32, #tpu.memory_space<vmem>> -> memref<1x64xi32, #tpu.memory_space<vmem>>
        %dma_start3A_112 = tpu.memref_squeeze %dma_start3A_111 : memref<1x64xi32, #tpu.memory_space<vmem>> -> memref<64xi32, #tpu.memory_space<vmem>>
        %dma_start3A_113 = arith.constant 0 : i32
        %dma_start3A_114 = arith.constant 0 : i32
        %dma_start3A_115 = tpu.memref_slice %arg2[%dma_start3A_113, %dma_start3A_114] : memref<8192x256xf32, #tpu.memory_space<hbm>> -> memref<8192x256xf32, #tpu.memory_space<hbm>>
        tpu.enqueue_indirect_dma source(%dma_start3A_115 : memref<8192x256xf32, #tpu.memory_space<hbm>>) target(%arg13 : memref<64x256xf32, #tpu.memory_space<vmem>>) offsets(%dma_start3A_112 : memref<64xi32, #tpu.memory_space<vmem>>) semaphore(%arg20 : memref<!tpu.dma_semaphore, #tpu.memory_space<semaphore_mem>>)
        %dma_start3A_116 = arith.constant 1 : i32
        %dma_start3A_117 = arith.constant 0 : i32
        %dma_start3A_118 = tpu.memref_slice %arg7[%dma_start3A_116, %dma_start3A_117] : memref<3x64xi32, #tpu.memory_space<vmem>> -> memref<1x64xi32, #tpu.memory_space<vmem>>
        %dma_start3A_119 = tpu.memref_squeeze %dma_start3A_118 : memref<1x64xi32, #tpu.memory_space<vmem>> -> memref<64xi32, #tpu.memory_space<vmem>>
        %dma_start3A_120 = arith.constant 0 : i32
        %dma_start3A_121 = arith.constant 0 : i32
        %dma_start3A_122 = tpu.memref_slice %arg2[%dma_start3A_120, %dma_start3A_121] : memref<8192x256xf32, #tpu.memory_space<hbm>> -> memref<8192x256xf32, #tpu.memory_space<hbm>>
        tpu.enqueue_indirect_dma source(%dma_start3A_122 : memref<8192x256xf32, #tpu.memory_space<hbm>>) target(%arg14 : memref<64x256xf32, #tpu.memory_space<vmem>>) offsets(%dma_start3A_119 : memref<64xi32, #tpu.memory_space<vmem>>) semaphore(%arg21 : memref<!tpu.dma_semaphore, #tpu.memory_space<semaphore_mem>>)
        %dma_start3A_123 = arith.constant 2 : i32
        %dma_start3A_124 = arith.constant 0 : i32
        %dma_start3A_125 = tpu.memref_slice %arg7[%dma_start3A_123, %dma_start3A_124] : memref<3x64xi32, #tpu.memory_space<vmem>> -> memref<1x64xi32, #tpu.memory_space<vmem>>
        %dma_start3A_126 = tpu.memref_squeeze %dma_start3A_125 : memref<1x64xi32, #tpu.memory_space<vmem>> -> memref<64xi32, #tpu.memory_space<vmem>>
        %dma_start3A_127 = arith.constant 0 : i32
        %dma_start3A_128 = arith.constant 0 : i32
        %dma_start3A_129 = tpu.memref_slice %arg2[%dma_start3A_127, %dma_start3A_128] : memref<8192x256xf32, #tpu.memory_space<hbm>> -> memref<8192x256xf32, #tpu.memory_space<hbm>>
        tpu.enqueue_indirect_dma source(%dma_start3A_129 : memref<8192x256xf32, #tpu.memory_space<hbm>>) target(%arg15 : memref<64x256xf32, #tpu.memory_space<vmem>>) offsets(%dma_start3A_126 : memref<64xi32, #tpu.memory_space<vmem>>) semaphore(%arg22 : memref<!tpu.dma_semaphore, #tpu.memory_space<semaphore_mem>>)
      } else {
      }
      %dma_wait3A = arith.constant 0 : i32
      %dma_wait3A_38 = arith.constant 0 : i32
      %dma_wait3A_39 = tpu.memref_slice %arg6[%dma_wait3A, %dma_wait3A_38] : memref<3x64xi32, #tpu.memory_space<vmem>> -> memref<1x64xi32, #tpu.memory_space<vmem>>
      %dma_wait3A_40 = tpu.memref_squeeze %dma_wait3A_39 : memref<1x64xi32, #tpu.memory_space<vmem>> -> memref<64xi32, #tpu.memory_space<vmem>>
      %dma_wait3A_41 = arith.constant 0 : i32
      %dma_wait3A_42 = arith.constant 0 : i32
      %dma_wait3A_43 = tpu.memref_slice %arg2[%dma_wait3A_41, %dma_wait3A_42] : memref<8192x256xf32, #tpu.memory_space<hbm>> -> memref<8192x256xf32, #tpu.memory_space<hbm>>
      tpu.wait_indirect_dma semaphore(%arg17 : memref<!tpu.dma_semaphore, #tpu.memory_space<semaphore_mem>>) src(%dma_wait3A_43 : memref<8192x256xf32, #tpu.memory_space<hbm>>) dst(%arg10 : memref<64x256xf32, #tpu.memory_space<vmem>>)
      %dma_wait3A_44 = arith.constant 1 : i32
      %dma_wait3A_45 = arith.constant 0 : i32
      %dma_wait3A_46 = tpu.memref_slice %arg6[%dma_wait3A_44, %dma_wait3A_45] : memref<3x64xi32, #tpu.memory_space<vmem>> -> memref<1x64xi32, #tpu.memory_space<vmem>>
      %dma_wait3A_47 = tpu.memref_squeeze %dma_wait3A_46 : memref<1x64xi32, #tpu.memory_space<vmem>> -> memref<64xi32, #tpu.memory_space<vmem>>
      %dma_wait3A_48 = arith.constant 0 : i32
      %dma_wait3A_49 = arith.constant 0 : i32
      %dma_wait3A_50 = tpu.memref_slice %arg2[%dma_wait3A_48, %dma_wait3A_49] : memref<8192x256xf32, #tpu.memory_space<hbm>> -> memref<8192x256xf32, #tpu.memory_space<hbm>>
      tpu.wait_indirect_dma semaphore(%arg18 : memref<!tpu.dma_semaphore, #tpu.memory_space<semaphore_mem>>) src(%dma_wait3A_50 : memref<8192x256xf32, #tpu.memory_space<hbm>>) dst(%arg11 : memref<64x256xf32, #tpu.memory_space<vmem>>)
      %dma_wait3A_51 = arith.constant 2 : i32
      %dma_wait3A_52 = arith.constant 0 : i32
      %dma_wait3A_53 = tpu.memref_slice %arg6[%dma_wait3A_51, %dma_wait3A_52] : memref<3x64xi32, #tpu.memory_space<vmem>> -> memref<1x64xi32, #tpu.memory_space<vmem>>
      %dma_wait3A_54 = tpu.memref_squeeze %dma_wait3A_53 : memref<1x64xi32, #tpu.memory_space<vmem>> -> memref<64xi32, #tpu.memory_space<vmem>>
      %dma_wait3A_55 = arith.constant 0 : i32
      %dma_wait3A_56 = arith.constant 0 : i32
      %dma_wait3A_57 = tpu.memref_slice %arg2[%dma_wait3A_55, %dma_wait3A_56] : memref<8192x256xf32, #tpu.memory_space<hbm>> -> memref<8192x256xf32, #tpu.memory_space<hbm>>
      tpu.wait_indirect_dma semaphore(%arg19 : memref<!tpu.dma_semaphore, #tpu.memory_space<semaphore_mem>>) src(%dma_wait3A_57 : memref<8192x256xf32, #tpu.memory_space<hbm>>) dst(%arg12 : memref<64x256xf32, #tpu.memory_space<vmem>>)
      %scan3A_58 = arith.constant 0 : i32
      %scan3A_59 = arith.constant 0 : i32
      %scan3A_60 = arith.constant 64 : i32
      %scan3A_61 = arith.addi %scan3A_59, %scan3A_60 : i32
      %scan3A_62 = arith.constant 1 : i32
      scf.for %scan3A_107 = %scan3A_59 to %scan3A_61 step %scan3A_62  : i32 {
        %get3A = arith.constant 0 : i32
        %get3A_108 = arith.index_cast %get3A : i32 to index
        %get3A_109 = arith.index_cast %scan3A_107 : i32 to index
        %get3A_110 = tpu.vector_load %arg8[%get3A_108, %get3A_109] {strides = array<i32>} : memref<3x80xf32, #tpu.memory_space<vmem>>, vector<1x16xf32>,
        %get3A_111 = vector.shape_cast %get3A_110 : vector<1x16xf32> to vector<16xf32>
        %slice3A = vector.extract_strided_slice %get3A_111 {offsets = [0], sizes = [1], strides = [1]} : vector<16xf32> to vector<1xf32>
        %squeeze3A = vector.extract %slice3A[0] : f32 from vector<1xf32>
        %get3A_112 = arith.constant 1 : i32
        %get3A_113 = arith.index_cast %get3A_112 : i32 to index
        %get3A_114 = arith.index_cast %scan3A_107 : i32 to index
        %get3A_115 = tpu.vector_load %arg8[%get3A_113, %get3A_114] {strides = array<i32>} : memref<3x80xf32, #tpu.memory_space<vmem>>, vector<1x16xf32>,
        %get3A_116 = vector.shape_cast %get3A_115 : vector<1x16xf32> to vector<16xf32>
        %slice3A_117 = vector.extract_strided_slice %get3A_116 {offsets = [0], sizes = [1], strides = [1]} : vector<16xf32> to vector<1xf32>
        %squeeze3A_118 = vector.extract %slice3A_117[0] : f32 from vector<1xf32>
        %get3A_119 = arith.constant 2 : i32
        %get3A_120 = arith.index_cast %get3A_119 : i32 to index
        %get3A_121 = arith.index_cast %scan3A_107 : i32 to index
        %get3A_122 = tpu.vector_load %arg8[%get3A_120, %get3A_121] {strides = array<i32>} : memref<3x80xf32, #tpu.memory_space<vmem>>, vector<1x16xf32>,
        %get3A_123 = vector.shape_cast %get3A_122 : vector<1x16xf32> to vector<16xf32>
        %slice3A_124 = vector.extract_strided_slice %get3A_123 {offsets = [0], sizes = [1], strides = [1]} : vector<16xf32> to vector<1xf32>
        %squeeze3A_125 = vector.extract %slice3A_124[0] : f32 from vector<1xf32>
        %get3A_126 = arith.index_cast %scan3A_107 : i32 to index
        %get3A_127 = arith.constant 0 : index
        %get3A_128 = tpu.vector_load %arg10[%get3A_126, %get3A_127] {strides = array<i32>} : memref<64x256xf32, #tpu.memory_space<vmem>>, vector<1x16xf32>,
        %get3A_129 = vector.shape_cast %get3A_128 : vector<1x16xf32> to vector<16xf32>
        %mul3A_130 = vector.broadcast %squeeze3A : f32 to vector<16xf32>
        %mul3A_131 = arith.mulf %get3A_129, %mul3A_130 : vector<16xf32>
        %get3A_132 = arith.index_cast %scan3A_107 : i32 to index
        %get3A_133 = arith.constant 0 : index
        %get3A_134 = tpu.vector_load %arg11[%get3A_132, %get3A_133] {strides = array<i32>} : memref<64x256xf32, #tpu.memory_space<vmem>>, vector<1x16xf32>,
        %get3A_135 = vector.shape_cast %get3A_134 : vector<1x16xf32> to vector<16xf32>
        %mul3A_136 = vector.broadcast %squeeze3A_118 : f32 to vector<16xf32>
        %mul3A_137 = arith.mulf %get3A_135, %mul3A_136 : vector<16xf32>
        %add3A_138 = arith.addf %mul3A_131, %mul3A_137 : vector<16xf32>
        %get3A_139 = arith.index_cast %scan3A_107 : i32 to index
        %get3A_140 = arith.constant 0 : index
        %get3A_141 = tpu.vector_load %arg12[%get3A_139, %get3A_140] {strides = array<i32>} : memref<64x256xf32, #tpu.memory_space<vmem>>, vector<1x16xf32>,
        %get3A_142 = vector.shape_cast %get3A_141 : vector<1x16xf32> to vector<16xf32>
        %mul3A_143 = vector.broadcast %squeeze3A_125 : f32 to vector<16xf32>
        %mul3A_144 = arith.mulf %get3A_142, %mul3A_143 : vector<16xf32>
        %add3A_145 = arith.addf %add3A_138, %mul3A_144 : vector<16xf32>
        %swap3A = arith.index_cast %scan3A_107 : i32 to index
        %swap3A_146 = arith.constant 0 : index
        %swap3A_147 = tpu.vector_load %arg16[%swap3A, %swap3A_146] {strides = array<i32>} : memref<64x256xf32, #tpu.memory_space<vmem>>, vector<1x16xf32>,
        %swap3A_148 = vector.shape_cast %swap3A_147 : vector<1x16xf32> to vector<16xf32>
        %swap3A_149 = vector.shape_cast %add3A_145 : vector<16xf32> to vector<1x16xf32>
        tpu.vector_store %arg16[%swap3A, %swap3A_146], %swap3A_149 {strides = array<i32>} : memref<64x256xf32, #tpu.memory_space<vmem>>, vector<1x16xf32>,
        %get3A_150 = arith.index_cast %scan3A_107 : i32 to index
        %get3A_151 = arith.constant 16 : index
        %get3A_152 = tpu.vector_load %arg10[%get3A_150, %get3A_151] {strides = array<i32>} : memref<64x256xf32, #tpu.memory_space<vmem>>, vector<1x16xf32>,
        %get3A_153 = vector.shape_cast %get3A_152 : vector<1x16xf32> to vector<16xf32>
        %mul3A_154 = vector.broadcast %squeeze3A : f32 to vector<16xf32>
        %mul3A_155 = arith.mulf %get3A_153, %mul3A_154 : vector<16xf32>
        %get3A_156 = arith.index_cast %scan3A_107 : i32 to index
        %get3A_157 = arith.constant 16 : index
        %get3A_158 = tpu.vector_load %arg11[%get3A_156, %get3A_157] {strides = array<i32>} : memref<64x256xf32, #tpu.memory_space<vmem>>, vector<1x16xf32>,
        %get3A_159 = vector.shape_cast %get3A_158 : vector<1x16xf32> to vector<16xf32>
        %mul3A_160 = vector.broadcast %squeeze3A_118 : f32 to vector<16xf32>
        %mul3A_161 = arith.mulf %get3A_159, %mul3A_160 : vector<16xf32>
        %add3A_162 = arith.addf %mul3A_155, %mul3A_161 : vector<16xf32>
        %get3A_163 = arith.index_cast %scan3A_107 : i32 to index
        %get3A_164 = arith.constant 16 : index
        %get3A_165 = tpu.vector_load %arg12[%get3A_163, %get3A_164] {strides = array<i32>} : memref<64x256xf32, #tpu.memory_space<vmem>>, vector<1x16xf32>,
        %get3A_166 = vector.shape_cast %get3A_165 : vector<1x16xf32> to vector<16xf32>
        %mul3A_167 = vector.broadcast %squeeze3A_125 : f32 to vector<16xf32>
        %mul3A_168 = arith.mulf %get3A_166, %mul3A_167 : vector<16xf32>
        %add3A_169 = arith.addf %add3A_162, %mul3A_168 : vector<16xf32>
        %swap3A_170 = arith.index_cast %scan3A_107 : i32 to index
        %swap3A_171 = arith.constant 16 : index
        %swap3A_172 = tpu.vector_load %arg16[%swap3A_170, %swap3A_171] {strides = array<i32>} : memref<64x256xf32, #tpu.memory_space<vmem>>, vector<1x16xf32>,
        %swap3A_173 = vector.shape_cast %swap3A_172 : vector<1x16xf32> to vector<16xf32>
        %swap3A_174 = vector.shape_cast %add3A_169 : vector<16xf32> to vector<1x16xf32>
        tpu.vector_store %arg16[%swap3A_170, %swap3A_171], %swap3A_174 {strides = array<i32>} : memref<64x256xf32, #tpu.memory_space<vmem>>, vector<1x16xf32>,
        %get3A_175 = arith.index_cast %scan3A_107 : i32 to index
        %get3A_176 = arith.constant 32 : index
        %get3A_177 = tpu.vector_load %arg10[%get3A_175, %get3A_176] {strides = array<i32>} : memref<64x256xf32, #tpu.memory_space<vmem>>, vector<1x16xf32>,
        %get3A_178 = vector.shape_cast %get3A_177 : vector<1x16xf32> to vector<16xf32>
        %mul3A_179 = vector.broadcast %squeeze3A : f32 to vector<16xf32>
        %mul3A_180 = arith.mulf %get3A_178, %mul3A_179 : vector<16xf32>
        %get3A_181 = arith.index_cast %scan3A_107 : i32 to index
        %get3A_182 = arith.constant 32 : index
        %get3A_183 = tpu.vector_load %arg11[%get3A_181, %get3A_182] {strides = array<i32>} : memref<64x256xf32, #tpu.memory_space<vmem>>, vector<1x16xf32>,
        %get3A_184 = vector.shape_cast %get3A_183 : vector<1x16xf32> to vector<16xf32>
        %mul3A_185 = vector.broadcast %squeeze3A_118 : f32 to vector<16xf32>
        %mul3A_186 = arith.mulf %get3A_184, %mul3A_185 : vector<16xf32>
        %add3A_187 = arith.addf %mul3A_180, %mul3A_186 : vector<16xf32>
        %get3A_188 = arith.index_cast %scan3A_107 : i32 to index
        %get3A_189 = arith.constant 32 : index
        %get3A_190 = tpu.vector_load %arg12[%get3A_188, %get3A_189] {strides = array<i32>} : memref<64x256xf32, #tpu.memory_space<vmem>>, vector<1x16xf32>,
        %get3A_191 = vector.shape_cast %get3A_190 : vector<1x16xf32> to vector<16xf32>
        %mul3A_192 = vector.broadcast %squeeze3A_125 : f32 to vector<16xf32>
        %mul3A_193 = arith.mulf %get3A_191, %mul3A_192 : vector<16xf32>
        %add3A_194 = arith.addf %add3A_187, %mul3A_193 : vector<16xf32>
        %swap3A_195 = arith.index_cast %scan3A_107 : i32 to index
        %swap3A_196 = arith.constant 32 : index
        %swap3A_197 = tpu.vector_load %arg16[%swap3A_195, %swap3A_196] {strides = array<i32>} : memref<64x256xf32, #tpu.memory_space<vmem>>, vector<1x16xf32>,
        %swap3A_198 = vector.shape_cast %swap3A_197 : vector<1x16xf32> to vector<16xf32>
        %swap3A_199 = vector.shape_cast %add3A_194 : vector<16xf32> to vector<1x16xf32>
        tpu.vector_store %arg16[%swap3A_195, %swap3A_196], %swap3A_199 {strides = array<i32>} : memref<64x256xf32, #tpu.memory_space<vmem>>, vector<1x16xf32>,
        %get3A_200 = arith.index_cast %scan3A_107 : i32 to index
        %get3A_201 = arith.constant 48 : index
        %get3A_202 = tpu.vector_load %arg10[%get3A_200, %get3A_201] {strides = array<i32>} : memref<64x256xf32, #tpu.memory_space<vmem>>, vector<1x16xf32>,
        %get3A_203 = vector.shape_cast %get3A_202 : vector<1x16xf32> to vector<16xf32>
        %mul3A_204 = vector.broadcast %squeeze3A : f32 to vector<16xf32>
        %mul3A_205 = arith.mulf %get3A_203, %mul3A_204 : vector<16xf32>
        %get3A_206 = arith.index_cast %scan3A_107 : i32 to index
        %get3A_207 = arith.constant 48 : index
        %get3A_208 = tpu.vector_load %arg11[%get3A_206, %get3A_207] {strides = array<i32>} : memref<64x256xf32, #tpu.memory_space<vmem>>, vector<1x16xf32>,
        %get3A_209 = vector.shape_cast %get3A_208 : vector<1x16xf32> to vector<16xf32>
        %mul3A_210 = vector.broadcast %squeeze3A_118 : f32 to vector<16xf32>
        %mul3A_211 = arith.mulf %get3A_209, %mul3A_210 : vector<16xf32>
        %add3A_212 = arith.addf %mul3A_205, %mul3A_211 : vector<16xf32>
        %get3A_213 = arith.index_cast %scan3A_107 : i32 to index
        %get3A_214 = arith.constant 48 : index
        %get3A_215 = tpu.vector_load %arg12[%get3A_213, %get3A_214] {strides = array<i32>} : memref<64x256xf32, #tpu.memory_space<vmem>>, vector<1x16xf32>,
        %get3A_216 = vector.shape_cast %get3A_215 : vector<1x16xf32> to vector<16xf32>
        %mul3A_217 = vector.broadcast %squeeze3A_125 : f32 to vector<16xf32>
        %mul3A_218 = arith.mulf %get3A_216, %mul3A_217 : vector<16xf32>
        %add3A_219 = arith.addf %add3A_212, %mul3A_218 : vector<16xf32>
        %swap3A_220 = arith.index_cast %scan3A_107 : i32 to index
        %swap3A_221 = arith.constant 48 : index
        %swap3A_222 = tpu.vector_load %arg16[%swap3A_220, %swap3A_221] {strides = array<i32>} : memref<64x256xf32, #tpu.memory_space<vmem>>, vector<1x16xf32>,
        %swap3A_223 = vector.shape_cast %swap3A_222 : vector<1x16xf32> to vector<16xf32>
        %swap3A_224 = vector.shape_cast %add3A_219 : vector<16xf32> to vector<1x16xf32>
        tpu.vector_store %arg16[%swap3A_220, %swap3A_221], %swap3A_224 {strides = array<i32>} : memref<64x256xf32, #tpu.memory_space<vmem>>, vector<1x16xf32>,
        %get3A_225 = arith.index_cast %scan3A_107 : i32 to index
        %get3A_226 = arith.constant 64 : index
        %get3A_227 = tpu.vector_load %arg10[%get3A_225, %get3A_226] {strides = array<i32>} : memref<64x256xf32, #tpu.memory_space<vmem>>, vector<1x16xf32>,
        %get3A_228 = vector.shape_cast %get3A_227 : vector<1x16xf32> to vector<16xf32>
        %mul3A_229 = vector.broadcast %squeeze3A : f32 to vector<16xf32>
        %mul3A_230 = arith.mulf %get3A_228, %mul3A_229 : vector<16xf32>
        %get3A_231 = arith.index_cast %scan3A_107 : i32 to index
        %get3A_232 = arith.constant 64 : index
        %get3A_233 = tpu.vector_load %arg11[%get3A_231, %get3A_232] {strides = array<i32>} : memref<64x256xf32, #tpu.memory_space<vmem>>, vector<1x16xf32>,
        %get3A_234 = vector.shape_cast %get3A_233 : vector<1x16xf32> to vector<16xf32>
        %mul3A_235 = vector.broadcast %squeeze3A_118 : f32 to vector<16xf32>
        %mul3A_236 = arith.mulf %get3A_234, %mul3A_235 : vector<16xf32>
        %add3A_237 = arith.addf %mul3A_230, %mul3A_236 : vector<16xf32>
        %get3A_238 = arith.index_cast %scan3A_107 : i32 to index
        %get3A_239 = arith.constant 64 : index
        %get3A_240 = tpu.vector_load %arg12[%get3A_238, %get3A_239] {strides = array<i32>} : memref<64x256xf32, #tpu.memory_space<vmem>>, vector<1x16xf32>,
        %get3A_241 = vector.shape_cast %get3A_240 : vector<1x16xf32> to vector<16xf32>
        %mul3A_242 = vector.broadcast %squeeze3A_125 : f32 to vector<16xf32>
        %mul3A_243 = arith.mulf %get3A_241, %mul3A_242 : vector<16xf32>
        %add3A_244 = arith.addf %add3A_237, %mul3A_243 : vector<16xf32>
        %swap3A_245 = arith.index_cast %scan3A_107 : i32 to index
        %swap3A_246 = arith.constant 64 : index
        %swap3A_247 = tpu.vector_load %arg16[%swap3A_245, %swap3A_246] {strides = array<i32>} : memref<64x256xf32, #tpu.memory_space<vmem>>, vector<1x16xf32>,
        %swap3A_248 = vector.shape_cast %swap3A_247 : vector<1x16xf32> to vector<16xf32>
        %swap3A_249 = vector.shape_cast %add3A_244 : vector<16xf32> to vector<1x16xf32>
        tpu.vector_store %arg16[%swap3A_245, %swap3A_246], %swap3A_249 {strides = array<i32>} : memref<64x256xf32, #tpu.memory_space<vmem>>, vector<1x16xf32>,
        %get3A_250 = arith.index_cast %scan3A_107 : i32 to index
        %get3A_251 = arith.constant 80 : index
        %get3A_252 = tpu.vector_load %arg10[%get3A_250, %get3A_251] {strides = array<i32>} : memref<64x256xf32, #tpu.memory_space<vmem>>, vector<1x16xf32>,
        %get3A_253 = vector.shape_cast %get3A_252 : vector<1x16xf32> to vector<16xf32>
        %mul3A_254 = vector.broadcast %squeeze3A : f32 to vector<16xf32>
        %mul3A_255 = arith.mulf %get3A_253, %mul3A_254 : vector<16xf32>
        %get3A_256 = arith.index_cast %scan3A_107 : i32 to index
        %get3A_257 = arith.constant 80 : index
        %get3A_258 = tpu.vector_load %arg11[%get3A_256, %get3A_257] {strides = array<i32>} : memref<64x256xf32, #tpu.memory_space<vmem>>, vector<1x16xf32>,
        %get3A_259 = vector.shape_cast %get3A_258 : vector<1x16xf32> to vector<16xf32>
        %mul3A_260 = vector.broadcast %squeeze3A_118 : f32 to vector<16xf32>
        %mul3A_261 = arith.mulf %get3A_259, %mul3A_260 : vector<16xf32>
        %add3A_262 = arith.addf %mul3A_255, %mul3A_261 : vector<16xf32>
        %get3A_263 = arith.index_cast %scan3A_107 : i32 to index
        %get3A_264 = arith.constant 80 : index
        %get3A_265 = tpu.vector_load %arg12[%get3A_263, %get3A_264] {strides = array<i32>} : memref<64x256xf32, #tpu.memory_space<vmem>>, vector<1x16xf32>,
        %get3A_266 = vector.shape_cast %get3A_265 : vector<1x16xf32> to vector<16xf32>
        %mul3A_267 = vector.broadcast %squeeze3A_125 : f32 to vector<16xf32>
        %mul3A_268 = arith.mulf %get3A_266, %mul3A_267 : vector<16xf32>
        %add3A_269 = arith.addf %add3A_262, %mul3A_268 : vector<16xf32>
        %swap3A_270 = arith.index_cast %scan3A_107 : i32 to index
        %swap3A_271 = arith.constant 80 : index
        %swap3A_272 = tpu.vector_load %arg16[%swap3A_270, %swap3A_271] {strides = array<i32>} : memref<64x256xf32, #tpu.memory_space<vmem>>, vector<1x16xf32>,
        %swap3A_273 = vector.shape_cast %swap3A_272 : vector<1x16xf32> to vector<16xf32>
        %swap3A_274 = vector.shape_cast %add3A_269 : vector<16xf32> to vector<1x16xf32>
        tpu.vector_store %arg16[%swap3A_270, %swap3A_271], %swap3A_274 {strides = array<i32>} : memref<64x256xf32, #tpu.memory_space<vmem>>, vector<1x16xf32>,
        %get3A_275 = arith.index_cast %scan3A_107 : i32 to index
        %get3A_276 = arith.constant 96 : index
        %get3A_277 = tpu.vector_load %arg10[%get3A_275, %get3A_276] {strides = array<i32>} : memref<64x256xf32, #tpu.memory_space<vmem>>, vector<1x16xf32>,
        %get3A_278 = vector.shape_cast %get3A_277 : vector<1x16xf32> to vector<16xf32>
        %mul3A_279 = vector.broadcast %squeeze3A : f32 to vector<16xf32>
        %mul3A_280 = arith.mulf %get3A_278, %mul3A_279 : vector<16xf32>
        %get3A_281 = arith.index_cast %scan3A_107 : i32 to index
        %get3A_282 = arith.constant 96 : index
        %get3A_283 = tpu.vector_load %arg11[%get3A_281, %get3A_282] {strides = array<i32>} : memref<64x256xf32, #tpu.memory_space<vmem>>, vector<1x16xf32>,
        %get3A_284 = vector.shape_cast %get3A_283 : vector<1x16xf32> to vector<16xf32>
        %mul3A_285 = vector.broadcast %squeeze3A_118 : f32 to vector<16xf32>
        %mul3A_286 = arith.mulf %get3A_284, %mul3A_285 : vector<16xf32>
        %add3A_287 = arith.addf %mul3A_280, %mul3A_286 : vector<16xf32>
        %get3A_288 = arith.index_cast %scan3A_107 : i32 to index
        %get3A_289 = arith.constant 96 : index
        %get3A_290 = tpu.vector_load %arg12[%get3A_288, %get3A_289] {strides = array<i32>} : memref<64x256xf32, #tpu.memory_space<vmem>>, vector<1x16xf32>,
        %get3A_291 = vector.shape_cast %get3A_290 : vector<1x16xf32> to vector<16xf32>
        %mul3A_292 = vector.broadcast %squeeze3A_125 : f32 to vector<16xf32>
        %mul3A_293 = arith.mulf %get3A_291, %mul3A_292 : vector<16xf32>
        %add3A_294 = arith.addf %add3A_287, %mul3A_293 : vector<16xf32>
        %swap3A_295 = arith.index_cast %scan3A_107 : i32 to index
        %swap3A_296 = arith.constant 96 : index
        %swap3A_297 = tpu.vector_load %arg16[%swap3A_295, %swap3A_296] {strides = array<i32>} : memref<64x256xf32, #tpu.memory_space<vmem>>, vector<1x16xf32>,
        %swap3A_298 = vector.shape_cast %swap3A_297 : vector<1x16xf32> to vector<16xf32>
        %swap3A_299 = vector.shape_cast %add3A_294 : vector<16xf32> to vector<1x16xf32>
        tpu.vector_store %arg16[%swap3A_295, %swap3A_296], %swap3A_299 {strides = array<i32>} : memref<64x256xf32, #tpu.memory_space<vmem>>, vector<1x16xf32>,
        %get3A_300 = arith.index_cast %scan3A_107 : i32 to index
        %get3A_301 = arith.constant 112 : index
        %get3A_302 = tpu.vector_load %arg10[%get3A_300, %get3A_301] {strides = array<i32>} : memref<64x256xf32, #tpu.memory_space<vmem>>, vector<1x16xf32>,
        %get3A_303 = vector.shape_cast %get3A_302 : vector<1x16xf32> to vector<16xf32>
        %mul3A_304 = vector.broadcast %squeeze3A : f32 to vector<16xf32>
        %mul3A_305 = arith.mulf %get3A_303, %mul3A_304 : vector<16xf32>
        %get3A_306 = arith.index_cast %scan3A_107 : i32 to index
        %get3A_307 = arith.constant 112 : index
        %get3A_308 = tpu.vector_load %arg11[%get3A_306, %get3A_307] {strides = array<i32>} : memref<64x256xf32, #tpu.memory_space<vmem>>, vector<1x16xf32>,
        %get3A_309 = vector.shape_cast %get3A_308 : vector<1x16xf32> to vector<16xf32>
        %mul3A_310 = vector.broadcast %squeeze3A_118 : f32 to vector<16xf32>
        %mul3A_311 = arith.mulf %get3A_309, %mul3A_310 : vector<16xf32>
        %add3A_312 = arith.addf %mul3A_305, %mul3A_311 : vector<16xf32>
        %get3A_313 = arith.index_cast %scan3A_107 : i32 to index
        %get3A_314 = arith.constant 112 : index
        %get3A_315 = tpu.vector_load %arg12[%get3A_313, %get3A_314] {strides = array<i32>} : memref<64x256xf32, #tpu.memory_space<vmem>>, vector<1x16xf32>,
        %get3A_316 = vector.shape_cast %get3A_315 : vector<1x16xf32> to vector<16xf32>
        %mul3A_317 = vector.broadcast %squeeze3A_125 : f32 to vector<16xf32>
        %mul3A_318 = arith.mulf %get3A_316, %mul3A_317 : vector<16xf32>
        %add3A_319 = arith.addf %add3A_312, %mul3A_318 : vector<16xf32>
        %swap3A_320 = arith.index_cast %scan3A_107 : i32 to index
        %swap3A_321 = arith.constant 112 : index
        %swap3A_322 = tpu.vector_load %arg16[%swap3A_320, %swap3A_321] {strides = array<i32>} : memref<64x256xf32, #tpu.memory_space<vmem>>, vector<1x16xf32>,
        %swap3A_323 = vector.shape_cast %swap3A_322 : vector<1x16xf32> to vector<16xf32>
        %swap3A_324 = vector.shape_cast %add3A_319 : vector<16xf32> to vector<1x16xf32>
        tpu.vector_store %arg16[%swap3A_320, %swap3A_321], %swap3A_324 {strides = array<i32>} : memref<64x256xf32, #tpu.memory_space<vmem>>, vector<1x16xf32>,
        %get3A_325 = arith.index_cast %scan3A_107 : i32 to index
        %get3A_326 = arith.constant 128 : index
        %get3A_327 = tpu.vector_load %arg10[%get3A_325, %get3A_326] {strides = array<i32>} : memref<64x256xf32, #tpu.memory_space<vmem>>, vector<1x16xf32>,
        %get3A_328 = vector.shape_cast %get3A_327 : vector<1x16xf32> to vector<16xf32>
        %mul3A_329 = vector.broadcast %squeeze3A : f32 to vector<16xf32>
        %mul3A_330 = arith.mulf %get3A_328, %mul3A_329 : vector<16xf32>
        %get3A_331 = arith.index_cast %scan3A_107 : i32 to index
        %get3A_332 = arith.constant 128 : index
        %get3A_333 = tpu.vector_load %arg11[%get3A_331, %get3A_332] {strides = array<i32>} : memref<64x256xf32, #tpu.memory_space<vmem>>, vector<1x16xf32>,
        %get3A_334 = vector.shape_cast %get3A_333 : vector<1x16xf32> to vector<16xf32>
        %mul3A_335 = vector.broadcast %squeeze3A_118 : f32 to vector<16xf32>
        %mul3A_336 = arith.mulf %get3A_334, %mul3A_335 : vector<16xf32>
        %add3A_337 = arith.addf %mul3A_330, %mul3A_336 : vector<16xf32>
        %get3A_338 = arith.index_cast %scan3A_107 : i32 to index
        %get3A_339 = arith.constant 128 : index
        %get3A_340 = tpu.vector_load %arg12[%get3A_338, %get3A_339] {strides = array<i32>} : memref<64x256xf32, #tpu.memory_space<vmem>>, vector<1x16xf32>,
        %get3A_341 = vector.shape_cast %get3A_340 : vector<1x16xf32> to vector<16xf32>
        %mul3A_342 = vector.broadcast %squeeze3A_125 : f32 to vector<16xf32>
        %mul3A_343 = arith.mulf %get3A_341, %mul3A_342 : vector<16xf32>
        %add3A_344 = arith.addf %add3A_337, %mul3A_343 : vector<16xf32>
        %swap3A_345 = arith.index_cast %scan3A_107 : i32 to index
        %swap3A_346 = arith.constant 128 : index
        %swap3A_347 = tpu.vector_load %arg16[%swap3A_345, %swap3A_346] {strides = array<i32>} : memref<64x256xf32, #tpu.memory_space<vmem>>, vector<1x16xf32>,
        %swap3A_348 = vector.shape_cast %swap3A_347 : vector<1x16xf32> to vector<16xf32>
        %swap3A_349 = vector.shape_cast %add3A_344 : vector<16xf32> to vector<1x16xf32>
        tpu.vector_store %arg16[%swap3A_345, %swap3A_346], %swap3A_349 {strides = array<i32>} : memref<64x256xf32, #tpu.memory_space<vmem>>, vector<1x16xf32>,
        %get3A_350 = arith.index_cast %scan3A_107 : i32 to index
        %get3A_351 = arith.constant 144 : index
        %get3A_352 = tpu.vector_load %arg10[%get3A_350, %get3A_351] {strides = array<i32>} : memref<64x256xf32, #tpu.memory_space<vmem>>, vector<1x16xf32>,
        %get3A_353 = vector.shape_cast %get3A_352 : vector<1x16xf32> to vector<16xf32>
        %mul3A_354 = vector.broadcast %squeeze3A : f32 to vector<16xf32>
        %mul3A_355 = arith.mulf %get3A_353, %mul3A_354 : vector<16xf32>
        %get3A_356 = arith.index_cast %scan3A_107 : i32 to index
        %get3A_357 = arith.constant 144 : index
        %get3A_358 = tpu.vector_load %arg11[%get3A_356, %get3A_357] {strides = array<i32>} : memref<64x256xf32, #tpu.memory_space<vmem>>, vector<1x16xf32>,
        %get3A_359 = vector.shape_cast %get3A_358 : vector<1x16xf32> to vector<16xf32>
        %mul3A_360 = vector.broadcast %squeeze3A_118 : f32 to vector<16xf32>
        %mul3A_361 = arith.mulf %get3A_359, %mul3A_360 : vector<16xf32>
        %add3A_362 = arith.addf %mul3A_355, %mul3A_361 : vector<16xf32>
        %get3A_363 = arith.index_cast %scan3A_107 : i32 to index
        %get3A_364 = arith.constant 144 : index
        %get3A_365 = tpu.vector_load %arg12[%get3A_363, %get3A_364] {strides = array<i32>} : memref<64x256xf32, #tpu.memory_space<vmem>>, vector<1x16xf32>,
        %get3A_366 = vector.shape_cast %get3A_365 : vector<1x16xf32> to vector<16xf32>
        %mul3A_367 = vector.broadcast %squeeze3A_125 : f32 to vector<16xf32>
        %mul3A_368 = arith.mulf %get3A_366, %mul3A_367 : vector<16xf32>
        %add3A_369 = arith.addf %add3A_362, %mul3A_368 : vector<16xf32>
        %swap3A_370 = arith.index_cast %scan3A_107 : i32 to index
        %swap3A_371 = arith.constant 144 : index
        %swap3A_372 = tpu.vector_load %arg16[%swap3A_370, %swap3A_371] {strides = array<i32>} : memref<64x256xf32, #tpu.memory_space<vmem>>, vector<1x16xf32>,
        %swap3A_373 = vector.shape_cast %swap3A_372 : vector<1x16xf32> to vector<16xf32>
        %swap3A_374 = vector.shape_cast %add3A_369 : vector<16xf32> to vector<1x16xf32>
        tpu.vector_store %arg16[%swap3A_370, %swap3A_371], %swap3A_374 {strides = array<i32>} : memref<64x256xf32, #tpu.memory_space<vmem>>, vector<1x16xf32>,
        %get3A_375 = arith.index_cast %scan3A_107 : i32 to index
        %get3A_376 = arith.constant 160 : index
        %get3A_377 = tpu.vector_load %arg10[%get3A_375, %get3A_376] {strides = array<i32>} : memref<64x256xf32, #tpu.memory_space<vmem>>, vector<1x16xf32>,
        %get3A_378 = vector.shape_cast %get3A_377 : vector<1x16xf32> to vector<16xf32>
        %mul3A_379 = vector.broadcast %squeeze3A : f32 to vector<16xf32>
        %mul3A_380 = arith.mulf %get3A_378, %mul3A_379 : vector<16xf32>
        %get3A_381 = arith.index_cast %scan3A_107 : i32 to index
        %get3A_382 = arith.constant 160 : index
        %get3A_383 = tpu.vector_load %arg11[%get3A_381, %get3A_382] {strides = array<i32>} : memref<64x256xf32, #tpu.memory_space<vmem>>, vector<1x16xf32>,
        %get3A_384 = vector.shape_cast %get3A_383 : vector<1x16xf32> to vector<16xf32>
        %mul3A_385 = vector.broadcast %squeeze3A_118 : f32 to vector<16xf32>
        %mul3A_386 = arith.mulf %get3A_384, %mul3A_385 : vector<16xf32>
        %add3A_387 = arith.addf %mul3A_380, %mul3A_386 : vector<16xf32>
        %get3A_388 = arith.index_cast %scan3A_107 : i32 to index
        %get3A_389 = arith.constant 160 : index
        %get3A_390 = tpu.vector_load %arg12[%get3A_388, %get3A_389] {strides = array<i32>} : memref<64x256xf32, #tpu.memory_space<vmem>>, vector<1x16xf32>,
        %get3A_391 = vector.shape_cast %get3A_390 : vector<1x16xf32> to vector<16xf32>
        %mul3A_392 = vector.broadcast %squeeze3A_125 : f32 to vector<16xf32>
        %mul3A_393 = arith.mulf %get3A_391, %mul3A_392 : vector<16xf32>
        %add3A_394 = arith.addf %add3A_387, %mul3A_393 : vector<16xf32>
        %swap3A_395 = arith.index_cast %scan3A_107 : i32 to index
        %swap3A_396 = arith.constant 160 : index
        %swap3A_397 = tpu.vector_load %arg16[%swap3A_395, %swap3A_396] {strides = array<i32>} : memref<64x256xf32, #tpu.memory_space<vmem>>, vector<1x16xf32>,
        %swap3A_398 = vector.shape_cast %swap3A_397 : vector<1x16xf32> to vector<16xf32>
        %swap3A_399 = vector.shape_cast %add3A_394 : vector<16xf32> to vector<1x16xf32>
        tpu.vector_store %arg16[%swap3A_395, %swap3A_396], %swap3A_399 {strides = array<i32>} : memref<64x256xf32, #tpu.memory_space<vmem>>, vector<1x16xf32>,
        %get3A_400 = arith.index_cast %scan3A_107 : i32 to index
        %get3A_401 = arith.constant 176 : index
        %get3A_402 = tpu.vector_load %arg10[%get3A_400, %get3A_401] {strides = array<i32>} : memref<64x256xf32, #tpu.memory_space<vmem>>, vector<1x16xf32>,
        %get3A_403 = vector.shape_cast %get3A_402 : vector<1x16xf32> to vector<16xf32>
        %mul3A_404 = vector.broadcast %squeeze3A : f32 to vector<16xf32>
        %mul3A_405 = arith.mulf %get3A_403, %mul3A_404 : vector<16xf32>
        %get3A_406 = arith.index_cast %scan3A_107 : i32 to index
        %get3A_407 = arith.constant 176 : index
        %get3A_408 = tpu.vector_load %arg11[%get3A_406, %get3A_407] {strides = array<i32>} : memref<64x256xf32, #tpu.memory_space<vmem>>, vector<1x16xf32>,
        %get3A_409 = vector.shape_cast %get3A_408 : vector<1x16xf32> to vector<16xf32>
        %mul3A_410 = vector.broadcast %squeeze3A_118 : f32 to vector<16xf32>
        %mul3A_411 = arith.mulf %get3A_409, %mul3A_410 : vector<16xf32>
        %add3A_412 = arith.addf %mul3A_405, %mul3A_411 : vector<16xf32>
        %get3A_413 = arith.index_cast %scan3A_107 : i32 to index
        %get3A_414 = arith.constant 176 : index
        %get3A_415 = tpu.vector_load %arg12[%get3A_413, %get3A_414] {strides = array<i32>} : memref<64x256xf32, #tpu.memory_space<vmem>>, vector<1x16xf32>,
        %get3A_416 = vector.shape_cast %get3A_415 : vector<1x16xf32> to vector<16xf32>
        %mul3A_417 = vector.broadcast %squeeze3A_125 : f32 to vector<16xf32>
        %mul3A_418 = arith.mulf %get3A_416, %mul3A_417 : vector<16xf32>
        %add3A_419 = arith.addf %add3A_412, %mul3A_418 : vector<16xf32>
        %swap3A_420 = arith.index_cast %scan3A_107 : i32 to index
        %swap3A_421 = arith.constant 176 : index
        %swap3A_422 = tpu.vector_load %arg16[%swap3A_420, %swap3A_421] {strides = array<i32>} : memref<64x256xf32, #tpu.memory_space<vmem>>, vector<1x16xf32>,
        %swap3A_423 = vector.shape_cast %swap3A_422 : vector<1x16xf32> to vector<16xf32>
        %swap3A_424 = vector.shape_cast %add3A_419 : vector<16xf32> to vector<1x16xf32>
        tpu.vector_store %arg16[%swap3A_420, %swap3A_421], %swap3A_424 {strides = array<i32>} : memref<64x256xf32, #tpu.memory_space<vmem>>, vector<1x16xf32>,
        %get3A_425 = arith.index_cast %scan3A_107 : i32 to index
        %get3A_426 = arith.constant 192 : index
        %get3A_427 = tpu.vector_load %arg10[%get3A_425, %get3A_426] {strides = array<i32>} : memref<64x256xf32, #tpu.memory_space<vmem>>, vector<1x16xf32>,
        %get3A_428 = vector.shape_cast %get3A_427 : vector<1x16xf32> to vector<16xf32>
        %mul3A_429 = vector.broadcast %squeeze3A : f32 to vector<16xf32>
        %mul3A_430 = arith.mulf %get3A_428, %mul3A_429 : vector<16xf32>
        %get3A_431 = arith.index_cast %scan3A_107 : i32 to index
        %get3A_432 = arith.constant 192 : index
        %get3A_433 = tpu.vector_load %arg11[%get3A_431, %get3A_432] {strides = array<i32>} : memref<64x256xf32, #tpu.memory_space<vmem>>, vector<1x16xf32>,
        %get3A_434 = vector.shape_cast %get3A_433 : vector<1x16xf32> to vector<16xf32>
        %mul3A_435 = vector.broadcast %squeeze3A_118 : f32 to vector<16xf32>
        %mul3A_436 = arith.mulf %get3A_434, %mul3A_435 : vector<16xf32>
        %add3A_437 = arith.addf %mul3A_430, %mul3A_436 : vector<16xf32>
        %get3A_438 = arith.index_cast %scan3A_107 : i32 to index
        %get3A_439 = arith.constant 192 : index
        %get3A_440 = tpu.vector_load %arg12[%get3A_438, %get3A_439] {strides = array<i32>} : memref<64x256xf32, #tpu.memory_space<vmem>>, vector<1x16xf32>,
        %get3A_441 = vector.shape_cast %get3A_440 : vector<1x16xf32> to vector<16xf32>
        %mul3A_442 = vector.broadcast %squeeze3A_125 : f32 to vector<16xf32>
        %mul3A_443 = arith.mulf %get3A_441, %mul3A_442 : vector<16xf32>
        %add3A_444 = arith.addf %add3A_437, %mul3A_443 : vector<16xf32>
        %swap3A_445 = arith.index_cast %scan3A_107 : i32 to index
        %swap3A_446 = arith.constant 192 : index
        %swap3A_447 = tpu.vector_load %arg16[%swap3A_445, %swap3A_446] {strides = array<i32>} : memref<64x256xf32, #tpu.memory_space<vmem>>, vector<1x16xf32>,
        %swap3A_448 = vector.shape_cast %swap3A_447 : vector<1x16xf32> to vector<16xf32>
        %swap3A_449 = vector.shape_cast %add3A_444 : vector<16xf32> to vector<1x16xf32>
        tpu.vector_store %arg16[%swap3A_445, %swap3A_446], %swap3A_449 {strides = array<i32>} : memref<64x256xf32, #tpu.memory_space<vmem>>, vector<1x16xf32>,
        %get3A_450 = arith.index_cast %scan3A_107 : i32 to index
        %get3A_451 = arith.constant 208 : index
        %get3A_452 = tpu.vector_load %arg10[%get3A_450, %get3A_451] {strides = array<i32>} : memref<64x256xf32, #tpu.memory_space<vmem>>, vector<1x16xf32>,
        %get3A_453 = vector.shape_cast %get3A_452 : vector<1x16xf32> to vector<16xf32>
        %mul3A_454 = vector.broadcast %squeeze3A : f32 to vector<16xf32>
        %mul3A_455 = arith.mulf %get3A_453, %mul3A_454 : vector<16xf32>
        %get3A_456 = arith.index_cast %scan3A_107 : i32 to index
        %get3A_457 = arith.constant 208 : index
        %get3A_458 = tpu.vector_load %arg11[%get3A_456, %get3A_457] {strides = array<i32>} : memref<64x256xf32, #tpu.memory_space<vmem>>, vector<1x16xf32>,
        %get3A_459 = vector.shape_cast %get3A_458 : vector<1x16xf32> to vector<16xf32>
        %mul3A_460 = vector.broadcast %squeeze3A_118 : f32 to vector<16xf32>
        %mul3A_461 = arith.mulf %get3A_459, %mul3A_460 : vector<16xf32>
        %add3A_462 = arith.addf %mul3A_455, %mul3A_461 : vector<16xf32>
        %get3A_463 = arith.index_cast %scan3A_107 : i32 to index
        %get3A_464 = arith.constant 208 : index
        %get3A_465 = tpu.vector_load %arg12[%get3A_463, %get3A_464] {strides = array<i32>} : memref<64x256xf32, #tpu.memory_space<vmem>>, vector<1x16xf32>,
        %get3A_466 = vector.shape_cast %get3A_465 : vector<1x16xf32> to vector<16xf32>
        %mul3A_467 = vector.broadcast %squeeze3A_125 : f32 to vector<16xf32>
        %mul3A_468 = arith.mulf %get3A_466, %mul3A_467 : vector<16xf32>
        %add3A_469 = arith.addf %add3A_462, %mul3A_468 : vector<16xf32>
        %swap3A_470 = arith.index_cast %scan3A_107 : i32 to index
        %swap3A_471 = arith.constant 208 : index
        %swap3A_472 = tpu.vector_load %arg16[%swap3A_470, %swap3A_471] {strides = array<i32>} : memref<64x256xf32, #tpu.memory_space<vmem>>, vector<1x16xf32>,
        %swap3A_473 = vector.shape_cast %swap3A_472 : vector<1x16xf32> to vector<16xf32>
        %swap3A_474 = vector.shape_cast %add3A_469 : vector<16xf32> to vector<1x16xf32>
        tpu.vector_store %arg16[%swap3A_470, %swap3A_471], %swap3A_474 {strides = array<i32>} : memref<64x256xf32, #tpu.memory_space<vmem>>, vector<1x16xf32>,
        %get3A_475 = arith.index_cast %scan3A_107 : i32 to index
        %get3A_476 = arith.constant 224 : index
        %get3A_477 = tpu.vector_load %arg10[%get3A_475, %get3A_476] {strides = array<i32>} : memref<64x256xf32, #tpu.memory_space<vmem>>, vector<1x16xf32>,
        %get3A_478 = vector.shape_cast %get3A_477 : vector<1x16xf32> to vector<16xf32>
        %mul3A_479 = vector.broadcast %squeeze3A : f32 to vector<16xf32>
        %mul3A_480 = arith.mulf %get3A_478, %mul3A_479 : vector<16xf32>
        %get3A_481 = arith.index_cast %scan3A_107 : i32 to index
        %get3A_482 = arith.constant 224 : index
        %get3A_483 = tpu.vector_load %arg11[%get3A_481, %get3A_482] {strides = array<i32>} : memref<64x256xf32, #tpu.memory_space<vmem>>, vector<1x16xf32>,
        %get3A_484 = vector.shape_cast %get3A_483 : vector<1x16xf32> to vector<16xf32>
        %mul3A_485 = vector.broadcast %squeeze3A_118 : f32 to vector<16xf32>
        %mul3A_486 = arith.mulf %get3A_484, %mul3A_485 : vector<16xf32>
        %add3A_487 = arith.addf %mul3A_480, %mul3A_486 : vector<16xf32>
        %get3A_488 = arith.index_cast %scan3A_107 : i32 to index
        %get3A_489 = arith.constant 224 : index
        %get3A_490 = tpu.vector_load %arg12[%get3A_488, %get3A_489] {strides = array<i32>} : memref<64x256xf32, #tpu.memory_space<vmem>>, vector<1x16xf32>,
        %get3A_491 = vector.shape_cast %get3A_490 : vector<1x16xf32> to vector<16xf32>
        %mul3A_492 = vector.broadcast %squeeze3A_125 : f32 to vector<16xf32>
        %mul3A_493 = arith.mulf %get3A_491, %mul3A_492 : vector<16xf32>
        %add3A_494 = arith.addf %add3A_487, %mul3A_493 : vector<16xf32>
        %swap3A_495 = arith.index_cast %scan3A_107 : i32 to index
        %swap3A_496 = arith.constant 224 : index
        %swap3A_497 = tpu.vector_load %arg16[%swap3A_495, %swap3A_496] {strides = array<i32>} : memref<64x256xf32, #tpu.memory_space<vmem>>, vector<1x16xf32>,
        %swap3A_498 = vector.shape_cast %swap3A_497 : vector<1x16xf32> to vector<16xf32>
        %swap3A_499 = vector.shape_cast %add3A_494 : vector<16xf32> to vector<1x16xf32>
        tpu.vector_store %arg16[%swap3A_495, %swap3A_496], %swap3A_499 {strides = array<i32>} : memref<64x256xf32, #tpu.memory_space<vmem>>, vector<1x16xf32>,
        %get3A_500 = arith.index_cast %scan3A_107 : i32 to index
        %get3A_501 = arith.constant 240 : index
        %get3A_502 = tpu.vector_load %arg10[%get3A_500, %get3A_501] {strides = array<i32>} : memref<64x256xf32, #tpu.memory_space<vmem>>, vector<1x16xf32>,
        %get3A_503 = vector.shape_cast %get3A_502 : vector<1x16xf32> to vector<16xf32>
        %mul3A_504 = vector.broadcast %squeeze3A : f32 to vector<16xf32>
        %mul3A_505 = arith.mulf %get3A_503, %mul3A_504 : vector<16xf32>
        %get3A_506 = arith.index_cast %scan3A_107 : i32 to index
        %get3A_507 = arith.constant 240 : index
        %get3A_508 = tpu.vector_load %arg11[%get3A_506, %get3A_507] {strides = array<i32>} : memref<64x256xf32, #tpu.memory_space<vmem>>, vector<1x16xf32>,
        %get3A_509 = vector.shape_cast %get3A_508 : vector<1x16xf32> to vector<16xf32>
        %mul3A_510 = vector.broadcast %squeeze3A_118 : f32 to vector<16xf32>
        %mul3A_511 = arith.mulf %get3A_509, %mul3A_510 : vector<16xf32>
        %add3A_512 = arith.addf %mul3A_505, %mul3A_511 : vector<16xf32>
        %get3A_513 = arith.index_cast %scan3A_107 : i32 to index
        %get3A_514 = arith.constant 240 : index
        %get3A_515 = tpu.vector_load %arg12[%get3A_513, %get3A_514] {strides = array<i32>} : memref<64x256xf32, #tpu.memory_space<vmem>>, vector<1x16xf32>,
        %get3A_516 = vector.shape_cast %get3A_515 : vector<1x16xf32> to vector<16xf32>
        %mul3A_517 = vector.broadcast %squeeze3A_125 : f32 to vector<16xf32>
        %mul3A_518 = arith.mulf %get3A_516, %mul3A_517 : vector<16xf32>
        %add3A_519 = arith.addf %add3A_512, %mul3A_518 : vector<16xf32>
        %swap3A_520 = arith.index_cast %scan3A_107 : i32 to index
        %swap3A_521 = arith.constant 240 : index
        %swap3A_522 = tpu.vector_load %arg16[%swap3A_520, %swap3A_521] {strides = array<i32>} : memref<64x256xf32, #tpu.memory_space<vmem>>, vector<1x16xf32>,
        %swap3A_523 = vector.shape_cast %swap3A_522 : vector<1x16xf32> to vector<16xf32>
        %swap3A_524 = vector.shape_cast %add3A_519 : vector<16xf32> to vector<1x16xf32>
        tpu.vector_store %arg16[%swap3A_520, %swap3A_521], %swap3A_524 {strides = array<i32>} : memref<64x256xf32, #tpu.memory_space<vmem>>, vector<1x16xf32>,
      }
      %scan3A_63 = arith.constant 64 : i32
      %mul3A_64 = arith.constant 64 : i32
      %mul3A_65 = arith.muli %add3A_33, %mul3A_64 : i32
      "tpu.region"() ({
        %run_scoped3A = tpu.sem_alloc : memref<!tpu.dma_semaphore, #tpu.memory_space<semaphore_mem>>
        %dma_start3A_107 = arith.constant 0 : i32
        %dma_start3A_108 = tpu.memref_slice %arg5[%mul3A_65, %dma_start3A_107] : memref<32768x256xf32, #tpu.memory_space<hbm>> -> memref<64x256xf32, #tpu.memory_space<hbm>>
        %dma_start3A_109 = arith.constant 0 : i32
        %dma_start3A_110 = tpu.memref_slice %arg5[%mul3A_65, %dma_start3A_109] : memref<32768x256xf32, #tpu.memory_space<hbm>> -> memref<64x256xf32, #tpu.memory_space<hbm>>
        tpu.enqueue_dma source(%arg16 : memref<64x256xf32, #tpu.memory_space<vmem>>) target(%dma_start3A_110 : memref<64x256xf32, #tpu.memory_space<hbm>>) target_semaphore(%run_scoped3A : memref<!tpu.dma_semaphore, #tpu.memory_space<semaphore_mem>>)
        %dma_wait3A_111 = arith.constant 0 : i32
        %dma_wait3A_112 = tpu.memref_slice %arg5[%mul3A_65, %dma_wait3A_111] : memref<32768x256xf32, #tpu.memory_space<hbm>> -> memref<64x256xf32, #tpu.memory_space<hbm>>
        %dma_wait3A_113 = arith.constant 0 : i32
        %dma_wait3A_114 = tpu.memref_slice %arg5[%mul3A_65, %dma_wait3A_113] : memref<32768x256xf32, #tpu.memory_space<hbm>> -> memref<64x256xf32, #tpu.memory_space<hbm>>
        tpu.wait_dma2 semaphore(%run_scoped3A : memref<!tpu.dma_semaphore, #tpu.memory_space<semaphore_mem>>) src(%arg16 : memref<64x256xf32, #tpu.memory_space<vmem>>) dst(%dma_wait3A_114 : memref<64x256xf32, #tpu.memory_space<hbm>>)
        tpu.yield
      }) : () -> ()
      %mul3A_66 = arith.constant 2 : i32
      %mul3A_67 = arith.muli %mul3A_66, %scan3A_28 : i32
      %add3A_68 = arith.constant 1 : i32
      %add3A_69 = arith.addi %mul3A_67, %add3A_68 : i32
      %add3A_70 = arith.addi %mul3A_2, %add3A_69 : i32
      %add3A_71 = arith.constant 1 : i32
      %add3A_72 = arith.addi %add3A_69, %add3A_71 : i32
      %lt3A_73 = arith.constant 16 : i32
      %lt3A_74 = arith.cmpi slt, %add3A_72, %lt3A_73 : i32
      %convert_element_type3A_75 = arith.extui %lt3A_74 : i1 to i32
      %cond3A_76 = arith.constant 0 : i32
      %cond3A_77 = arith.cmpi ne, %convert_element_type3A_75, %cond3A_76 : i32
      scf.if %cond3A_77 {
        %add3A_107 = arith.constant 1 : i32
        %add3A_108 = arith.addi %add3A_70, %add3A_107 : i32
        "tpu.region"() ({
          %run_scoped3A = tpu.sem_alloc : memref<!tpu.dma_semaphore, #tpu.memory_space<semaphore_mem>>
          %dma_start3A_130 = arith.constant 0 : i32
          %dma_start3A_131 = arith.constant 0 : i32
          %dma_start3A_132 = tpu.memref_slice %arg3[%add3A_108, %dma_start3A_130, %dma_start3A_131] : memref<512x3x64xi32, #tpu.memory_space<hbm>> -> memref<1x3x64xi32, #tpu.memory_space<hbm>>
          %dma_start3A_133 = tpu.memref_squeeze %dma_start3A_132 : memref<1x3x64xi32, #tpu.memory_space<hbm>> -> memref<3x64xi32, #tpu.memory_space<hbm>>
          %dma_start3A_134 = arith.constant 0 : i32
          %dma_start3A_135 = arith.constant 0 : i32
          %dma_start3A_136 = tpu.memref_slice %arg3[%add3A_108, %dma_start3A_134, %dma_start3A_135] : memref<512x3x64xi32, #tpu.memory_space<hbm>> -> memref<1x3x64xi32, #tpu.memory_space<hbm>>
          %dma_start3A_137 = tpu.memref_squeeze %dma_start3A_136 : memref<1x3x64xi32, #tpu.memory_space<hbm>> -> memref<3x64xi32, #tpu.memory_space<hbm>>
          tpu.enqueue_dma source(%dma_start3A_137 : memref<3x64xi32, #tpu.memory_space<hbm>>) target(%arg6 : memref<3x64xi32, #tpu.memory_space<vmem>>) target_semaphore(%run_scoped3A : memref<!tpu.dma_semaphore, #tpu.memory_space<semaphore_mem>>)
          %dma_wait3A_138 = arith.constant 0 : i32
          %dma_wait3A_139 = arith.constant 0 : i32
          %dma_wait3A_140 = tpu.memref_slice %arg3[%add3A_108, %dma_wait3A_138, %dma_wait3A_139] : memref<512x3x64xi32, #tpu.memory_space<hbm>> -> memref<1x3x64xi32, #tpu.memory_space<hbm>>
          %dma_wait3A_141 = tpu.memref_squeeze %dma_wait3A_140 : memref<1x3x64xi32, #tpu.memory_space<hbm>> -> memref<3x64xi32, #tpu.memory_space<hbm>>
          %dma_wait3A_142 = arith.constant 0 : i32
          %dma_wait3A_143 = arith.constant 0 : i32
          %dma_wait3A_144 = tpu.memref_slice %arg3[%add3A_108, %dma_wait3A_142, %dma_wait3A_143] : memref<512x3x64xi32, #tpu.memory_space<hbm>> -> memref<1x3x64xi32, #tpu.memory_space<hbm>>
          %dma_wait3A_145 = tpu.memref_squeeze %dma_wait3A_144 : memref<1x3x64xi32, #tpu.memory_space<hbm>> -> memref<3x64xi32, #tpu.memory_space<hbm>>
          tpu.wait_dma2 semaphore(%run_scoped3A : memref<!tpu.dma_semaphore, #tpu.memory_space<semaphore_mem>>) src(%dma_wait3A_145 : memref<3x64xi32, #tpu.memory_space<hbm>>) dst(%arg6 : memref<3x64xi32, #tpu.memory_space<vmem>>)
          tpu.yield
        }) : () -> ()
        "tpu.region"() ({
          %run_scoped3A = tpu.sem_alloc : memref<!tpu.dma_semaphore, #tpu.memory_space<semaphore_mem>>
          %dma_start3A_130 = arith.constant 0 : i32
          %dma_start3A_131 = arith.constant 0 : i32
          %dma_start3A_132 = tpu.memref_slice %arg4[%add3A_108, %dma_start3A_130, %dma_start3A_131] : memref<512x3x80xf32, #tpu.memory_space<hbm>> -> memref<1x3x80xf32, #tpu.memory_space<hbm>>
          %dma_start3A_133 = tpu.memref_squeeze %dma_start3A_132 : memref<1x3x80xf32, #tpu.memory_space<hbm>> -> memref<3x80xf32, #tpu.memory_space<hbm>>
          %dma_start3A_134 = arith.constant 0 : i32
          %dma_start3A_135 = arith.constant 0 : i32
          %dma_start3A_136 = tpu.memref_slice %arg4[%add3A_108, %dma_start3A_134, %dma_start3A_135] : memref<512x3x80xf32, #tpu.memory_space<hbm>> -> memref<1x3x80xf32, #tpu.memory_space<hbm>>
          %dma_start3A_137 = tpu.memref_squeeze %dma_start3A_136 : memref<1x3x80xf32, #tpu.memory_space<hbm>> -> memref<3x80xf32, #tpu.memory_space<hbm>>
          tpu.enqueue_dma source(%dma_start3A_137 : memref<3x80xf32, #tpu.memory_space<hbm>>) target(%arg8 : memref<3x80xf32, #tpu.memory_space<vmem>>) target_semaphore(%run_scoped3A : memref<!tpu.dma_semaphore, #tpu.memory_space<semaphore_mem>>)
          %dma_wait3A_138 = arith.constant 0 : i32
          %dma_wait3A_139 = arith.constant 0 : i32
          %dma_wait3A_140 = tpu.memref_slice %arg4[%add3A_108, %dma_wait3A_138, %dma_wait3A_139] : memref<512x3x80xf32, #tpu.memory_space<hbm>> -> memref<1x3x80xf32, #tpu.memory_space<hbm>>
          %dma_wait3A_141 = tpu.memref_squeeze %dma_wait3A_140 : memref<1x3x80xf32, #tpu.memory_space<hbm>> -> memref<3x80xf32, #tpu.memory_space<hbm>>
          %dma_wait3A_142 = arith.constant 0 : i32
          %dma_wait3A_143 = arith.constant 0 : i32
          %dma_wait3A_144 = tpu.memref_slice %arg4[%add3A_108, %dma_wait3A_142, %dma_wait3A_143] : memref<512x3x80xf32, #tpu.memory_space<hbm>> -> memref<1x3x80xf32, #tpu.memory_space<hbm>>
          %dma_wait3A_145 = tpu.memref_squeeze %dma_wait3A_144 : memref<1x3x80xf32, #tpu.memory_space<hbm>> -> memref<3x80xf32, #tpu.memory_space<hbm>>
          tpu.wait_dma2 semaphore(%run_scoped3A : memref<!tpu.dma_semaphore, #tpu.memory_space<semaphore_mem>>) src(%dma_wait3A_145 : memref<3x80xf32, #tpu.memory_space<hbm>>) dst(%arg8 : memref<3x80xf32, #tpu.memory_space<vmem>>)
          tpu.yield
        }) : () -> ()
        %dma_start3A_109 = arith.constant 0 : i32
        %dma_start3A_110 = arith.constant 0 : i32
        %dma_start3A_111 = tpu.memref_slice %arg6[%dma_start3A_109, %dma_start3A_110] : memref<3x64xi32, #tpu.memory_space<vmem>> -> memref<1x64xi32, #tpu.memory_space<vmem>>
        %dma_start3A_112 = tpu.memref_squeeze %dma_start3A_111 : memref<1x64xi32, #tpu.memory_space<vmem>> -> memref<64xi32, #tpu.memory_space<vmem>>
        %dma_start3A_113 = arith.constant 0 : i32
        %dma_start3A_114 = arith.constant 0 : i32
        %dma_start3A_115 = tpu.memref_slice %arg2[%dma_start3A_113, %dma_start3A_114] : memref<8192x256xf32, #tpu.memory_space<hbm>> -> memref<8192x256xf32, #tpu.memory_space<hbm>>
        tpu.enqueue_indirect_dma source(%dma_start3A_115 : memref<8192x256xf32, #tpu.memory_space<hbm>>) target(%arg10 : memref<64x256xf32, #tpu.memory_space<vmem>>) offsets(%dma_start3A_112 : memref<64xi32, #tpu.memory_space<vmem>>) semaphore(%arg17 : memref<!tpu.dma_semaphore, #tpu.memory_space<semaphore_mem>>)
        %dma_start3A_116 = arith.constant 1 : i32
        %dma_start3A_117 = arith.constant 0 : i32
        %dma_start3A_118 = tpu.memref_slice %arg6[%dma_start3A_116, %dma_start3A_117] : memref<3x64xi32, #tpu.memory_space<vmem>> -> memref<1x64xi32, #tpu.memory_space<vmem>>
        %dma_start3A_119 = tpu.memref_squeeze %dma_start3A_118 : memref<1x64xi32, #tpu.memory_space<vmem>> -> memref<64xi32, #tpu.memory_space<vmem>>
        %dma_start3A_120 = arith.constant 0 : i32
        %dma_start3A_121 = arith.constant 0 : i32
        %dma_start3A_122 = tpu.memref_slice %arg2[%dma_start3A_120, %dma_start3A_121] : memref<8192x256xf32, #tpu.memory_space<hbm>> -> memref<8192x256xf32, #tpu.memory_space<hbm>>
        tpu.enqueue_indirect_dma source(%dma_start3A_122 : memref<8192x256xf32, #tpu.memory_space<hbm>>) target(%arg11 : memref<64x256xf32, #tpu.memory_space<vmem>>) offsets(%dma_start3A_119 : memref<64xi32, #tpu.memory_space<vmem>>) semaphore(%arg18 : memref<!tpu.dma_semaphore, #tpu.memory_space<semaphore_mem>>)
        %dma_start3A_123 = arith.constant 2 : i32
        %dma_start3A_124 = arith.constant 0 : i32
        %dma_start3A_125 = tpu.memref_slice %arg6[%dma_start3A_123, %dma_start3A_124] : memref<3x64xi32, #tpu.memory_space<vmem>> -> memref<1x64xi32, #tpu.memory_space<vmem>>
        %dma_start3A_126 = tpu.memref_squeeze %dma_start3A_125 : memref<1x64xi32, #tpu.memory_space<vmem>> -> memref<64xi32, #tpu.memory_space<vmem>>
        %dma_start3A_127 = arith.constant 0 : i32
        %dma_start3A_128 = arith.constant 0 : i32
        %dma_start3A_129 = tpu.memref_slice %arg2[%dma_start3A_127, %dma_start3A_128] : memref<8192x256xf32, #tpu.memory_space<hbm>> -> memref<8192x256xf32, #tpu.memory_space<hbm>>
        tpu.enqueue_indirect_dma source(%dma_start3A_129 : memref<8192x256xf32, #tpu.memory_space<hbm>>) target(%arg12 : memref<64x256xf32, #tpu.memory_space<vmem>>) offsets(%dma_start3A_126 : memref<64xi32, #tpu.memory_space<vmem>>) semaphore(%arg19 : memref<!tpu.dma_semaphore, #tpu.memory_space<semaphore_mem>>)
      } else {
      }
      %dma_wait3A_78 = arith.constant 0 : i32
      %dma_wait3A_79 = arith.constant 0 : i32
      %dma_wait3A_80 = tpu.memref_slice %arg7[%dma_wait3A_78, %dma_wait3A_79] : memref<3x64xi32, #tpu.memory_space<vmem>> -> memref<1x64xi32, #tpu.memory_space<vmem>>
      %dma_wait3A_81 = tpu.memref_squeeze %dma_wait3A_80 : memref<1x64xi32, #tpu.memory_space<vmem>> -> memref<64xi32, #tpu.memory_space<vmem>>
      %dma_wait3A_82 = arith.constant 0 : i32
      %dma_wait3A_83 = arith.constant 0 : i32
      %dma_wait3A_84 = tpu.memref_slice %arg2[%dma_wait3A_82, %dma_wait3A_83] : memref<8192x256xf32, #tpu.memory_space<hbm>> -> memref<8192x256xf32, #tpu.memory_space<hbm>>
      tpu.wait_indirect_dma semaphore(%arg20 : memref<!tpu.dma_semaphore, #tpu.memory_space<semaphore_mem>>) src(%dma_wait3A_84 : memref<8192x256xf32, #tpu.memory_space<hbm>>) dst(%arg13 : memref<64x256xf32, #tpu.memory_space<vmem>>)
      %dma_wait3A_85 = arith.constant 1 : i32
      %dma_wait3A_86 = arith.constant 0 : i32
      %dma_wait3A_87 = tpu.memref_slice %arg7[%dma_wait3A_85, %dma_wait3A_86] : memref<3x64xi32, #tpu.memory_space<vmem>> -> memref<1x64xi32, #tpu.memory_space<vmem>>
      %dma_wait3A_88 = tpu.memref_squeeze %dma_wait3A_87 : memref<1x64xi32, #tpu.memory_space<vmem>> -> memref<64xi32, #tpu.memory_space<vmem>>
      %dma_wait3A_89 = arith.constant 0 : i32
      %dma_wait3A_90 = arith.constant 0 : i32
      %dma_wait3A_91 = tpu.memref_slice %arg2[%dma_wait3A_89, %dma_wait3A_90] : memref<8192x256xf32, #tpu.memory_space<hbm>> -> memref<8192x256xf32, #tpu.memory_space<hbm>>
      tpu.wait_indirect_dma semaphore(%arg21 : memref<!tpu.dma_semaphore, #tpu.memory_space<semaphore_mem>>) src(%dma_wait3A_91 : memref<8192x256xf32, #tpu.memory_space<hbm>>) dst(%arg14 : memref<64x256xf32, #tpu.memory_space<vmem>>)
      %dma_wait3A_92 = arith.constant 2 : i32
      %dma_wait3A_93 = arith.constant 0 : i32
      %dma_wait3A_94 = tpu.memref_slice %arg7[%dma_wait3A_92, %dma_wait3A_93] : memref<3x64xi32, #tpu.memory_space<vmem>> -> memref<1x64xi32, #tpu.memory_space<vmem>>
      %dma_wait3A_95 = tpu.memref_squeeze %dma_wait3A_94 : memref<1x64xi32, #tpu.memory_space<vmem>> -> memref<64xi32, #tpu.memory_space<vmem>>
      %dma_wait3A_96 = arith.constant 0 : i32
      %dma_wait3A_97 = arith.constant 0 : i32
      %dma_wait3A_98 = tpu.memref_slice %arg2[%dma_wait3A_96, %dma_wait3A_97] : memref<8192x256xf32, #tpu.memory_space<hbm>> -> memref<8192x256xf32, #tpu.memory_space<hbm>>
      tpu.wait_indirect_dma semaphore(%arg22 : memref<!tpu.dma_semaphore, #tpu.memory_space<semaphore_mem>>) src(%dma_wait3A_98 : memref<8192x256xf32, #tpu.memory_space<hbm>>) dst(%arg15 : memref<64x256xf32, #tpu.memory_space<vmem>>)
      %scan3A_99 = arith.constant 0 : i32
      %scan3A_100 = arith.constant 0 : i32
      %scan3A_101 = arith.constant 64 : i32
      %scan3A_102 = arith.addi %scan3A_100, %scan3A_101 : i32
      %scan3A_103 = arith.constant 1 : i32
      scf.for %scan3A_107 = %scan3A_100 to %scan3A_102 step %scan3A_103  : i32 {
        %get3A = arith.constant 0 : i32
        %get3A_108 = arith.index_cast %get3A : i32 to index
        %get3A_109 = arith.index_cast %scan3A_107 : i32 to index
        %get3A_110 = tpu.vector_load %arg9[%get3A_108, %get3A_109] {strides = array<i32>} : memref<3x80xf32, #tpu.memory_space<vmem>>, vector<1x16xf32>,
        %get3A_111 = vector.shape_cast %get3A_110 : vector<1x16xf32> to vector<16xf32>
        %slice3A = vector.extract_strided_slice %get3A_111 {offsets = [0], sizes = [1], strides = [1]} : vector<16xf32> to vector<1xf32>
        %squeeze3A = vector.extract %slice3A[0] : f32 from vector<1xf32>
        %get3A_112 = arith.constant 1 : i32
        %get3A_113 = arith.index_cast %get3A_112 : i32 to index
        %get3A_114 = arith.index_cast %scan3A_107 : i32 to index
        %get3A_115 = tpu.vector_load %arg9[%get3A_113, %get3A_114] {strides = array<i32>} : memref<3x80xf32, #tpu.memory_space<vmem>>, vector<1x16xf32>,
        %get3A_116 = vector.shape_cast %get3A_115 : vector<1x16xf32> to vector<16xf32>
        %slice3A_117 = vector.extract_strided_slice %get3A_116 {offsets = [0], sizes = [1], strides = [1]} : vector<16xf32> to vector<1xf32>
        %squeeze3A_118 = vector.extract %slice3A_117[0] : f32 from vector<1xf32>
        %get3A_119 = arith.constant 2 : i32
        %get3A_120 = arith.index_cast %get3A_119 : i32 to index
        %get3A_121 = arith.index_cast %scan3A_107 : i32 to index
        %get3A_122 = tpu.vector_load %arg9[%get3A_120, %get3A_121] {strides = array<i32>} : memref<3x80xf32, #tpu.memory_space<vmem>>, vector<1x16xf32>,
        %get3A_123 = vector.shape_cast %get3A_122 : vector<1x16xf32> to vector<16xf32>
        %slice3A_124 = vector.extract_strided_slice %get3A_123 {offsets = [0], sizes = [1], strides = [1]} : vector<16xf32> to vector<1xf32>
        %squeeze3A_125 = vector.extract %slice3A_124[0] : f32 from vector<1xf32>
        %get3A_126 = arith.index_cast %scan3A_107 : i32 to index
        %get3A_127 = arith.constant 0 : index
        %get3A_128 = tpu.vector_load %arg13[%get3A_126, %get3A_127] {strides = array<i32>} : memref<64x256xf32, #tpu.memory_space<vmem>>, vector<1x16xf32>,
        %get3A_129 = vector.shape_cast %get3A_128 : vector<1x16xf32> to vector<16xf32>
        %mul3A_130 = vector.broadcast %squeeze3A : f32 to vector<16xf32>
        %mul3A_131 = arith.mulf %get3A_129, %mul3A_130 : vector<16xf32>
        %get3A_132 = arith.index_cast %scan3A_107 : i32 to index
        %get3A_133 = arith.constant 0 : index
        %get3A_134 = tpu.vector_load %arg14[%get3A_132, %get3A_133] {strides = array<i32>} : memref<64x256xf32, #tpu.memory_space<vmem>>, vector<1x16xf32>,
        %get3A_135 = vector.shape_cast %get3A_134 : vector<1x16xf32> to vector<16xf32>
        %mul3A_136 = vector.broadcast %squeeze3A_118 : f32 to vector<16xf32>
        %mul3A_137 = arith.mulf %get3A_135, %mul3A_136 : vector<16xf32>
        %add3A_138 = arith.addf %mul3A_131, %mul3A_137 : vector<16xf32>
        %get3A_139 = arith.index_cast %scan3A_107 : i32 to index
        %get3A_140 = arith.constant 0 : index
        %get3A_141 = tpu.vector_load %arg15[%get3A_139, %get3A_140] {strides = array<i32>} : memref<64x256xf32, #tpu.memory_space<vmem>>, vector<1x16xf32>,
        %get3A_142 = vector.shape_cast %get3A_141 : vector<1x16xf32> to vector<16xf32>
        %mul3A_143 = vector.broadcast %squeeze3A_125 : f32 to vector<16xf32>
        %mul3A_144 = arith.mulf %get3A_142, %mul3A_143 : vector<16xf32>
        %add3A_145 = arith.addf %add3A_138, %mul3A_144 : vector<16xf32>
        %swap3A = arith.index_cast %scan3A_107 : i32 to index
        %swap3A_146 = arith.constant 0 : index
        %swap3A_147 = tpu.vector_load %arg16[%swap3A, %swap3A_146] {strides = array<i32>} : memref<64x256xf32, #tpu.memory_space<vmem>>, vector<1x16xf32>,
        %swap3A_148 = vector.shape_cast %swap3A_147 : vector<1x16xf32> to vector<16xf32>
        %swap3A_149 = vector.shape_cast %add3A_145 : vector<16xf32> to vector<1x16xf32>
        tpu.vector_store %arg16[%swap3A, %swap3A_146], %swap3A_149 {strides = array<i32>} : memref<64x256xf32, #tpu.memory_space<vmem>>, vector<1x16xf32>,
        %get3A_150 = arith.index_cast %scan3A_107 : i32 to index
        %get3A_151 = arith.constant 16 : index
        %get3A_152 = tpu.vector_load %arg13[%get3A_150, %get3A_151] {strides = array<i32>} : memref<64x256xf32, #tpu.memory_space<vmem>>, vector<1x16xf32>,
        %get3A_153 = vector.shape_cast %get3A_152 : vector<1x16xf32> to vector<16xf32>
        %mul3A_154 = vector.broadcast %squeeze3A : f32 to vector<16xf32>
        %mul3A_155 = arith.mulf %get3A_153, %mul3A_154 : vector<16xf32>
        %get3A_156 = arith.index_cast %scan3A_107 : i32 to index
        %get3A_157 = arith.constant 16 : index
        %get3A_158 = tpu.vector_load %arg14[%get3A_156, %get3A_157] {strides = array<i32>} : memref<64x256xf32, #tpu.memory_space<vmem>>, vector<1x16xf32>,
        %get3A_159 = vector.shape_cast %get3A_158 : vector<1x16xf32> to vector<16xf32>
        %mul3A_160 = vector.broadcast %squeeze3A_118 : f32 to vector<16xf32>
        %mul3A_161 = arith.mulf %get3A_159, %mul3A_160 : vector<16xf32>
        %add3A_162 = arith.addf %mul3A_155, %mul3A_161 : vector<16xf32>
        %get3A_163 = arith.index_cast %scan3A_107 : i32 to index
        %get3A_164 = arith.constant 16 : index
        %get3A_165 = tpu.vector_load %arg15[%get3A_163, %get3A_164] {strides = array<i32>} : memref<64x256xf32, #tpu.memory_space<vmem>>, vector<1x16xf32>,
        %get3A_166 = vector.shape_cast %get3A_165 : vector<1x16xf32> to vector<16xf32>
        %mul3A_167 = vector.broadcast %squeeze3A_125 : f32 to vector<16xf32>
        %mul3A_168 = arith.mulf %get3A_166, %mul3A_167 : vector<16xf32>
        %add3A_169 = arith.addf %add3A_162, %mul3A_168 : vector<16xf32>
        %swap3A_170 = arith.index_cast %scan3A_107 : i32 to index
        %swap3A_171 = arith.constant 16 : index
        %swap3A_172 = tpu.vector_load %arg16[%swap3A_170, %swap3A_171] {strides = array<i32>} : memref<64x256xf32, #tpu.memory_space<vmem>>, vector<1x16xf32>,
        %swap3A_173 = vector.shape_cast %swap3A_172 : vector<1x16xf32> to vector<16xf32>
        %swap3A_174 = vector.shape_cast %add3A_169 : vector<16xf32> to vector<1x16xf32>
        tpu.vector_store %arg16[%swap3A_170, %swap3A_171], %swap3A_174 {strides = array<i32>} : memref<64x256xf32, #tpu.memory_space<vmem>>, vector<1x16xf32>,
        %get3A_175 = arith.index_cast %scan3A_107 : i32 to index
        %get3A_176 = arith.constant 32 : index
        %get3A_177 = tpu.vector_load %arg13[%get3A_175, %get3A_176] {strides = array<i32>} : memref<64x256xf32, #tpu.memory_space<vmem>>, vector<1x16xf32>,
        %get3A_178 = vector.shape_cast %get3A_177 : vector<1x16xf32> to vector<16xf32>
        %mul3A_179 = vector.broadcast %squeeze3A : f32 to vector<16xf32>
        %mul3A_180 = arith.mulf %get3A_178, %mul3A_179 : vector<16xf32>
        %get3A_181 = arith.index_cast %scan3A_107 : i32 to index
        %get3A_182 = arith.constant 32 : index
        %get3A_183 = tpu.vector_load %arg14[%get3A_181, %get3A_182] {strides = array<i32>} : memref<64x256xf32, #tpu.memory_space<vmem>>, vector<1x16xf32>,
        %get3A_184 = vector.shape_cast %get3A_183 : vector<1x16xf32> to vector<16xf32>
        %mul3A_185 = vector.broadcast %squeeze3A_118 : f32 to vector<16xf32>
        %mul3A_186 = arith.mulf %get3A_184, %mul3A_185 : vector<16xf32>
        %add3A_187 = arith.addf %mul3A_180, %mul3A_186 : vector<16xf32>
        %get3A_188 = arith.index_cast %scan3A_107 : i32 to index
        %get3A_189 = arith.constant 32 : index
        %get3A_190 = tpu.vector_load %arg15[%get3A_188, %get3A_189] {strides = array<i32>} : memref<64x256xf32, #tpu.memory_space<vmem>>, vector<1x16xf32>,
        %get3A_191 = vector.shape_cast %get3A_190 : vector<1x16xf32> to vector<16xf32>
        %mul3A_192 = vector.broadcast %squeeze3A_125 : f32 to vector<16xf32>
        %mul3A_193 = arith.mulf %get3A_191, %mul3A_192 : vector<16xf32>
        %add3A_194 = arith.addf %add3A_187, %mul3A_193 : vector<16xf32>
        %swap3A_195 = arith.index_cast %scan3A_107 : i32 to index
        %swap3A_196 = arith.constant 32 : index
        %swap3A_197 = tpu.vector_load %arg16[%swap3A_195, %swap3A_196] {strides = array<i32>} : memref<64x256xf32, #tpu.memory_space<vmem>>, vector<1x16xf32>,
        %swap3A_198 = vector.shape_cast %swap3A_197 : vector<1x16xf32> to vector<16xf32>
        %swap3A_199 = vector.shape_cast %add3A_194 : vector<16xf32> to vector<1x16xf32>
        tpu.vector_store %arg16[%swap3A_195, %swap3A_196], %swap3A_199 {strides = array<i32>} : memref<64x256xf32, #tpu.memory_space<vmem>>, vector<1x16xf32>,
        %get3A_200 = arith.index_cast %scan3A_107 : i32 to index
        %get3A_201 = arith.constant 48 : index
        %get3A_202 = tpu.vector_load %arg13[%get3A_200, %get3A_201] {strides = array<i32>} : memref<64x256xf32, #tpu.memory_space<vmem>>, vector<1x16xf32>,
        %get3A_203 = vector.shape_cast %get3A_202 : vector<1x16xf32> to vector<16xf32>
        %mul3A_204 = vector.broadcast %squeeze3A : f32 to vector<16xf32>
        %mul3A_205 = arith.mulf %get3A_203, %mul3A_204 : vector<16xf32>
        %get3A_206 = arith.index_cast %scan3A_107 : i32 to index
        %get3A_207 = arith.constant 48 : index
        %get3A_208 = tpu.vector_load %arg14[%get3A_206, %get3A_207] {strides = array<i32>} : memref<64x256xf32, #tpu.memory_space<vmem>>, vector<1x16xf32>,
        %get3A_209 = vector.shape_cast %get3A_208 : vector<1x16xf32> to vector<16xf32>
        %mul3A_210 = vector.broadcast %squeeze3A_118 : f32 to vector<16xf32>
        %mul3A_211 = arith.mulf %get3A_209, %mul3A_210 : vector<16xf32>
        %add3A_212 = arith.addf %mul3A_205, %mul3A_211 : vector<16xf32>
        %get3A_213 = arith.index_cast %scan3A_107 : i32 to index
        %get3A_214 = arith.constant 48 : index
        %get3A_215 = tpu.vector_load %arg15[%get3A_213, %get3A_214] {strides = array<i32>} : memref<64x256xf32, #tpu.memory_space<vmem>>, vector<1x16xf32>,
        %get3A_216 = vector.shape_cast %get3A_215 : vector<1x16xf32> to vector<16xf32>
        %mul3A_217 = vector.broadcast %squeeze3A_125 : f32 to vector<16xf32>
        %mul3A_218 = arith.mulf %get3A_216, %mul3A_217 : vector<16xf32>
        %add3A_219 = arith.addf %add3A_212, %mul3A_218 : vector<16xf32>
        %swap3A_220 = arith.index_cast %scan3A_107 : i32 to index
        %swap3A_221 = arith.constant 48 : index
        %swap3A_222 = tpu.vector_load %arg16[%swap3A_220, %swap3A_221] {strides = array<i32>} : memref<64x256xf32, #tpu.memory_space<vmem>>, vector<1x16xf32>,
        %swap3A_223 = vector.shape_cast %swap3A_222 : vector<1x16xf32> to vector<16xf32>
        %swap3A_224 = vector.shape_cast %add3A_219 : vector<16xf32> to vector<1x16xf32>
        tpu.vector_store %arg16[%swap3A_220, %swap3A_221], %swap3A_224 {strides = array<i32>} : memref<64x256xf32, #tpu.memory_space<vmem>>, vector<1x16xf32>,
        %get3A_225 = arith.index_cast %scan3A_107 : i32 to index
        %get3A_226 = arith.constant 64 : index
        %get3A_227 = tpu.vector_load %arg13[%get3A_225, %get3A_226] {strides = array<i32>} : memref<64x256xf32, #tpu.memory_space<vmem>>, vector<1x16xf32>,
        %get3A_228 = vector.shape_cast %get3A_227 : vector<1x16xf32> to vector<16xf32>
        %mul3A_229 = vector.broadcast %squeeze3A : f32 to vector<16xf32>
        %mul3A_230 = arith.mulf %get3A_228, %mul3A_229 : vector<16xf32>
        %get3A_231 = arith.index_cast %scan3A_107 : i32 to index
        %get3A_232 = arith.constant 64 : index
        %get3A_233 = tpu.vector_load %arg14[%get3A_231, %get3A_232] {strides = array<i32>} : memref<64x256xf32, #tpu.memory_space<vmem>>, vector<1x16xf32>,
        %get3A_234 = vector.shape_cast %get3A_233 : vector<1x16xf32> to vector<16xf32>
        %mul3A_235 = vector.broadcast %squeeze3A_118 : f32 to vector<16xf32>
        %mul3A_236 = arith.mulf %get3A_234, %mul3A_235 : vector<16xf32>
        %add3A_237 = arith.addf %mul3A_230, %mul3A_236 : vector<16xf32>
        %get3A_238 = arith.index_cast %scan3A_107 : i32 to index
        %get3A_239 = arith.constant 64 : index
        %get3A_240 = tpu.vector_load %arg15[%get3A_238, %get3A_239] {strides = array<i32>} : memref<64x256xf32, #tpu.memory_space<vmem>>, vector<1x16xf32>,
        %get3A_241 = vector.shape_cast %get3A_240 : vector<1x16xf32> to vector<16xf32>
        %mul3A_242 = vector.broadcast %squeeze3A_125 : f32 to vector<16xf32>
        %mul3A_243 = arith.mulf %get3A_241, %mul3A_242 : vector<16xf32>
        %add3A_244 = arith.addf %add3A_237, %mul3A_243 : vector<16xf32>
        %swap3A_245 = arith.index_cast %scan3A_107 : i32 to index
        %swap3A_246 = arith.constant 64 : index
        %swap3A_247 = tpu.vector_load %arg16[%swap3A_245, %swap3A_246] {strides = array<i32>} : memref<64x256xf32, #tpu.memory_space<vmem>>, vector<1x16xf32>,
        %swap3A_248 = vector.shape_cast %swap3A_247 : vector<1x16xf32> to vector<16xf32>
        %swap3A_249 = vector.shape_cast %add3A_244 : vector<16xf32> to vector<1x16xf32>
        tpu.vector_store %arg16[%swap3A_245, %swap3A_246], %swap3A_249 {strides = array<i32>} : memref<64x256xf32, #tpu.memory_space<vmem>>, vector<1x16xf32>,
        %get3A_250 = arith.index_cast %scan3A_107 : i32 to index
        %get3A_251 = arith.constant 80 : index
        %get3A_252 = tpu.vector_load %arg13[%get3A_250, %get3A_251] {strides = array<i32>} : memref<64x256xf32, #tpu.memory_space<vmem>>, vector<1x16xf32>,
        %get3A_253 = vector.shape_cast %get3A_252 : vector<1x16xf32> to vector<16xf32>
        %mul3A_254 = vector.broadcast %squeeze3A : f32 to vector<16xf32>
        %mul3A_255 = arith.mulf %get3A_253, %mul3A_254 : vector<16xf32>
        %get3A_256 = arith.index_cast %scan3A_107 : i32 to index
        %get3A_257 = arith.constant 80 : index
        %get3A_258 = tpu.vector_load %arg14[%get3A_256, %get3A_257] {strides = array<i32>} : memref<64x256xf32, #tpu.memory_space<vmem>>, vector<1x16xf32>,
        %get3A_259 = vector.shape_cast %get3A_258 : vector<1x16xf32> to vector<16xf32>
        %mul3A_260 = vector.broadcast %squeeze3A_118 : f32 to vector<16xf32>
        %mul3A_261 = arith.mulf %get3A_259, %mul3A_260 : vector<16xf32>
        %add3A_262 = arith.addf %mul3A_255, %mul3A_261 : vector<16xf32>
        %get3A_263 = arith.index_cast %scan3A_107 : i32 to index
        %get3A_264 = arith.constant 80 : index
        %get3A_265 = tpu.vector_load %arg15[%get3A_263, %get3A_264] {strides = array<i32>} : memref<64x256xf32, #tpu.memory_space<vmem>>, vector<1x16xf32>,
        %get3A_266 = vector.shape_cast %get3A_265 : vector<1x16xf32> to vector<16xf32>
        %mul3A_267 = vector.broadcast %squeeze3A_125 : f32 to vector<16xf32>
        %mul3A_268 = arith.mulf %get3A_266, %mul3A_267 : vector<16xf32>
        %add3A_269 = arith.addf %add3A_262, %mul3A_268 : vector<16xf32>
        %swap3A_270 = arith.index_cast %scan3A_107 : i32 to index
        %swap3A_271 = arith.constant 80 : index
        %swap3A_272 = tpu.vector_load %arg16[%swap3A_270, %swap3A_271] {strides = array<i32>} : memref<64x256xf32, #tpu.memory_space<vmem>>, vector<1x16xf32>,
        %swap3A_273 = vector.shape_cast %swap3A_272 : vector<1x16xf32> to vector<16xf32>
        %swap3A_274 = vector.shape_cast %add3A_269 : vector<16xf32> to vector<1x16xf32>
        tpu.vector_store %arg16[%swap3A_270, %swap3A_271], %swap3A_274 {strides = array<i32>} : memref<64x256xf32, #tpu.memory_space<vmem>>, vector<1x16xf32>,
        %get3A_275 = arith.index_cast %scan3A_107 : i32 to index
        %get3A_276 = arith.constant 96 : index
        %get3A_277 = tpu.vector_load %arg13[%get3A_275, %get3A_276] {strides = array<i32>} : memref<64x256xf32, #tpu.memory_space<vmem>>, vector<1x16xf32>,
        %get3A_278 = vector.shape_cast %get3A_277 : vector<1x16xf32> to vector<16xf32>
        %mul3A_279 = vector.broadcast %squeeze3A : f32 to vector<16xf32>
        %mul3A_280 = arith.mulf %get3A_278, %mul3A_279 : vector<16xf32>
        %get3A_281 = arith.index_cast %scan3A_107 : i32 to index
        %get3A_282 = arith.constant 96 : index
        %get3A_283 = tpu.vector_load %arg14[%get3A_281, %get3A_282] {strides = array<i32>} : memref<64x256xf32, #tpu.memory_space<vmem>>, vector<1x16xf32>,
        %get3A_284 = vector.shape_cast %get3A_283 : vector<1x16xf32> to vector<16xf32>
        %mul3A_285 = vector.broadcast %squeeze3A_118 : f32 to vector<16xf32>
        %mul3A_286 = arith.mulf %get3A_284, %mul3A_285 : vector<16xf32>
        %add3A_287 = arith.addf %mul3A_280, %mul3A_286 : vector<16xf32>
        %get3A_288 = arith.index_cast %scan3A_107 : i32 to index
        %get3A_289 = arith.constant 96 : index
        %get3A_290 = tpu.vector_load %arg15[%get3A_288, %get3A_289] {strides = array<i32>} : memref<64x256xf32, #tpu.memory_space<vmem>>, vector<1x16xf32>,
        %get3A_291 = vector.shape_cast %get3A_290 : vector<1x16xf32> to vector<16xf32>
        %mul3A_292 = vector.broadcast %squeeze3A_125 : f32 to vector<16xf32>
        %mul3A_293 = arith.mulf %get3A_291, %mul3A_292 : vector<16xf32>
        %add3A_294 = arith.addf %add3A_287, %mul3A_293 : vector<16xf32>
        %swap3A_295 = arith.index_cast %scan3A_107 : i32 to index
        %swap3A_296 = arith.constant 96 : index
        %swap3A_297 = tpu.vector_load %arg16[%swap3A_295, %swap3A_296] {strides = array<i32>} : memref<64x256xf32, #tpu.memory_space<vmem>>, vector<1x16xf32>,
        %swap3A_298 = vector.shape_cast %swap3A_297 : vector<1x16xf32> to vector<16xf32>
        %swap3A_299 = vector.shape_cast %add3A_294 : vector<16xf32> to vector<1x16xf32>
        tpu.vector_store %arg16[%swap3A_295, %swap3A_296], %swap3A_299 {strides = array<i32>} : memref<64x256xf32, #tpu.memory_space<vmem>>, vector<1x16xf32>,
        %get3A_300 = arith.index_cast %scan3A_107 : i32 to index
        %get3A_301 = arith.constant 112 : index
        %get3A_302 = tpu.vector_load %arg13[%get3A_300, %get3A_301] {strides = array<i32>} : memref<64x256xf32, #tpu.memory_space<vmem>>, vector<1x16xf32>,
        %get3A_303 = vector.shape_cast %get3A_302 : vector<1x16xf32> to vector<16xf32>
        %mul3A_304 = vector.broadcast %squeeze3A : f32 to vector<16xf32>
        %mul3A_305 = arith.mulf %get3A_303, %mul3A_304 : vector<16xf32>
        %get3A_306 = arith.index_cast %scan3A_107 : i32 to index
        %get3A_307 = arith.constant 112 : index
        %get3A_308 = tpu.vector_load %arg14[%get3A_306, %get3A_307] {strides = array<i32>} : memref<64x256xf32, #tpu.memory_space<vmem>>, vector<1x16xf32>,
        %get3A_309 = vector.shape_cast %get3A_308 : vector<1x16xf32> to vector<16xf32>
        %mul3A_310 = vector.broadcast %squeeze3A_118 : f32 to vector<16xf32>
        %mul3A_311 = arith.mulf %get3A_309, %mul3A_310 : vector<16xf32>
        %add3A_312 = arith.addf %mul3A_305, %mul3A_311 : vector<16xf32>
        %get3A_313 = arith.index_cast %scan3A_107 : i32 to index
        %get3A_314 = arith.constant 112 : index
        %get3A_315 = tpu.vector_load %arg15[%get3A_313, %get3A_314] {strides = array<i32>} : memref<64x256xf32, #tpu.memory_space<vmem>>, vector<1x16xf32>,
        %get3A_316 = vector.shape_cast %get3A_315 : vector<1x16xf32> to vector<16xf32>
        %mul3A_317 = vector.broadcast %squeeze3A_125 : f32 to vector<16xf32>
        %mul3A_318 = arith.mulf %get3A_316, %mul3A_317 : vector<16xf32>
        %add3A_319 = arith.addf %add3A_312, %mul3A_318 : vector<16xf32>
        %swap3A_320 = arith.index_cast %scan3A_107 : i32 to index
        %swap3A_321 = arith.constant 112 : index
        %swap3A_322 = tpu.vector_load %arg16[%swap3A_320, %swap3A_321] {strides = array<i32>} : memref<64x256xf32, #tpu.memory_space<vmem>>, vector<1x16xf32>,
        %swap3A_323 = vector.shape_cast %swap3A_322 : vector<1x16xf32> to vector<16xf32>
        %swap3A_324 = vector.shape_cast %add3A_319 : vector<16xf32> to vector<1x16xf32>
        tpu.vector_store %arg16[%swap3A_320, %swap3A_321], %swap3A_324 {strides = array<i32>} : memref<64x256xf32, #tpu.memory_space<vmem>>, vector<1x16xf32>,
        %get3A_325 = arith.index_cast %scan3A_107 : i32 to index
        %get3A_326 = arith.constant 128 : index
        %get3A_327 = tpu.vector_load %arg13[%get3A_325, %get3A_326] {strides = array<i32>} : memref<64x256xf32, #tpu.memory_space<vmem>>, vector<1x16xf32>,
        %get3A_328 = vector.shape_cast %get3A_327 : vector<1x16xf32> to vector<16xf32>
        %mul3A_329 = vector.broadcast %squeeze3A : f32 to vector<16xf32>
        %mul3A_330 = arith.mulf %get3A_328, %mul3A_329 : vector<16xf32>
        %get3A_331 = arith.index_cast %scan3A_107 : i32 to index
        %get3A_332 = arith.constant 128 : index
        %get3A_333 = tpu.vector_load %arg14[%get3A_331, %get3A_332] {strides = array<i32>} : memref<64x256xf32, #tpu.memory_space<vmem>>, vector<1x16xf32>,
        %get3A_334 = vector.shape_cast %get3A_333 : vector<1x16xf32> to vector<16xf32>
        %mul3A_335 = vector.broadcast %squeeze3A_118 : f32 to vector<16xf32>
        %mul3A_336 = arith.mulf %get3A_334, %mul3A_335 : vector<16xf32>
        %add3A_337 = arith.addf %mul3A_330, %mul3A_336 : vector<16xf32>
        %get3A_338 = arith.index_cast %scan3A_107 : i32 to index
        %get3A_339 = arith.constant 128 : index
        %get3A_340 = tpu.vector_load %arg15[%get3A_338, %get3A_339] {strides = array<i32>} : memref<64x256xf32, #tpu.memory_space<vmem>>, vector<1x16xf32>,
        %get3A_341 = vector.shape_cast %get3A_340 : vector<1x16xf32> to vector<16xf32>
        %mul3A_342 = vector.broadcast %squeeze3A_125 : f32 to vector<16xf32>
        %mul3A_343 = arith.mulf %get3A_341, %mul3A_342 : vector<16xf32>
        %add3A_344 = arith.addf %add3A_337, %mul3A_343 : vector<16xf32>
        %swap3A_345 = arith.index_cast %scan3A_107 : i32 to index
        %swap3A_346 = arith.constant 128 : index
        %swap3A_347 = tpu.vector_load %arg16[%swap3A_345, %swap3A_346] {strides = array<i32>} : memref<64x256xf32, #tpu.memory_space<vmem>>, vector<1x16xf32>,
        %swap3A_348 = vector.shape_cast %swap3A_347 : vector<1x16xf32> to vector<16xf32>
        %swap3A_349 = vector.shape_cast %add3A_344 : vector<16xf32> to vector<1x16xf32>
        tpu.vector_store %arg16[%swap3A_345, %swap3A_346], %swap3A_349 {strides = array<i32>} : memref<64x256xf32, #tpu.memory_space<vmem>>, vector<1x16xf32>,
        %get3A_350 = arith.index_cast %scan3A_107 : i32 to index
        %get3A_351 = arith.constant 144 : index
        %get3A_352 = tpu.vector_load %arg13[%get3A_350, %get3A_351] {strides = array<i32>} : memref<64x256xf32, #tpu.memory_space<vmem>>, vector<1x16xf32>,
        %get3A_353 = vector.shape_cast %get3A_352 : vector<1x16xf32> to vector<16xf32>
        %mul3A_354 = vector.broadcast %squeeze3A : f32 to vector<16xf32>
        %mul3A_355 = arith.mulf %get3A_353, %mul3A_354 : vector<16xf32>
        %get3A_356 = arith.index_cast %scan3A_107 : i32 to index
        %get3A_357 = arith.constant 144 : index
        %get3A_358 = tpu.vector_load %arg14[%get3A_356, %get3A_357] {strides = array<i32>} : memref<64x256xf32, #tpu.memory_space<vmem>>, vector<1x16xf32>,
        %get3A_359 = vector.shape_cast %get3A_358 : vector<1x16xf32> to vector<16xf32>
        %mul3A_360 = vector.broadcast %squeeze3A_118 : f32 to vector<16xf32>
        %mul3A_361 = arith.mulf %get3A_359, %mul3A_360 : vector<16xf32>
        %add3A_362 = arith.addf %mul3A_355, %mul3A_361 : vector<16xf32>
        %get3A_363 = arith.index_cast %scan3A_107 : i32 to index
        %get3A_364 = arith.constant 144 : index
        %get3A_365 = tpu.vector_load %arg15[%get3A_363, %get3A_364] {strides = array<i32>} : memref<64x256xf32, #tpu.memory_space<vmem>>, vector<1x16xf32>,
        %get3A_366 = vector.shape_cast %get3A_365 : vector<1x16xf32> to vector<16xf32>
        %mul3A_367 = vector.broadcast %squeeze3A_125 : f32 to vector<16xf32>
        %mul3A_368 = arith.mulf %get3A_366, %mul3A_367 : vector<16xf32>
        %add3A_369 = arith.addf %add3A_362, %mul3A_368 : vector<16xf32>
        %swap3A_370 = arith.index_cast %scan3A_107 : i32 to index
        %swap3A_371 = arith.constant 144 : index
        %swap3A_372 = tpu.vector_load %arg16[%swap3A_370, %swap3A_371] {strides = array<i32>} : memref<64x256xf32, #tpu.memory_space<vmem>>, vector<1x16xf32>,
        %swap3A_373 = vector.shape_cast %swap3A_372 : vector<1x16xf32> to vector<16xf32>
        %swap3A_374 = vector.shape_cast %add3A_369 : vector<16xf32> to vector<1x16xf32>
        tpu.vector_store %arg16[%swap3A_370, %swap3A_371], %swap3A_374 {strides = array<i32>} : memref<64x256xf32, #tpu.memory_space<vmem>>, vector<1x16xf32>,
        %get3A_375 = arith.index_cast %scan3A_107 : i32 to index
        %get3A_376 = arith.constant 160 : index
        %get3A_377 = tpu.vector_load %arg13[%get3A_375, %get3A_376] {strides = array<i32>} : memref<64x256xf32, #tpu.memory_space<vmem>>, vector<1x16xf32>,
        %get3A_378 = vector.shape_cast %get3A_377 : vector<1x16xf32> to vector<16xf32>
        %mul3A_379 = vector.broadcast %squeeze3A : f32 to vector<16xf32>
        %mul3A_380 = arith.mulf %get3A_378, %mul3A_379 : vector<16xf32>
        %get3A_381 = arith.index_cast %scan3A_107 : i32 to index
        %get3A_382 = arith.constant 160 : index
        %get3A_383 = tpu.vector_load %arg14[%get3A_381, %get3A_382] {strides = array<i32>} : memref<64x256xf32, #tpu.memory_space<vmem>>, vector<1x16xf32>,
        %get3A_384 = vector.shape_cast %get3A_383 : vector<1x16xf32> to vector<16xf32>
        %mul3A_385 = vector.broadcast %squeeze3A_118 : f32 to vector<16xf32>
        %mul3A_386 = arith.mulf %get3A_384, %mul3A_385 : vector<16xf32>
        %add3A_387 = arith.addf %mul3A_380, %mul3A_386 : vector<16xf32>
        %get3A_388 = arith.index_cast %scan3A_107 : i32 to index
        %get3A_389 = arith.constant 160 : index
        %get3A_390 = tpu.vector_load %arg15[%get3A_388, %get3A_389] {strides = array<i32>} : memref<64x256xf32, #tpu.memory_space<vmem>>, vector<1x16xf32>,
        %get3A_391 = vector.shape_cast %get3A_390 : vector<1x16xf32> to vector<16xf32>
        %mul3A_392 = vector.broadcast %squeeze3A_125 : f32 to vector<16xf32>
        %mul3A_393 = arith.mulf %get3A_391, %mul3A_392 : vector<16xf32>
        %add3A_394 = arith.addf %add3A_387, %mul3A_393 : vector<16xf32>
        %swap3A_395 = arith.index_cast %scan3A_107 : i32 to index
        %swap3A_396 = arith.constant 160 : index
        %swap3A_397 = tpu.vector_load %arg16[%swap3A_395, %swap3A_396] {strides = array<i32>} : memref<64x256xf32, #tpu.memory_space<vmem>>, vector<1x16xf32>,
        %swap3A_398 = vector.shape_cast %swap3A_397 : vector<1x16xf32> to vector<16xf32>
        %swap3A_399 = vector.shape_cast %add3A_394 : vector<16xf32> to vector<1x16xf32>
        tpu.vector_store %arg16[%swap3A_395, %swap3A_396], %swap3A_399 {strides = array<i32>} : memref<64x256xf32, #tpu.memory_space<vmem>>, vector<1x16xf32>,
        %get3A_400 = arith.index_cast %scan3A_107 : i32 to index
        %get3A_401 = arith.constant 176 : index
        %get3A_402 = tpu.vector_load %arg13[%get3A_400, %get3A_401] {strides = array<i32>} : memref<64x256xf32, #tpu.memory_space<vmem>>, vector<1x16xf32>,
        %get3A_403 = vector.shape_cast %get3A_402 : vector<1x16xf32> to vector<16xf32>
        %mul3A_404 = vector.broadcast %squeeze3A : f32 to vector<16xf32>
        %mul3A_405 = arith.mulf %get3A_403, %mul3A_404 : vector<16xf32>
        %get3A_406 = arith.index_cast %scan3A_107 : i32 to index
        %get3A_407 = arith.constant 176 : index
        %get3A_408 = tpu.vector_load %arg14[%get3A_406, %get3A_407] {strides = array<i32>} : memref<64x256xf32, #tpu.memory_space<vmem>>, vector<1x16xf32>,
        %get3A_409 = vector.shape_cast %get3A_408 : vector<1x16xf32> to vector<16xf32>
        %mul3A_410 = vector.broadcast %squeeze3A_118 : f32 to vector<16xf32>
        %mul3A_411 = arith.mulf %get3A_409, %mul3A_410 : vector<16xf32>
        %add3A_412 = arith.addf %mul3A_405, %mul3A_411 : vector<16xf32>
        %get3A_413 = arith.index_cast %scan3A_107 : i32 to index
        %get3A_414 = arith.constant 176 : index
        %get3A_415 = tpu.vector_load %arg15[%get3A_413, %get3A_414] {strides = array<i32>} : memref<64x256xf32, #tpu.memory_space<vmem>>, vector<1x16xf32>,
        %get3A_416 = vector.shape_cast %get3A_415 : vector<1x16xf32> to vector<16xf32>
        %mul3A_417 = vector.broadcast %squeeze3A_125 : f32 to vector<16xf32>
        %mul3A_418 = arith.mulf %get3A_416, %mul3A_417 : vector<16xf32>
        %add3A_419 = arith.addf %add3A_412, %mul3A_418 : vector<16xf32>
        %swap3A_420 = arith.index_cast %scan3A_107 : i32 to index
        %swap3A_421 = arith.constant 176 : index
        %swap3A_422 = tpu.vector_load %arg16[%swap3A_420, %swap3A_421] {strides = array<i32>} : memref<64x256xf32, #tpu.memory_space<vmem>>, vector<1x16xf32>,
        %swap3A_423 = vector.shape_cast %swap3A_422 : vector<1x16xf32> to vector<16xf32>
        %swap3A_424 = vector.shape_cast %add3A_419 : vector<16xf32> to vector<1x16xf32>
        tpu.vector_store %arg16[%swap3A_420, %swap3A_421], %swap3A_424 {strides = array<i32>} : memref<64x256xf32, #tpu.memory_space<vmem>>, vector<1x16xf32>,
        %get3A_425 = arith.index_cast %scan3A_107 : i32 to index
        %get3A_426 = arith.constant 192 : index
        %get3A_427 = tpu.vector_load %arg13[%get3A_425, %get3A_426] {strides = array<i32>} : memref<64x256xf32, #tpu.memory_space<vmem>>, vector<1x16xf32>,
        %get3A_428 = vector.shape_cast %get3A_427 : vector<1x16xf32> to vector<16xf32>
        %mul3A_429 = vector.broadcast %squeeze3A : f32 to vector<16xf32>
        %mul3A_430 = arith.mulf %get3A_428, %mul3A_429 : vector<16xf32>
        %get3A_431 = arith.index_cast %scan3A_107 : i32 to index
        %get3A_432 = arith.constant 192 : index
        %get3A_433 = tpu.vector_load %arg14[%get3A_431, %get3A_432] {strides = array<i32>} : memref<64x256xf32, #tpu.memory_space<vmem>>, vector<1x16xf32>,
        %get3A_434 = vector.shape_cast %get3A_433 : vector<1x16xf32> to vector<16xf32>
        %mul3A_435 = vector.broadcast %squeeze3A_118 : f32 to vector<16xf32>
        %mul3A_436 = arith.mulf %get3A_434, %mul3A_435 : vector<16xf32>
        %add3A_437 = arith.addf %mul3A_430, %mul3A_436 : vector<16xf32>
        %get3A_438 = arith.index_cast %scan3A_107 : i32 to index
        %get3A_439 = arith.constant 192 : index
        %get3A_440 = tpu.vector_load %arg15[%get3A_438, %get3A_439] {strides = array<i32>} : memref<64x256xf32, #tpu.memory_space<vmem>>, vector<1x16xf32>,
        %get3A_441 = vector.shape_cast %get3A_440 : vector<1x16xf32> to vector<16xf32>
        %mul3A_442 = vector.broadcast %squeeze3A_125 : f32 to vector<16xf32>
        %mul3A_443 = arith.mulf %get3A_441, %mul3A_442 : vector<16xf32>
        %add3A_444 = arith.addf %add3A_437, %mul3A_443 : vector<16xf32>
        %swap3A_445 = arith.index_cast %scan3A_107 : i32 to index
        %swap3A_446 = arith.constant 192 : index
        %swap3A_447 = tpu.vector_load %arg16[%swap3A_445, %swap3A_446] {strides = array<i32>} : memref<64x256xf32, #tpu.memory_space<vmem>>, vector<1x16xf32>,
        %swap3A_448 = vector.shape_cast %swap3A_447 : vector<1x16xf32> to vector<16xf32>
        %swap3A_449 = vector.shape_cast %add3A_444 : vector<16xf32> to vector<1x16xf32>
        tpu.vector_store %arg16[%swap3A_445, %swap3A_446], %swap3A_449 {strides = array<i32>} : memref<64x256xf32, #tpu.memory_space<vmem>>, vector<1x16xf32>,
        %get3A_450 = arith.index_cast %scan3A_107 : i32 to index
        %get3A_451 = arith.constant 208 : index
        %get3A_452 = tpu.vector_load %arg13[%get3A_450, %get3A_451] {strides = array<i32>} : memref<64x256xf32, #tpu.memory_space<vmem>>, vector<1x16xf32>,
        %get3A_453 = vector.shape_cast %get3A_452 : vector<1x16xf32> to vector<16xf32>
        %mul3A_454 = vector.broadcast %squeeze3A : f32 to vector<16xf32>
        %mul3A_455 = arith.mulf %get3A_453, %mul3A_454 : vector<16xf32>
        %get3A_456 = arith.index_cast %scan3A_107 : i32 to index
        %get3A_457 = arith.constant 208 : index
        %get3A_458 = tpu.vector_load %arg14[%get3A_456, %get3A_457] {strides = array<i32>} : memref<64x256xf32, #tpu.memory_space<vmem>>, vector<1x16xf32>,
        %get3A_459 = vector.shape_cast %get3A_458 : vector<1x16xf32> to vector<16xf32>
        %mul3A_460 = vector.broadcast %squeeze3A_118 : f32 to vector<16xf32>
        %mul3A_461 = arith.mulf %get3A_459, %mul3A_460 : vector<16xf32>
        %add3A_462 = arith.addf %mul3A_455, %mul3A_461 : vector<16xf32>
        %get3A_463 = arith.index_cast %scan3A_107 : i32 to index
        %get3A_464 = arith.constant 208 : index
        %get3A_465 = tpu.vector_load %arg15[%get3A_463, %get3A_464] {strides = array<i32>} : memref<64x256xf32, #tpu.memory_space<vmem>>, vector<1x16xf32>,
        %get3A_466 = vector.shape_cast %get3A_465 : vector<1x16xf32> to vector<16xf32>
        %mul3A_467 = vector.broadcast %squeeze3A_125 : f32 to vector<16xf32>
        %mul3A_468 = arith.mulf %get3A_466, %mul3A_467 : vector<16xf32>
        %add3A_469 = arith.addf %add3A_462, %mul3A_468 : vector<16xf32>
        %swap3A_470 = arith.index_cast %scan3A_107 : i32 to index
        %swap3A_471 = arith.constant 208 : index
        %swap3A_472 = tpu.vector_load %arg16[%swap3A_470, %swap3A_471] {strides = array<i32>} : memref<64x256xf32, #tpu.memory_space<vmem>>, vector<1x16xf32>,
        %swap3A_473 = vector.shape_cast %swap3A_472 : vector<1x16xf32> to vector<16xf32>
        %swap3A_474 = vector.shape_cast %add3A_469 : vector<16xf32> to vector<1x16xf32>
        tpu.vector_store %arg16[%swap3A_470, %swap3A_471], %swap3A_474 {strides = array<i32>} : memref<64x256xf32, #tpu.memory_space<vmem>>, vector<1x16xf32>,
        %get3A_475 = arith.index_cast %scan3A_107 : i32 to index
        %get3A_476 = arith.constant 224 : index
        %get3A_477 = tpu.vector_load %arg13[%get3A_475, %get3A_476] {strides = array<i32>} : memref<64x256xf32, #tpu.memory_space<vmem>>, vector<1x16xf32>,
        %get3A_478 = vector.shape_cast %get3A_477 : vector<1x16xf32> to vector<16xf32>
        %mul3A_479 = vector.broadcast %squeeze3A : f32 to vector<16xf32>
        %mul3A_480 = arith.mulf %get3A_478, %mul3A_479 : vector<16xf32>
        %get3A_481 = arith.index_cast %scan3A_107 : i32 to index
        %get3A_482 = arith.constant 224 : index
        %get3A_483 = tpu.vector_load %arg14[%get3A_481, %get3A_482] {strides = array<i32>} : memref<64x256xf32, #tpu.memory_space<vmem>>, vector<1x16xf32>,
        %get3A_484 = vector.shape_cast %get3A_483 : vector<1x16xf32> to vector<16xf32>
        %mul3A_485 = vector.broadcast %squeeze3A_118 : f32 to vector<16xf32>
        %mul3A_486 = arith.mulf %get3A_484, %mul3A_485 : vector<16xf32>
        %add3A_487 = arith.addf %mul3A_480, %mul3A_486 : vector<16xf32>
        %get3A_488 = arith.index_cast %scan3A_107 : i32 to index
        %get3A_489 = arith.constant 224 : index
        %get3A_490 = tpu.vector_load %arg15[%get3A_488, %get3A_489] {strides = array<i32>} : memref<64x256xf32, #tpu.memory_space<vmem>>, vector<1x16xf32>,
        %get3A_491 = vector.shape_cast %get3A_490 : vector<1x16xf32> to vector<16xf32>
        %mul3A_492 = vector.broadcast %squeeze3A_125 : f32 to vector<16xf32>
        %mul3A_493 = arith.mulf %get3A_491, %mul3A_492 : vector<16xf32>
        %add3A_494 = arith.addf %add3A_487, %mul3A_493 : vector<16xf32>
        %swap3A_495 = arith.index_cast %scan3A_107 : i32 to index
        %swap3A_496 = arith.constant 224 : index
        %swap3A_497 = tpu.vector_load %arg16[%swap3A_495, %swap3A_496] {strides = array<i32>} : memref<64x256xf32, #tpu.memory_space<vmem>>, vector<1x16xf32>,
        %swap3A_498 = vector.shape_cast %swap3A_497 : vector<1x16xf32> to vector<16xf32>
        %swap3A_499 = vector.shape_cast %add3A_494 : vector<16xf32> to vector<1x16xf32>
        tpu.vector_store %arg16[%swap3A_495, %swap3A_496], %swap3A_499 {strides = array<i32>} : memref<64x256xf32, #tpu.memory_space<vmem>>, vector<1x16xf32>,
        %get3A_500 = arith.index_cast %scan3A_107 : i32 to index
        %get3A_501 = arith.constant 240 : index
        %get3A_502 = tpu.vector_load %arg13[%get3A_500, %get3A_501] {strides = array<i32>} : memref<64x256xf32, #tpu.memory_space<vmem>>, vector<1x16xf32>,
        %get3A_503 = vector.shape_cast %get3A_502 : vector<1x16xf32> to vector<16xf32>
        %mul3A_504 = vector.broadcast %squeeze3A : f32 to vector<16xf32>
        %mul3A_505 = arith.mulf %get3A_503, %mul3A_504 : vector<16xf32>
        %get3A_506 = arith.index_cast %scan3A_107 : i32 to index
        %get3A_507 = arith.constant 240 : index
        %get3A_508 = tpu.vector_load %arg14[%get3A_506, %get3A_507] {strides = array<i32>} : memref<64x256xf32, #tpu.memory_space<vmem>>, vector<1x16xf32>,
        %get3A_509 = vector.shape_cast %get3A_508 : vector<1x16xf32> to vector<16xf32>
        %mul3A_510 = vector.broadcast %squeeze3A_118 : f32 to vector<16xf32>
        %mul3A_511 = arith.mulf %get3A_509, %mul3A_510 : vector<16xf32>
        %add3A_512 = arith.addf %mul3A_505, %mul3A_511 : vector<16xf32>
        %get3A_513 = arith.index_cast %scan3A_107 : i32 to index
        %get3A_514 = arith.constant 240 : index
        %get3A_515 = tpu.vector_load %arg15[%get3A_513, %get3A_514] {strides = array<i32>} : memref<64x256xf32, #tpu.memory_space<vmem>>, vector<1x16xf32>,
        %get3A_516 = vector.shape_cast %get3A_515 : vector<1x16xf32> to vector<16xf32>
        %mul3A_517 = vector.broadcast %squeeze3A_125 : f32 to vector<16xf32>
        %mul3A_518 = arith.mulf %get3A_516, %mul3A_517 : vector<16xf32>
        %add3A_519 = arith.addf %add3A_512, %mul3A_518 : vector<16xf32>
        %swap3A_520 = arith.index_cast %scan3A_107 : i32 to index
        %swap3A_521 = arith.constant 240 : index
        %swap3A_522 = tpu.vector_load %arg16[%swap3A_520, %swap3A_521] {strides = array<i32>} : memref<64x256xf32, #tpu.memory_space<vmem>>, vector<1x16xf32>,
        %swap3A_523 = vector.shape_cast %swap3A_522 : vector<1x16xf32> to vector<16xf32>
        %swap3A_524 = vector.shape_cast %add3A_519 : vector<16xf32> to vector<1x16xf32>
        tpu.vector_store %arg16[%swap3A_520, %swap3A_521], %swap3A_524 {strides = array<i32>} : memref<64x256xf32, #tpu.memory_space<vmem>>, vector<1x16xf32>,
      }
      %scan3A_104 = arith.constant 64 : i32
      %mul3A_105 = arith.constant 64 : i32
      %mul3A_106 = arith.muli %add3A_70, %mul3A_105 : i32
      "tpu.region"() ({
        %run_scoped3A = tpu.sem_alloc : memref<!tpu.dma_semaphore, #tpu.memory_space<semaphore_mem>>
        %dma_start3A_107 = arith.constant 0 : i32
        %dma_start3A_108 = tpu.memref_slice %arg5[%mul3A_106, %dma_start3A_107] : memref<32768x256xf32, #tpu.memory_space<hbm>> -> memref<64x256xf32, #tpu.memory_space<hbm>>
        %dma_start3A_109 = arith.constant 0 : i32
        %dma_start3A_110 = tpu.memref_slice %arg5[%mul3A_106, %dma_start3A_109] : memref<32768x256xf32, #tpu.memory_space<hbm>> -> memref<64x256xf32, #tpu.memory_space<hbm>>
        tpu.enqueue_dma source(%arg16 : memref<64x256xf32, #tpu.memory_space<vmem>>) target(%dma_start3A_110 : memref<64x256xf32, #tpu.memory_space<hbm>>) target_semaphore(%run_scoped3A : memref<!tpu.dma_semaphore, #tpu.memory_space<semaphore_mem>>)
        %dma_wait3A_111 = arith.constant 0 : i32
        %dma_wait3A_112 = tpu.memref_slice %arg5[%mul3A_106, %dma_wait3A_111] : memref<32768x256xf32, #tpu.memory_space<hbm>> -> memref<64x256xf32, #tpu.memory_space<hbm>>
        %dma_wait3A_113 = arith.constant 0 : i32
        %dma_wait3A_114 = tpu.memref_slice %arg5[%mul3A_106, %dma_wait3A_113] : memref<32768x256xf32, #tpu.memory_space<hbm>> -> memref<64x256xf32, #tpu.memory_space<hbm>>
        tpu.wait_dma2 semaphore(%run_scoped3A : memref<!tpu.dma_semaphore, #tpu.memory_space<semaphore_mem>>) src(%arg16 : memref<64x256xf32, #tpu.memory_space<vmem>>) dst(%dma_wait3A_114 : memref<64x256xf32, #tpu.memory_space<hbm>>)
        tpu.yield
      }) : () -> ()
    }
    %scan3A_27 = arith.constant 8 : i32
    return
  }
}

module attributes {stable_mosaic.version = 14 : i64} {
  func.func @_knn_body(%arg0: i32, %arg1: i32, %arg2: memref<1x1024x3xf32, #tpu.memory_space<vmem>>, %arg3: memref<1x3x1024xf32, #tpu.memory_space<vmem>>, %arg4: memref<16x3x64xi32, #tpu.memory_space<vmem>>, %arg5: memref<16x3x80xf32, #tpu.memory_space<vmem>>) attributes {dimension_semantics = [#tpu.dimension_semantics<arbitrary>, #tpu.dimension_semantics<arbitrary>], iteration_bounds = array<i64: 8, 4>, scalar_prefetch = 0 : i64, scratch_operands = 0 : i64, tpu.core_type = #tpu.core_type<tc>, window_params = [{transform_indices = @transform_0, window_bounds = array<i64: 1, 1024, 3>}, {transform_indices = @transform_1, window_bounds = array<i64: 1, 3, 1024>}, {transform_indices = @transform_2, window_bounds = array<i64: 16, 3, 64>}, {transform_indices = @transform_3, window_bounds = array<i64: 16, 3, 80>}]} {
    %get3A = arith.constant 0 : index
    %get3A_0 = arith.constant 0 : index
    %get3A_1 = arith.constant 0 : index
    %get3A_2 = vector.load %arg2[%get3A, %get3A_0, %get3A_1] : memref<1x1024x3xf32, #tpu.memory_space<vmem>>, vector<1x1024x3xf32>
    %get3A_3 = vector.shape_cast %get3A_2 : vector<1x1024x3xf32> to vector<1024x3xf32>
    %get3A_4 = arith.constant 0 : index
    %get3A_5 = arith.constant 0 : index
    %get3A_6 = arith.constant 0 : index
    %get3A_7 = vector.load %arg3[%get3A_4, %get3A_5, %get3A_6] : memref<1x3x1024xf32, #tpu.memory_space<vmem>>, vector<1x3x1024xf32>
    %get3A_8 = vector.shape_cast %get3A_7 : vector<1x3x1024xf32> to vector<3x1024xf32>
    %slice3A = vector.extract_strided_slice %get3A_3 {offsets = [0, 0], sizes = [1024, 1], strides = [1, 1]} : vector<1024x3xf32> to vector<1024x1xf32>
    %slice3A_9 = vector.extract_strided_slice %get3A_8 {offsets = [0, 0], sizes = [1, 1024], strides = [1, 1]} : vector<3x1024xf32> to vector<1x1024xf32>
    %sub3A = vector.broadcast %slice3A : vector<1024x1xf32> to vector<1024x1024xf32>
    %sub3A_10 = vector.broadcast %slice3A_9 : vector<1x1024xf32> to vector<1024x1024xf32>
    %sub3A_11 = arith.subf %sub3A, %sub3A_10 : vector<1024x1024xf32>
    %slice3A_12 = vector.extract_strided_slice %get3A_3 {offsets = [0, 1], sizes = [1024, 1], strides = [1, 1]} : vector<1024x3xf32> to vector<1024x1xf32>
    %slice3A_13 = vector.extract_strided_slice %get3A_8 {offsets = [1, 0], sizes = [1, 1024], strides = [1, 1]} : vector<3x1024xf32> to vector<1x1024xf32>
    %sub3A_14 = vector.broadcast %slice3A_12 : vector<1024x1xf32> to vector<1024x1024xf32>
    %sub3A_15 = vector.broadcast %slice3A_13 : vector<1x1024xf32> to vector<1024x1024xf32>
    %sub3A_16 = arith.subf %sub3A_14, %sub3A_15 : vector<1024x1024xf32>
    %slice3A_17 = vector.extract_strided_slice %get3A_3 {offsets = [0, 2], sizes = [1024, 1], strides = [1, 1]} : vector<1024x3xf32> to vector<1024x1xf32>
    %slice3A_18 = vector.extract_strided_slice %get3A_8 {offsets = [2, 0], sizes = [1, 1024], strides = [1, 1]} : vector<3x1024xf32> to vector<1x1024xf32>
    %sub3A_19 = vector.broadcast %slice3A_17 : vector<1024x1xf32> to vector<1024x1024xf32>
    %sub3A_20 = vector.broadcast %slice3A_18 : vector<1x1024xf32> to vector<1024x1024xf32>
    %sub3A_21 = arith.subf %sub3A_19, %sub3A_20 : vector<1024x1024xf32>
    %mul3A = arith.mulf %sub3A_11, %sub3A_11 : vector<1024x1024xf32>
    %mul3A_22 = arith.mulf %sub3A_16, %sub3A_16 : vector<1024x1024xf32>
    %add3A = arith.addf %mul3A, %mul3A_22 : vector<1024x1024xf32>
    %mul3A_23 = arith.mulf %sub3A_21, %sub3A_21 : vector<1024x1024xf32>
    %add3A_24 = arith.addf %add3A, %mul3A_23 : vector<1024x1024xf32>
    %max3A = arith.constant 1.000000e-30 : f32
    %max3A_25 = vector.broadcast %max3A : f32 to vector<1024x1024xf32>
    %max3A_26 = arith.maximumf %add3A_24, %max3A_25 : vector<1024x1024xf32>
    %iota3A = tpu.iota {dimensions = array<i32: 1>} : vector<1024x1024xi32>
    %bitcast_convert_type3A = tpu.bitcast %max3A_26 : vector<1024x1024xf32> -> vector<1024x1024xi32>
    %and3A = arith.constant -1024 : i32
    %and3A_27 = vector.broadcast %and3A : i32 to vector<1024x1024xi32>
    %and3A_28 = arith.andi %bitcast_convert_type3A, %and3A_27 : vector<1024x1024xi32>
    %or3A = arith.ori %and3A_28, %iota3A : vector<1024x1024xi32>
    %bitcast_convert_type3A_29 = tpu.bitcast %or3A : vector<1024x1024xi32> -> vector<1024x1024xf32>
    %reduce_min3A = arith.constant dense<0x7F800000> : vector<1024xf32>
    %reduce_min3A_30 = vector.multi_reduction <minimumf>, %bitcast_convert_type3A_29, %reduce_min3A [1] : vector<1024x1024xf32> to vector<1024xf32>
    %broadcast_in_dim3A = vector.shape_cast %reduce_min3A_30 : vector<1024xf32> to vector<1024x1xf32>
    %eq3A = vector.broadcast %broadcast_in_dim3A : vector<1024x1xf32> to vector<1024x1024xf32>
    %eq3A_31 = arith.cmpf oeq, %bitcast_convert_type3A_29, %eq3A : vector<1024x1024xf32>
    %jit3A = arith.constant 0x7F800000 : f32
    %broadcast_in_dim3A_32 = vector.broadcast %jit3A : f32 to vector<1024x1024xf32>
    %select_n3A = arith.select %eq3A_31, %broadcast_in_dim3A_32, %bitcast_convert_type3A_29 : vector<1024x1024xi1>, vector<1024x1024xf32>
    %reduce_min3A_33 = arith.constant dense<0x7F800000> : vector<1024xf32>
    %reduce_min3A_34 = vector.multi_reduction <minimumf>, %select_n3A, %reduce_min3A_33 [1] : vector<1024x1024xf32> to vector<1024xf32>
    %broadcast_in_dim3A_35 = vector.shape_cast %reduce_min3A_34 : vector<1024xf32> to vector<1024x1xf32>
    %eq3A_36 = vector.broadcast %broadcast_in_dim3A_35 : vector<1024x1xf32> to vector<1024x1024xf32>
    %eq3A_37 = arith.cmpf oeq, %select_n3A, %eq3A_36 : vector<1024x1024xf32>
    %jit3A_38 = arith.constant 0x7F800000 : f32
    %broadcast_in_dim3A_39 = vector.broadcast %jit3A_38 : f32 to vector<1024x1024xf32>
    %select_n3A_40 = arith.select %eq3A_37, %broadcast_in_dim3A_39, %select_n3A : vector<1024x1024xi1>, vector<1024x1024xf32>
    %reduce_min3A_41 = arith.constant dense<0x7F800000> : vector<1024xf32>
    %reduce_min3A_42 = vector.multi_reduction <minimumf>, %select_n3A_40, %reduce_min3A_41 [1] : vector<1024x1024xf32> to vector<1024xf32>
    %broadcast_in_dim3A_43 = vector.shape_cast %reduce_min3A_42 : vector<1024xf32> to vector<1024x1xf32>
    %bitcast_convert_type3A_44 = tpu.bitcast %broadcast_in_dim3A : vector<1024x1xf32> -> vector<1024x1xi32>
    %bitcast_convert_type3A_45 = tpu.bitcast %broadcast_in_dim3A_35 : vector<1024x1xf32> -> vector<1024x1xi32>
    %bitcast_convert_type3A_46 = tpu.bitcast %broadcast_in_dim3A_43 : vector<1024x1xf32> -> vector<1024x1xi32>
    %and3A_47 = arith.constant 1023 : i32
    %and3A_48 = vector.broadcast %and3A_47 : i32 to vector<1024x1xi32>
    %and3A_49 = arith.andi %bitcast_convert_type3A_44, %and3A_48 : vector<1024x1xi32>
    %and3A_50 = arith.constant 1023 : i32
    %and3A_51 = vector.broadcast %and3A_50 : i32 to vector<1024x1xi32>
    %and3A_52 = arith.andi %bitcast_convert_type3A_45, %and3A_51 : vector<1024x1xi32>
    %and3A_53 = arith.constant 1023 : i32
    %and3A_54 = vector.broadcast %and3A_53 : i32 to vector<1024x1xi32>
    %and3A_55 = arith.andi %bitcast_convert_type3A_46, %and3A_54 : vector<1024x1xi32>
    %concatenate3A = tpu.concatenate %and3A_49, %and3A_52, %and3A_55 in 1 : vector<1024x1xi32>, vector<1024x1xi32>, vector<1024x1xi32> -> vector<1024x3xi32>
    %and3A_56 = arith.constant -1024 : i32
    %and3A_57 = vector.broadcast %and3A_56 : i32 to vector<1024x1xi32>
    %and3A_58 = arith.andi %bitcast_convert_type3A_44, %and3A_57 : vector<1024x1xi32>
    %bitcast_convert_type3A_59 = tpu.bitcast %and3A_58 : vector<1024x1xi32> -> vector<1024x1xf32>
    %and3A_60 = arith.constant -1024 : i32
    %and3A_61 = vector.broadcast %and3A_60 : i32 to vector<1024x1xi32>
    %and3A_62 = arith.andi %bitcast_convert_type3A_45, %and3A_61 : vector<1024x1xi32>
    %bitcast_convert_type3A_63 = tpu.bitcast %and3A_62 : vector<1024x1xi32> -> vector<1024x1xf32>
    %and3A_64 = arith.constant -1024 : i32
    %and3A_65 = vector.broadcast %and3A_64 : i32 to vector<1024x1xi32>
    %and3A_66 = arith.andi %bitcast_convert_type3A_46, %and3A_65 : vector<1024x1xi32>
    %bitcast_convert_type3A_67 = tpu.bitcast %and3A_66 : vector<1024x1xi32> -> vector<1024x1xf32>
    %concatenate3A_68 = tpu.concatenate %bitcast_convert_type3A_59, %bitcast_convert_type3A_63, %bitcast_convert_type3A_67 in 1 : vector<1024x1xf32>, vector<1024x1xf32>, vector<1024x1xf32> -> vector<1024x3xf32>
    %add3A_69 = arith.constant 9.99999993E-9 : f32
    %add3A_70 = vector.broadcast %add3A_69 : f32 to vector<1024x3xf32>
    %add3A_71 = arith.addf %concatenate3A_68, %add3A_70 : vector<1024x3xf32>
    %div3A = arith.constant 1.000000e+00 : f32
    %div3A_72 = vector.broadcast %div3A : f32 to vector<1024x3xf32>
    %div3A_73 = arith.divf %div3A_72, %add3A_71 : vector<1024x3xf32>
    %reduce_sum3A = arith.constant dense<0.000000e+00> : vector<1024xf32>
    %reduce_sum3A_74 = vector.multi_reduction <add>, %div3A_73, %reduce_sum3A [1] : vector<1024x3xf32> to vector<1024xf32>
    %broadcast_in_dim3A_75 = vector.shape_cast %reduce_sum3A_74 : vector<1024xf32> to vector<1024x1xf32>
    %div3A_76 = vector.broadcast %broadcast_in_dim3A_75 : vector<1024x1xf32> to vector<1024x3xf32>
    %div3A_77 = arith.divf %div3A_73, %div3A_76 : vector<1024x3xf32>
    %mul3A_78 = arith.constant 1024 : i32
    %mul3A_79 = arith.muli %arg0, %mul3A_78 : i32
    %add3A_80 = vector.broadcast %mul3A_79 : i32 to vector<1024x3xi32>
    %add3A_81 = arith.addi %concatenate3A, %add3A_80 : vector<1024x3xi32>
    %reshape3A = vector.shape_cast %add3A_81 : vector<1024x3xi32> to vector<16x64x3xi32>
    %transpose3A = tpu.transpose %reshape3A, [0, 2, 1] : vector<16x64x3xi32> -> vector<16x3x64xi32>
    %swap3A = arith.constant 0 : index
    %swap3A_82 = arith.constant 0 : index
    %swap3A_83 = arith.constant 0 : index
    %swap3A_84 = vector.load %arg4[%swap3A, %swap3A_82, %swap3A_83] : memref<16x3x64xi32, #tpu.memory_space<vmem>>, vector<16x3x64xi32>
    tpu.vector_store %arg4[%swap3A, %swap3A_82, %swap3A_83], %transpose3A {strides = array<i32>} : memref<16x3x64xi32, #tpu.memory_space<vmem>>, vector<16x3x64xi32>,
    %reshape3A_85 = vector.shape_cast %div3A_77 : vector<1024x3xf32> to vector<16x64x3xf32>
    %transpose3A_86 = tpu.transpose %reshape3A_85, [0, 2, 1] : vector<16x64x3xf32> -> vector<16x3x64xf32>
    %broadcast_in_dim3A_87 = arith.constant 0.000000e+00 : f32
    %broadcast_in_dim3A_88 = vector.broadcast %broadcast_in_dim3A_87 : f32 to vector<16x3x16xf32>
    %concatenate3A_89 = tpu.concatenate %transpose3A_86, %broadcast_in_dim3A_88 in 2 : vector<16x3x64xf32>, vector<16x3x16xf32> -> vector<16x3x80xf32>
    %swap3A_90 = arith.constant 0 : index
    %swap3A_91 = arith.constant 0 : index
    %swap3A_92 = arith.constant 0 : index
    %swap3A_93 = vector.load %arg5[%swap3A_90, %swap3A_91, %swap3A_92] : memref<16x3x80xf32, #tpu.memory_space<vmem>>, vector<16x3x80xf32>
    tpu.vector_store %arg5[%swap3A_90, %swap3A_91, %swap3A_92], %concatenate3A_89 {strides = array<i32>} : memref<16x3x80xf32, #tpu.memory_space<vmem>>, vector<16x3x80xf32>,
    return
  }
  func.func @transform_0(%arg0: i32, %arg1: i32) -> (i32, i32, i32) {
    %c0_i32 = arith.constant 0 : i32
    %c0_i32_0 = arith.constant 0 : i32
    return %arg0, %arg1, %c0_i32 : i32, i32, i32
  }
  func.func @transform_1(%arg0: i32, %arg1: i32) -> (i32, i32, i32) {
    %c0_i32 = arith.constant 0 : i32
    %c0_i32_0 = arith.constant 0 : i32
    %c0_i32_1 = arith.constant 0 : i32
    return %arg0, %c0_i32, %c0_i32_0 : i32, i32, i32
  }
  func.func @transform_2(%arg0: i32, %arg1: i32) -> (i32, i32, i32) {
    %mul3A = arith.constant 4 : i32
    %mul3A_0 = arith.muli %arg0, %mul3A : i32
    %add3A = arith.addi %mul3A_0, %arg1 : i32
    %c0_i32 = arith.constant 0 : i32
    %c0_i32_1 = arith.constant 0 : i32
    %c0_i32_2 = arith.constant 0 : i32
    return %add3A, %c0_i32, %c0_i32_1 : i32, i32, i32
  }
  func.func @transform_3(%arg0: i32, %arg1: i32) -> (i32, i32, i32) {
    %mul3A = arith.constant 4 : i32
    %mul3A_0 = arith.muli %arg0, %mul3A : i32
    %add3A = arith.addi %mul3A_0, %arg1 : i32
    %c0_i32 = arith.constant 0 : i32
    %c0_i32_1 = arith.constant 0 : i32
    %c0_i32_2 = arith.constant 0 : i32
    return %add3A, %c0_i32, %c0_i32_1 : i32, i32, i32
  }
}

module attributes {stable_mosaic.version = 14 : i64} {
  func.func @_mm_bn_relu_small(%arg0: memref<8192x512xf32, #tpu.memory_space<vmem>>, %arg1: memref<512x256xf32, #tpu.memory_space<vmem>>, %arg2: memref<1x256xf32, #tpu.memory_space<vmem>>, %arg3: memref<1x256xf32, #tpu.memory_space<vmem>>, %arg4: memref<1x256xf32, #tpu.memory_space<vmem>>, %arg5: memref<8192x256xf32, #tpu.memory_space<vmem>>) attributes {dimension_semantics = [], scalar_prefetch = 0 : i64, scratch_operands = 0 : i64, tpu.core_type = #tpu.core_type<tc>} {
    %get3A = arith.constant 0 : index
    %get3A_0 = arith.constant 0 : index
    %get3A_1 = vector.load %arg0[%get3A, %get3A_0] : memref<8192x512xf32, #tpu.memory_space<vmem>>, vector<8192x512xf32>
    %get3A_2 = arith.constant 0 : index
    %get3A_3 = arith.constant 0 : index
    %get3A_4 = vector.load %arg1[%get3A_2, %get3A_3] : memref<512x256xf32, #tpu.memory_space<vmem>>, vector<512x256xf32>
    %dot_general3A = arith.constant dense<0.000000e+00> : vector<8192x256xf32>
    %dot_general3A_5 = tpu.matmul %get3A_1, %get3A_4, %dot_general3A {dimension_numbers = #tpu.dot_dimension_numbers<[1], [0], [0], [1], [0, 0, 1, 1], [], []>, transpose_lhs_hint = false} : vector<8192x512xf32>, vector<512x256xf32>, vector<8192x256xf32> -> vector<8192x256xf32>
    %get3A_6 = arith.constant 0 : index
    %get3A_7 = arith.constant 0 : index
    %get3A_8 = vector.load %arg2[%get3A_6, %get3A_7] : memref<1x256xf32, #tpu.memory_space<vmem>>, vector<1x256xf32>
    %add3A = vector.broadcast %get3A_8 : vector<1x256xf32> to vector<8192x256xf32>
    %add3A_9 = arith.addf %dot_general3A_5, %add3A : vector<8192x256xf32>
    %reduce_sum3A = arith.constant dense<0.000000e+00> : vector<256xf32>
    %reduce_sum3A_10 = vector.multi_reduction <add>, %add3A_9, %reduce_sum3A [0] : vector<8192x256xf32> to vector<256xf32>
    %broadcast_in_dim3A = vector.shape_cast %reduce_sum3A_10 : vector<256xf32> to vector<1x256xf32>
    %div3A = arith.constant 8.192000e+03 : f32
    %div3A_11 = vector.broadcast %div3A : f32 to vector<1x256xf32>
    %div3A_12 = arith.divf %broadcast_in_dim3A, %div3A_11 : vector<1x256xf32>
    %sub3A = vector.broadcast %div3A_12 : vector<1x256xf32> to vector<8192x256xf32>
    %sub3A_13 = arith.subf %add3A_9, %sub3A : vector<8192x256xf32>
    %mul3A = arith.mulf %sub3A_13, %sub3A_13 : vector<8192x256xf32>
    %reduce_sum3A_14 = arith.constant dense<0.000000e+00> : vector<256xf32>
    %reduce_sum3A_15 = vector.multi_reduction <add>, %mul3A, %reduce_sum3A_14 [0] : vector<8192x256xf32> to vector<256xf32>
    %broadcast_in_dim3A_16 = vector.shape_cast %reduce_sum3A_15 : vector<256xf32> to vector<1x256xf32>
    %div3A_17 = arith.constant 8.192000e+03 : f32
    %div3A_18 = vector.broadcast %div3A_17 : f32 to vector<1x256xf32>
    %div3A_19 = arith.divf %broadcast_in_dim3A_16, %div3A_18 : vector<1x256xf32>
    %get3A_20 = arith.constant 0 : index
    %get3A_21 = arith.constant 0 : index
    %get3A_22 = vector.load %arg3[%get3A_20, %get3A_21] : memref<1x256xf32, #tpu.memory_space<vmem>>, vector<1x256xf32>
    %mul3A_23 = vector.broadcast %get3A_22 : vector<1x256xf32> to vector<8192x256xf32>
    %mul3A_24 = arith.mulf %mul3A_23, %sub3A_13 : vector<8192x256xf32>
    %add3A_25 = arith.constant 9.99999974E-6 : f32
    %add3A_26 = vector.broadcast %add3A_25 : f32 to vector<1x256xf32>
    %add3A_27 = arith.addf %div3A_19, %add3A_26 : vector<1x256xf32>
    %rsqrt3A = math.rsqrt %add3A_27 : vector<1x256xf32>
    %mul3A_28 = vector.broadcast %rsqrt3A : vector<1x256xf32> to vector<8192x256xf32>
    %mul3A_29 = arith.mulf %mul3A_24, %mul3A_28 : vector<8192x256xf32>
    %get3A_30 = arith.constant 0 : index
    %get3A_31 = arith.constant 0 : index
    %get3A_32 = vector.load %arg4[%get3A_30, %get3A_31] : memref<1x256xf32, #tpu.memory_space<vmem>>, vector<1x256xf32>
    %add3A_33 = vector.broadcast %get3A_32 : vector<1x256xf32> to vector<8192x256xf32>
    %add3A_34 = arith.addf %mul3A_29, %add3A_33 : vector<8192x256xf32>
    %max3A = arith.constant 0.000000e+00 : f32
    %max3A_35 = vector.broadcast %max3A : f32 to vector<8192x256xf32>
    %max3A_36 = arith.maximumf %add3A_34, %max3A_35 : vector<8192x256xf32>
    %swap3A = arith.constant 0 : index
    %swap3A_37 = arith.constant 0 : index
    %swap3A_38 = vector.load %arg5[%swap3A, %swap3A_37] : memref<8192x256xf32, #tpu.memory_space<vmem>>, vector<8192x256xf32>
    tpu.vector_store %arg5[%swap3A, %swap3A_37], %max3A_36 {strides = array<i32>} : memref<8192x256xf32, #tpu.memory_space<vmem>>, vector<8192x256xf32>,
    return
  }
}

module attributes {stable_mosaic.version = 14 : i64} {
  func.func @_mm2_stats_body(%arg0: i32, %arg1: memref<1024x256xf32, #tpu.memory_space<vmem>>, %arg2: memref<256x256xf32, #tpu.memory_space<vmem>>, %arg3: memref<1x256xf32, #tpu.memory_space<vmem>>, %arg4: memref<1024x256xf32, #tpu.memory_space<vmem>>, %arg5: memref<1x256xf32, #tpu.memory_space<vmem>>, %arg6: memref<1x256xf32, #tpu.memory_space<vmem>>) attributes {dimension_semantics = [#tpu.dimension_semantics<arbitrary>], iteration_bounds = array<i64: 32>, scalar_prefetch = 0 : i64, scratch_operands = 0 : i64, tpu.core_type = #tpu.core_type<tc>, window_params = [{transform_indices = @transform_0, window_bounds = array<i64: 1024, 256>}, {pipeline_mode = #tpu.pipeline_mode<synchronous>, transform_indices = @transform_1, window_bounds = array<i64: 256, 256>}, {pipeline_mode = #tpu.pipeline_mode<synchronous>, transform_indices = @transform_2, window_bounds = array<i64: 1, 256>}, {transform_indices = @transform_3, window_bounds = array<i64: 1024, 256>}, {pipeline_mode = #tpu.pipeline_mode<synchronous>, transform_indices = @transform_4, window_bounds = array<i64: 1, 256>}, {pipeline_mode = #tpu.pipeline_mode<synchronous>, transform_indices = @transform_5, window_bounds = array<i64: 1, 256>}]} {
    %get3A = arith.constant 0 : index
    %get3A_0 = arith.constant 0 : index
    %get3A_1 = vector.load %arg1[%get3A, %get3A_0] : memref<1024x256xf32, #tpu.memory_space<vmem>>, vector<1024x256xf32>
    %get3A_2 = arith.constant 0 : index
    %get3A_3 = arith.constant 0 : index
    %get3A_4 = vector.load %arg2[%get3A_2, %get3A_3] : memref<256x256xf32, #tpu.memory_space<vmem>>, vector<256x256xf32>
    %dot_general3A = arith.constant dense<0.000000e+00> : vector<1024x256xf32>
    %dot_general3A_5 = tpu.matmul %get3A_1, %get3A_4, %dot_general3A {dimension_numbers = #tpu.dot_dimension_numbers<[1], [0], [0], [1], [0, 0, 1, 1], [], []>, transpose_lhs_hint = false} : vector<1024x256xf32>, vector<256x256xf32>, vector<1024x256xf32> -> vector<1024x256xf32>
    %get3A_6 = arith.constant 0 : index
    %get3A_7 = arith.constant 0 : index
    %get3A_8 = vector.load %arg3[%get3A_6, %get3A_7] : memref<1x256xf32, #tpu.memory_space<vmem>>, vector<1x256xf32>
    %add3A = vector.broadcast %get3A_8 : vector<1x256xf32> to vector<1024x256xf32>
    %add3A_9 = arith.addf %dot_general3A_5, %add3A : vector<1024x256xf32>
    %swap3A = arith.constant 0 : index
    %swap3A_10 = arith.constant 0 : index
    %swap3A_11 = vector.load %arg4[%swap3A, %swap3A_10] : memref<1024x256xf32, #tpu.memory_space<vmem>>, vector<1024x256xf32>
    tpu.vector_store %arg4[%swap3A, %swap3A_10], %add3A_9 {strides = array<i32>} : memref<1024x256xf32, #tpu.memory_space<vmem>>, vector<1024x256xf32>,
    %eq3A = arith.constant 0 : i32
    %eq3A_12 = arith.cmpi eq, %arg0, %eq3A : i32
    %convert_element_type3A = arith.extui %eq3A_12 : i1 to i32
    %cond3A = arith.constant 0 : i32
    %cond3A_13 = arith.cmpi ne, %convert_element_type3A, %cond3A : i32
    scf.if %cond3A_13 {
      %broadcast_in_dim3A_32 = arith.constant 0.000000e+00 : f32
      %broadcast_in_dim3A_33 = vector.broadcast %broadcast_in_dim3A_32 : f32 to vector<1x256xf32>
      %swap3A_34 = arith.constant 0 : index
      %swap3A_35 = arith.constant 0 : index
      %swap3A_36 = vector.load %arg5[%swap3A_34, %swap3A_35] : memref<1x256xf32, #tpu.memory_space<vmem>>, vector<1x256xf32>
      tpu.vector_store %arg5[%swap3A_34, %swap3A_35], %broadcast_in_dim3A_33 {strides = array<i32>} : memref<1x256xf32, #tpu.memory_space<vmem>>, vector<1x256xf32>,
      %broadcast_in_dim3A_37 = arith.constant 0.000000e+00 : f32
      %broadcast_in_dim3A_38 = vector.broadcast %broadcast_in_dim3A_37 : f32 to vector<1x256xf32>
      %swap3A_39 = arith.constant 0 : index
      %swap3A_40 = arith.constant 0 : index
      %swap3A_41 = vector.load %arg6[%swap3A_39, %swap3A_40] : memref<1x256xf32, #tpu.memory_space<vmem>>, vector<1x256xf32>
      tpu.vector_store %arg6[%swap3A_39, %swap3A_40], %broadcast_in_dim3A_38 {strides = array<i32>} : memref<1x256xf32, #tpu.memory_space<vmem>>, vector<1x256xf32>,
    } else {
    }
    %get3A_14 = arith.constant 0 : index
    %get3A_15 = arith.constant 0 : index
    %get3A_16 = vector.load %arg5[%get3A_14, %get3A_15] : memref<1x256xf32, #tpu.memory_space<vmem>>, vector<1x256xf32>
    %reduce_sum3A = arith.constant dense<0.000000e+00> : vector<256xf32>
    %reduce_sum3A_17 = vector.multi_reduction <add>, %add3A_9, %reduce_sum3A [0] : vector<1024x256xf32> to vector<256xf32>
    %broadcast_in_dim3A = vector.shape_cast %reduce_sum3A_17 : vector<256xf32> to vector<1x256xf32>
    %add3A_18 = arith.addf %get3A_16, %broadcast_in_dim3A : vector<1x256xf32>
    %swap3A_19 = arith.constant 0 : index
    %swap3A_20 = arith.constant 0 : index
    %swap3A_21 = vector.load %arg5[%swap3A_19, %swap3A_20] : memref<1x256xf32, #tpu.memory_space<vmem>>, vector<1x256xf32>
    tpu.vector_store %arg5[%swap3A_19, %swap3A_20], %add3A_18 {strides = array<i32>} : memref<1x256xf32, #tpu.memory_space<vmem>>, vector<1x256xf32>,
    %get3A_22 = arith.constant 0 : index
    %get3A_23 = arith.constant 0 : index
    %get3A_24 = vector.load %arg6[%get3A_22, %get3A_23] : memref<1x256xf32, #tpu.memory_space<vmem>>, vector<1x256xf32>
    %mul3A = arith.mulf %add3A_9, %add3A_9 : vector<1024x256xf32>
    %reduce_sum3A_25 = arith.constant dense<0.000000e+00> : vector<256xf32>
    %reduce_sum3A_26 = vector.multi_reduction <add>, %mul3A, %reduce_sum3A_25 [0] : vector<1024x256xf32> to vector<256xf32>
    %broadcast_in_dim3A_27 = vector.shape_cast %reduce_sum3A_26 : vector<256xf32> to vector<1x256xf32>
    %add3A_28 = arith.addf %get3A_24, %broadcast_in_dim3A_27 : vector<1x256xf32>
    %swap3A_29 = arith.constant 0 : index
    %swap3A_30 = arith.constant 0 : index
    %swap3A_31 = vector.load %arg6[%swap3A_29, %swap3A_30] : memref<1x256xf32, #tpu.memory_space<vmem>>, vector<1x256xf32>
    tpu.vector_store %arg6[%swap3A_29, %swap3A_30], %add3A_28 {strides = array<i32>} : memref<1x256xf32, #tpu.memory_space<vmem>>, vector<1x256xf32>,
    return
  }
  func.func @transform_0(%arg0: i32) -> (i32, i32) {
    %c0_i32 = arith.constant 0 : i32
    %c0_i32_0 = arith.constant 0 : i32
    return %arg0, %c0_i32 : i32, i32
  }
  func.func @transform_1(%arg0: i32) -> (i32, i32) {
    %c0_i32 = arith.constant 0 : i32
    %c0_i32_0 = arith.constant 0 : i32
    %c0_i32_1 = arith.constant 0 : i32
    return %c0_i32, %c0_i32_0 : i32, i32
  }
  func.func @transform_2(%arg0: i32) -> (i32, i32) {
    %c0_i32 = arith.constant 0 : i32
    %c0_i32_0 = arith.constant 0 : i32
    %c0_i32_1 = arith.constant 0 : i32
    return %c0_i32, %c0_i32_0 : i32, i32
  }
  func.func @transform_3(%arg0: i32) -> (i32, i32) {
    %c0_i32 = arith.constant 0 : i32
    %c0_i32_0 = arith.constant 0 : i32
    return %arg0, %c0_i32 : i32, i32
  }
  func.func @transform_4(%arg0: i32) -> (i32, i32) {
    %c0_i32 = arith.constant 0 : i32
    %c0_i32_0 = arith.constant 0 : i32
    %c0_i32_1 = arith.constant 0 : i32
    return %c0_i32, %c0_i32_0 : i32, i32
  }
  func.func @transform_5(%arg0: i32) -> (i32, i32) {
    %c0_i32 = arith.constant 0 : i32
    %c0_i32_0 = arith.constant 0 : i32
    %c0_i32_1 = arith.constant 0 : i32
    return %c0_i32, %c0_i32_0 : i32, i32
  }
}

module attributes {stable_mosaic.version = 14 : i64} {
  func.func @_bn_add_body(%arg0: i32, %arg1: memref<1024x256xf32, #tpu.memory_space<vmem>>, %arg2: memref<1x256xf32, #tpu.memory_space<vmem>>, %arg3: memref<1x256xf32, #tpu.memory_space<vmem>>, %arg4: memref<1x256xf32, #tpu.memory_space<vmem>>, %arg5: memref<1x256xf32, #tpu.memory_space<vmem>>, %arg6: memref<1024x256xf32, #tpu.memory_space<vmem>>, %arg7: memref<1024x256xf32, #tpu.memory_space<vmem>>) attributes {dimension_semantics = [#tpu.dimension_semantics<arbitrary>], iteration_bounds = array<i64: 32>, scalar_prefetch = 0 : i64, scratch_operands = 0 : i64, tpu.core_type = #tpu.core_type<tc>, window_params = [{transform_indices = @transform_0, window_bounds = array<i64: 1024, 256>}, {pipeline_mode = #tpu.pipeline_mode<synchronous>, transform_indices = @transform_1, window_bounds = array<i64: 1, 256>}, {pipeline_mode = #tpu.pipeline_mode<synchronous>, transform_indices = @transform_2, window_bounds = array<i64: 1, 256>}, {pipeline_mode = #tpu.pipeline_mode<synchronous>, transform_indices = @transform_3, window_bounds = array<i64: 1, 256>}, {pipeline_mode = #tpu.pipeline_mode<synchronous>, transform_indices = @transform_4, window_bounds = array<i64: 1, 256>}, {transform_indices = @transform_5, window_bounds = array<i64: 1024, 256>}, {transform_indices = @transform_6, window_bounds = array<i64: 1024, 256>}]} {
    %get3A = arith.constant 0 : index
    %get3A_0 = arith.constant 0 : index
    %get3A_1 = vector.load %arg2[%get3A, %get3A_0] : memref<1x256xf32, #tpu.memory_space<vmem>>, vector<1x256xf32>
    %div3A = arith.constant 3.276800e+04 : f32
    %div3A_2 = vector.broadcast %div3A : f32 to vector<1x256xf32>
    %div3A_3 = arith.divf %get3A_1, %div3A_2 : vector<1x256xf32>
    %get3A_4 = arith.constant 0 : index
    %get3A_5 = arith.constant 0 : index
    %get3A_6 = vector.load %arg3[%get3A_4, %get3A_5] : memref<1x256xf32, #tpu.memory_space<vmem>>, vector<1x256xf32>
    %div3A_7 = arith.constant 3.276800e+04 : f32
    %div3A_8 = vector.broadcast %div3A_7 : f32 to vector<1x256xf32>
    %div3A_9 = arith.divf %get3A_6, %div3A_8 : vector<1x256xf32>
    %mul3A = arith.mulf %div3A_3, %div3A_3 : vector<1x256xf32>
    %sub3A = arith.subf %div3A_9, %mul3A : vector<1x256xf32>
    %get3A_10 = arith.constant 0 : index
    %get3A_11 = arith.constant 0 : index
    %get3A_12 = vector.load %arg4[%get3A_10, %get3A_11] : memref<1x256xf32, #tpu.memory_space<vmem>>, vector<1x256xf32>
    %get3A_13 = arith.constant 0 : index
    %get3A_14 = arith.constant 0 : index
    %get3A_15 = vector.load %arg1[%get3A_13, %get3A_14] : memref<1024x256xf32, #tpu.memory_space<vmem>>, vector<1024x256xf32>
    %sub3A_16 = vector.broadcast %div3A_3 : vector<1x256xf32> to vector<1024x256xf32>
    %sub3A_17 = arith.subf %get3A_15, %sub3A_16 : vector<1024x256xf32>
    %mul3A_18 = vector.broadcast %get3A_12 : vector<1x256xf32> to vector<1024x256xf32>
    %mul3A_19 = arith.mulf %mul3A_18, %sub3A_17 : vector<1024x256xf32>
    %add3A = arith.constant 9.99999974E-6 : f32
    %add3A_20 = vector.broadcast %add3A : f32 to vector<1x256xf32>
    %add3A_21 = arith.addf %sub3A, %add3A_20 : vector<1x256xf32>
    %rsqrt3A = math.rsqrt %add3A_21 : vector<1x256xf32>
    %mul3A_22 = vector.broadcast %rsqrt3A : vector<1x256xf32> to vector<1024x256xf32>
    %mul3A_23 = arith.mulf %mul3A_19, %mul3A_22 : vector<1024x256xf32>
    %get3A_24 = arith.constant 0 : index
    %get3A_25 = arith.constant 0 : index
    %get3A_26 = vector.load %arg5[%get3A_24, %get3A_25] : memref<1x256xf32, #tpu.memory_space<vmem>>, vector<1x256xf32>
    %add3A_27 = vector.broadcast %get3A_26 : vector<1x256xf32> to vector<1024x256xf32>
    %add3A_28 = arith.addf %mul3A_23, %add3A_27 : vector<1024x256xf32>
    %max3A = arith.constant 0.000000e+00 : f32
    %max3A_29 = vector.broadcast %max3A : f32 to vector<1024x256xf32>
    %max3A_30 = arith.maximumf %add3A_28, %max3A_29 : vector<1024x256xf32>
    %get3A_31 = arith.constant 0 : index
    %get3A_32 = arith.constant 0 : index
    %get3A_33 = vector.load %arg6[%get3A_31, %get3A_32] : memref<1024x256xf32, #tpu.memory_space<vmem>>, vector<1024x256xf32>
    %add3A_34 = arith.addf %get3A_33, %max3A_30 : vector<1024x256xf32>
    %swap3A = arith.constant 0 : index
    %swap3A_35 = arith.constant 0 : index
    %swap3A_36 = vector.load %arg7[%swap3A, %swap3A_35] : memref<1024x256xf32, #tpu.memory_space<vmem>>, vector<1024x256xf32>
    tpu.vector_store %arg7[%swap3A, %swap3A_35], %add3A_34 {strides = array<i32>} : memref<1024x256xf32, #tpu.memory_space<vmem>>, vector<1024x256xf32>,
    return
  }
  func.func @transform_0(%arg0: i32) -> (i32, i32) {
    %c0_i32 = arith.constant 0 : i32
    %c0_i32_0 = arith.constant 0 : i32
    return %arg0, %c0_i32 : i32, i32
  }
  func.func @transform_1(%arg0: i32) -> (i32, i32) {
    %c0_i32 = arith.constant 0 : i32
    %c0_i32_0 = arith.constant 0 : i32
    %c0_i32_1 = arith.constant 0 : i32
    return %c0_i32, %c0_i32_0 : i32, i32
  }
  func.func @transform_2(%arg0: i32) -> (i32, i32) {
    %c0_i32 = arith.constant 0 : i32
    %c0_i32_0 = arith.constant 0 : i32
    %c0_i32_1 = arith.constant 0 : i32
    return %c0_i32, %c0_i32_0 : i32, i32
  }
  func.func @transform_3(%arg0: i32) -> (i32, i32) {
    %c0_i32 = arith.constant 0 : i32
    %c0_i32_0 = arith.constant 0 : i32
    %c0_i32_1 = arith.constant 0 : i32
    return %c0_i32, %c0_i32_0 : i32, i32
  }
  func.func @transform_4(%arg0: i32) -> (i32, i32) {
    %c0_i32 = arith.constant 0 : i32
    %c0_i32_0 = arith.constant 0 : i32
    %c0_i32_1 = arith.constant 0 : i32
    return %c0_i32, %c0_i32_0 : i32, i32
  }
  func.func @transform_5(%arg0: i32) -> (i32, i32) {
    %c0_i32 = arith.constant 0 : i32
    %c0_i32_0 = arith.constant 0 : i32
    return %arg0, %c0_i32 : i32, i32
  }
  func.func @transform_6(%arg0: i32) -> (i32, i32) {
    %c0_i32 = arith.constant 0 : i32
    %c0_i32_0 = arith.constant 0 : i32
    return %arg0, %c0_i32 : i32, i32
  }
}

</mosaic_0001>

<sc_bundles>
// kernel: kernel.7.cloned.1.call-start
scs
__scs_entry_jumppad:
0x0: {  	(pc) =	sbr.rel $0x88, $3  }
0x1: {  	(tag) =	ssettag $0x0;
	lr =	simm.s32 $0x1  }
0x2: {  	[smem:$0x3F95] =	sst lr;
	_ =	strace $0xD0000000  }
0x3: {  	_ = 	snop  }
0x4: {  	_ = 	snop  }
0x5: {  	_ = 	snop  }
0x6: {  	_ = 	snop  }
0x7: {  	_ = 	snop  }
__scs_overlays_trampoline_lowered:
0x8: {  	[smem:$0x3FA4] =	sst s0  }
0x9: {  	[smem:$0x3FA5] =	sst s1  }
0xa: {  	[smem:$0x3FA6] =	sst s2  }
0xb: {  	[smem:$0x3FA7] =	sst s3  }
0xc: {  	[smem:$0x3FA8] =	sst s4  }
0xd: {  	[smem:$0x3FA9] =	sst s5  }
0xe: {  	[smem:$0x3FAA] =	sst s6  }
0xf: {  	[smem:$0x3FAB] =	sst s7  }
0x10: {  	[smem:$0x3FAC] =	sst s8  }
0x11: {  	[smem:$0x3FAD] =	sst s9;
	s0 =	simm.s32 @!p0 $0x0  }
0x12: {  	s1 =	sld [smem:$0x3F93];
	s0 =	simm.s32 @p0 $0x1  }
0x13: {  	[smem:$0x3FAE] =	sst s0;
	s0 =	simm.s32 @!p1 $0x0  }
0x14: {  	s2 =	sld [smem:$0x3F92];
	s0 =	simm.s32 @p1 $0x1  }
0x15: {  	[smem:$0x3FAF] =	sst s0;
	s0 =	simm.s32 @!p2 $0x0  }
0x16: {  	s3 =	sld [smem:$0x3FDB];
	s0 =	simm.s32 @p2 $0x1  }
0x17: {  	s4 =	simm.s32 $0x1BF5;
	[smem:$0x3FB1] =	sst s0  }
0x18: {  	s0 =	sld [smem:$0x3F94];
	_ =	swait.ge [sflag:s4], $0x0  }
0x19: {  	s7 =	sld [smem:$0x3F95]  }
0x1a: {  	s8 =	sadd.s32 $0xFFFFE003, lr  }
0x1b: {  	s9 =	sadd.s32 $0xFFFFFEF7, lr;
	s5 =	simm.s32 $0xFFFFFFFF;
	p2 =	slt.u32 s8, $0xFFFFF086  }
0x1c: {  	p1 =	slt.u32 s9, $0xF7A;
	s5 =	simm.s32 @!p2 $0x0  }
0x1d: {  	s5 =	simm.s32 @p1 $0x1;
	p0 =	seq.s32 s7, s2  }
0x1e: {  	s7 =	smul.u32 @!p0 $0xF7A, s2;
	p2 =	seq.s32 @!p0 s5, $0x0  }
0x1f: {  	s9 =	smul.u32 $0xF7A, s1;
	s8 =	simm.s32 @!p0 $0x1BF5;
	p2 =	por !p2, p0  }
0x20: {  	[sflag:s8] =	ssyncset.s32 @!p0 $0xFFFFF086;
	s6 =	sadd.s32 @!p0 s3, s7;
	s7 =	simm.s32 @!p0 $0x108  }
0x21: {  	s3 =	sadd.s32 s3, s9;
	s6 =	sadd.s32 @!p0 $0x88, s6;
	s7 =	simm.s32 @p2 $0x1082  }
0x22: {  	[simem:s7], [sflag:s8] =	dma.local @!p0 [hbm:s6], $0xF7A  }
0x23: {  	s9 =	sor.u32 $0xD0000000, s2;
	s6 =	simm.s32 $0x108;
	_ =	swait.ge @!p0 [sflag:s8], $0x0  }
0x24: {  	s3 =	sadd.s32 $0x88, s3;
	s6 =	simm.s32 @!p1 $0x1082;
	[sflag:s4] =	ssyncset.s32 $0xFFFFF086  }
0x25: {  	[simem:s6], [sflag:s4] =	dma.local [hbm:s3], $0xF7A  }
0x26: {  	[smem:$0x3F95] =	sst s1;
	(tag) =	ssettag s2;
	_ =	strace s9  }
0x27: {  	s1 =	sld [smem:$0x3FA5]  }
0x28: {  	s2 =	sld [smem:$0x3FA6]  }
0x29: {  	s4 =	sld [smem:$0x3FA8]  }
0x2a: {  	p0 =	seq.s32 s5, $0x0;
	s5 =	sld [smem:$0x3FA9]  }
0x2b: {  	s6 =	sld [smem:$0x3FAA]  }
0x2c: {  	s7 =	sld [smem:$0x3FAB]  }
0x2d: {  	s3 =	simm.s32 $0x108;
	s8 =	sld [smem:$0x3FAC]  }
0x2e: {  	s3 =	simm.s32 @!p0 $0x1082;
	s9 =	sld [smem:$0x3FAD]  }
0x2f: {  	lr =	sadd.s32 s0, s3;
	s0 =	sld [smem:$0x3FA4]  }
0x30: {  	s3 =	sld [smem:$0x3FA7]  }
0x31: {  	[smem:$0x3FB0] =	sst s10  }
0x32: {  	s10 =	sld [smem:$0x3FAE];
	_ =	sdelay $0x3  }
0x33: {  	p0 =	seq.s32 s10, $0x1;
	s10 =	sld [smem:$0x3FB0];
	_ =	sdelay $0x3  }
0x34: {  	[smem:$0x3FB0] =	sst s10  }
0x35: {  	s10 =	sld [smem:$0x3FAF];
	_ =	sdelay $0x3  }
0x36: {  	p1 =	seq.s32 s10, $0x1;
	s10 =	sld [smem:$0x3FB0];
	_ =	sdelay $0x3  }
0x37: {  	[smem:$0x3FB0] =	sst s10  }
0x38: {  	s10 =	sld [smem:$0x3FB1]  }
0x39: {  	_ = 	snop;
	(pc) =	sbr.ind lr, $3  }
0x3a: {  	_ = 	snop  }
0x3b: {  	_ = 	snop  }
0x3c: {  	p2 =	seq.s32 s10, $0x1;
	s10 =	sld [smem:$0x3FB0]  }
0x3d: {  	_ =	shalt  }
0x3e: {  	_ =	shalt  }
0x3f: {  	_ =	shalt  }
0x40: {  	_ =	shalt  }
0x41: {  	_ =	shalt  }
0x42: {  	_ =	shalt  }
0x43: {  	_ =	shalt  }
0x44: {  	_ =	shalt  }
0x45: {  	_ =	shalt  }
0x46: {  	_ =	shalt  }
0x47: {  	_ =	shalt  }
0x48: {  	_ =	shalt  }
0x49: {  	_ =	shalt  }
0x4a: {  	_ =	shalt  }
0x4b: {  	_ =	shalt  }
0x4c: {  	_ =	shalt  }
0x4d: {  	_ =	shalt  }
0x4e: {  	_ =	shalt  }
0x4f: {  	_ =	shalt  }
0x50: {  	_ =	shalt  }
0x51: {  	_ =	shalt  }
0x52: {  	_ =	shalt  }
0x53: {  	_ =	shalt  }
0x54: {  	_ =	shalt  }
0x55: {  	_ =	shalt  }
0x56: {  	_ =	shalt  }
0x57: {  	_ =	shalt  }
0x58: {  	_ =	shalt  }
0x59: {  	_ =	shalt  }
0x5a: {  	_ =	shalt  }
0x5b: {  	_ =	shalt  }
0x5c: {  	_ =	shalt  }
0x5d: {  	_ =	shalt  }
0x5e: {  	_ =	shalt  }
0x5f: {  	_ =	shalt  }
0x60: {  	_ =	shalt  }
0x61: {  	_ =	shalt  }
0x62: {  	_ =	shalt  }
0x63: {  	_ =	shalt  }
0x64: {  	_ =	shalt  }
0x65: {  	_ =	shalt  }
0x66: {  	_ =	shalt  }
0x67: {  	_ =	shalt  }
0x68: {  	_ =	shalt  }
0x69: {  	_ =	shalt  }
0x6a: {  	_ =	shalt  }
0x6b: {  	_ =	shalt  }
0x6c: {  	_ =	shalt  }
0x6d: {  	_ =	shalt  }
0x6e: {  	_ =	shalt  }
0x6f: {  	_ =	shalt  }
0x70: {  	_ =	shalt  }
0x71: {  	_ =	shalt  }
0x72: {  	_ =	shalt  }
0x73: {  	_ =	shalt  }
0x74: {  	_ =	shalt  }
0x75: {  	_ =	shalt  }
0x76: {  	_ =	shalt  }
0x77: {  	_ =	shalt  }
0x78: {  	_ =	shalt  }
0x79: {  	_ =	shalt  }
0x7a: {  	_ =	shalt  }
0x7b: {  	_ =	shalt  }
0x7c: {  	_ =	shalt  }
0x7d: {  	_ =	shalt  }
0x7e: {  	_ =	shalt  }
0x7f: {  	_ =	shalt  }
0x80: {  	_ =	shalt  }
0x81: {  	_ =	shalt  }
0x82: {  	_ =	shalt  }
0x83: {  	_ =	shalt  }
0x84: {  	_ =	shalt  }
0x85: {  	_ =	shalt  }
0x86: {  	_ =	shalt  }
0x87: {  	_ =	shalt  }
.Lfunc_end0:
.L_simem_size_0:
called_computation_lowered:
.L_overlay_start_0:
0x88: {  	s2 =	sld [smem:$0x3FD9]  }
0x89: {  	s3 =	sld [smem:$0x3FFE];
	_ =	sdelay $0x1  }
0x8a: {  	s1 =	srdreg.scid  }
0x8b: {  	s0 =	sand.u32 $0x1, s1  }
0x8c: {  	s14 =	sshll.u32 s0, $0xA;
	s2 =	sadd.s32 s3, s2  }
0x8d: {  	s2 =	sadd.s32 s2, s14  }
0x8e: {  	[smem:$0x3FBC] =	sst s2  }
0x8f: {  	_ = 	snop  }
0x90: {  	s2 =	sld [smem:$0x3FD0];
	_ =	sdelay $0x2  }
0x91: {  	s15 =	simm.s32 $0xA;
	s4 =	simm.s32 $0x10  }
0x92: {  	[smem:s4], [sflag:s15] =	dma.local [hbm:s2], $0x1  }
0x93: {  	_ =	swait.eq [sflag:s15], $0x1  }
0x94: {  	[sflag:s15] =	ssyncset.done $0x0  }
0x95: {  	[sflag:s15] =	ssyncadd.s32 $0xFFFFFFFF  }
0x96: {  	s16 =	sld [smem:$0x10];
	(tm) =	ssettm $0x1  }
0x97: {  	s17 =	sld [smem:$0x3FFB];
	_ =	sdelay $0x3  }
0x98: {  	_ =	strace s17  }
0x99: {  	s3 =	sld [smem:$0x3FFC];
	_ =	sdelay $0x3  }
0x9a: {  	_ =	strace s3  }
0x9b: {  	s3 =	sld [smem:$0x3FFD];
	_ =	sdelay $0x3  }
0x9c: {  	_ =	strace s3  }
0x9d: {  	_ =	strace $0x8FFFFFFF  }
0x9e: {  	s18 =	sld [smem:$0x3FDB];
	_ =	sdelay $0x1  }
0x9f: {  	s19 =	simm.s32 $_scs_section_size  }
0xa0: {  	s5 =	simm.s32 $_size__tile_overlayer_lowered;
	s6 =	simm.s32 $_tile_overlayer_lowered  }
0xa1: {  	s22 =	simm.s32 $0x1BFF;
	s21 =	sshll.u32 s6, $0x1;
	s3 =	sadd.s32 s19, s18  }
0xa2: {  	s7 =	simm.s32 $0x0;
	s20 =	sshll.u32 s5, $0x1;
	s5 =	sadd.s32 s21, s3  }
0xa3: {  	[timem:s7], [sflag:s22] =	dma.local [hbm:s5], s20  }
0xa4: {  	_ =	swait.ge [sflag:s22], s20  }
0xa5: {  	s4 =	ssub.s32 $0x0, s20;
	[sflag:s22] =	ssyncset.done $0x0  }
0xa6: {  	[sflag:s22] =	ssyncadd.s32 s4;
	_ =	sdelay $0x1  }
0xa7: {  	s23 =	simm.s32 $0x1B8B  }
0xa8: {  	_ =	swait.ge [sflag:s23], $0x1  }
0xa9: {  	[sflag:s23] =	ssyncset.done $0x0  }
0xaa: {  	s25 =	simm.s32 $0x1B8E;
	s24 =	sld [smem:$0x3FFE];
	[sflag:s23] =	ssyncadd.s32 $0xFFFFFFFF  }
0xab: {  	s26 =	simm.s32 $execute0_lowered;
	[smem:$0x3FD2] =	sst s25  }
0xac: {  	s5 =	sshll.u32 s26, $0x1;
	_ =	strace $0x80000046;
	[dreg:$0x1] =	wrdreg $0xFFFFFFFF  }
0xad: {  	s28 =	simm.s32 $_size_execute0_lowered;
	s3 =	sadd.s32 s3, s5;
	[dreg:$0x0] =	wrdreg $0x0  }
0xae: {  	s5 =	sshll.u32 s28, $0x1;
	[dreg:$0x2] =	wrdreg s3  }
0xaf: {  	[dreg:$0x3] =	wrdreg s5  }
0xb0: {  	[dreg:$0x4] =	wrdreg $0xC0  }
0xb1: {  	_ =	task [dreg:s7], $0x5FFFF  }
0xb2: {  	[dreg:$0x1] =	wrdreg $0xFFFFFFFF  }
0xb3: {  	[dreg:$0x0] =	wrdreg $0x60  }
0xb4: {  	[dreg:$0x2] =	wrdreg s16  }
0xb5: {  	[dreg:$0x3] =	wrdreg s24  }
0xb6: {  	[dreg:$0x4] =	wrdreg $0x9  }
0xb7: {  	_ =	task.clear_ibuf [dreg:s7], $0x5FFFF;
	_ =	strace $0x90000046  }
0xb8: {  	s29 =	simm.s32 $0x9;
	_ =	strace $0x80000048  }
0xb9: {  	_ =	swait.ge [sflag:s29], $0x1  }
0xba: {  	[sflag:s29] =	ssyncadd.s32 $0xFFFFFFFF  }
0xbb: {  	_ =	strace $0x90000048  }
0xbc: {  	_ =	sfence  }
0xbd: {  	s30 =	sld [smem:$0x0];
	_ =	sdelay $0x2  }
0xbe: {  	s31 =	sshll.u32 s1, $0xD;
	s1 =	sshrl.u32 s1, $0x2  }
0xbf: {  	s3 =	sand.u32 $0x4000, s31;
	s1 =	sadd.s32 s1, s30  }
0xc0: {  	s0 =	sor.u32 s3, s0;
	s1 =	sshll.u32 s1, $0x11  }
0xc1: {  	s0 =	sor.u32 s1, s0  }
0xc2: {  	s0 =	sadd.s32 $0x8F2B, s0  }
0xc3: {  	[sflag:s0] =	ssyncadd.remote.s32 $0x1  }
0xc4: {  	_ =	sfence.sel $0xFFFF  }
0xc5: {  	[dreg:$0x0] =	wrdreg $0xFFFFFFFF;
	(pc) =	sbr.abs _section_cstart, $3  }
0xc6: {  	[dreg:$0x1] =	wrdreg $0xFFFFFFFF  }
0xc7: {  	_ =	task.clear_ibuf [dreg:s7], $0x2FFFF;
	_ =	strace $0x9FFFFFFF  }
0xc8: {  	(tm) =	ssettm $0x7FFFFFFF  }
0xc9: {  	_ =	shalt  }
tec
execute0_lowered:
.L_overlay_start_1:
0x0: {  	(tag) =	ssettag $0x1  }
0x1: {  	s1 =	rddreg [dreg:$0x0]  }
0x2: {  	s0 =	rddreg [dreg:$0x1]  }
0x3: {  	s2 =	simm.s32 $0x0;
	s3 =	srdreg.scid;
	s5 =	stileid.u32  }
0x4: {  	s11 =	simm.s32 $0x7;
	s10 =	simm.s32 $0x16800;
	s12 =	simm.s32 $0x17000  }
0x5: {  	s13 =	simm.s32 $0x17800;
	s14 =	simm.s32 $0x18000;
	s15 =	simm.s32 $0x1  }
0x6: {  	s16 =	simm.s32 $0x2;
	s17 =	simm.s32 $0x3;
	s18 =	simm.s32 $0x18800  }
0x7: {  	s19 =	simm.s32 $0x4;
	s20 =	simm.s32 $0x5;
	s21 =	simm.s32 $0x6  }
0x8: {  	s23 =	simm.s32 $0x0;
	[smem:$0x7FF] =	sst s2;
	s3 =	sand.u32 $0x1, s3  }
0x9: {  	s6 =	sshll.u32 s5, $0x5;
	s8 =	ssub.s32 $0x2, s3;
	s3 =	sshll.u32 s3, $0x4  }
0xa: {  	s4 =	sadd.s32 $0x1E00, s0;
	s5 =	sadd.s32 $0x9E00, s0;
	s6 =	sor.u32 s3, s6  }
0xb: {  	s7 =	sadd.s32 $0x11E00, s0;
	s9 =	sshrl.u32 s8, $0x1;
	s3 =	sshll.u32 s6, $0x6  }
0xc: {  	_ =	strace $0x80000047;
	s30 =	ssub.s32 s8, s9;
	s31 =	sadd.s32 s4, s3  }
0xd: {  	v2 =	vlaneseq.u32;
	s8 =	simm.s32 $0x15800;
	s3 =	sadd.s32 s5, s3;
	[dreg:$0x3] =	wrdreg s31  }
0xe: {  	vm0 =	vmmov $0xffff;
	v1 =	vshrl.u32 v2, $0x3;
	s9 =	simm.s32 $0x16000;
	s0 =	smax.u32 s30, $0x1;
	[dreg:$0x4] =	wrdreg s3  }
0xf: {  	v0 =	vand.u32 $0x7, v2;
	v2 =	vor.u32 $0x8, v2;
	v1 =	vmul.u32 $0x8, v1;
	[dreg:$0x5] =	wrdreg s0;
	s0 =	simm.s32 $0x14800;
	s3 =	simm.s32 $0x15000  }
.LBB2_1:
0x10: {  	[dreg:$0x6] =	wrdreg s23  }
0x11: {  	s22 =	rddreg [dreg:$0x3]  }
0x12: {  	[tilespmem:s2], [sflag:$0x7] =	stream.linear.gather [hbm4b:s22+s2], $0x180, $0x38;
	[tilespmem:$0x1C800] =	vst v63  }
0x13: {  	_ =	swait.ge [sflag:s11], $0x180  }
0x14: {  	[sflag:s11] =	ssyncset.done $0x0  }
0x15: {  	s31 =	simm.s32 $0x400;
	s30 =	rddreg [dreg:$0x4];
	[sflag:s11] =	ssyncadd.s32 $0xFFFFFE80  }
0x16: {  	[tilespmem:s31], [sflag:$0x7] =	stream.linear.gather [hbm4b:s30+s2], $0x180, $0x38;
	[tilespmem:$0x1C800] =	vst v63  }
0x17: {  	_ =	swait.ge [sflag:s11], $0x180  }
0x18: {  	[sflag:s11] =	ssyncset.done $0x0  }
0x19: {  	[sflag:s11] =	ssyncadd.s32 $0xFFFFFE80  }
0x1a: {  	v3 =	vld [tilespmem:$0x0];
	_ =	sdelay $0x4  }
0x1b: {  	v4 =	vshll.u32 v3, $0x1  }
0x1c: {  	v3 =	vand.u32 $0x7, v3;
	v4 =	vand.u32 $0xFFFFFFF0, v4  }
0x1d: {  	v3 =	vor.u32 v3, v4  }
0x1e: {  	v4 =	vperm.xlane v3, v0;
	_ =	sdelay $0x1  }
0x1f: {  	v3 =	vperm.xlane v3, v2;
	v4 =	vadd.s32 v1, v4;
	_ =	sdelay $0x1  }
0x20: {  	v3 =	vadd.s32 v1, v3;
	_ =	sdelay $0x1  }
0x21: {  	s23 =	simm.s32 $0x800  }
0x22: {  	[tilespmem:s23], [sflag:$0x1] =	stream.indirect_vreg.gather [hbm4b:s1+s2], $0x80, v4, vm0, $0xb8;
	[tilespmem:$0x1C800] =	vst v63  }
0x23: {  	s24 =	simm.s32 $0x1000  }
0x24: {  	[tilespmem:s24], [sflag:$0x1] =	stream.indirect_vreg.gather [hbm4b:s1+s2], $0x80, v3, vm0, $0xb8;
	[tilespmem:$0x1C800] =	vst v63  }
0x25: {  	v3 =	vld [tilespmem:$0x10];
	_ =	sdelay $0x4  }
0x26: {  	v53 =	vshll.u32 v3, $0x1  }
0x27: {  	v3 =	vand.u32 $0x7, v3;
	v4 =	vand.u32 $0xFFFFFFF0, v53  }
0x28: {  	v3 =	vor.u32 v3, v4  }
0x29: {  	v4 =	vperm.xlane v3, v0;
	_ =	sdelay $0x1  }
0x2a: {  	v3 =	vperm.xlane v3, v2;
	v4 =	vadd.s32 v1, v4;
	_ =	sdelay $0x1  }
0x2b: {  	v3 =	vadd.s32 v1, v3;
	_ =	sdelay $0x1  }
0x2c: {  	s25 =	simm.s32 $0x1800  }
0x2d: {  	[tilespmem:s25], [sflag:$0x1] =	stream.indirect_vreg.gather [hbm4b:s1+s2], $0x80, v4, vm0, $0xb8;
	[tilespmem:$0x1C800] =	vst v63  }
0x2e: {  	s26 =	simm.s32 $0x2000  }
0x2f: {  	[tilespmem:s26], [sflag:$0x1] =	stream.indirect_vreg.gather [hbm4b:s1+s2], $0x80, v3, vm0, $0xb8;
	[tilespmem:$0x1C800] =	vst v63  }
0x30: {  	v3 =	vld [tilespmem:$0x20];
	_ =	sdelay $0x4  }
0x31: {  	v54 =	vshll.u32 v3, $0x1  }
0x32: {  	v3 =	vand.u32 $0x7, v3;
	v4 =	vand.u32 $0xFFFFFFF0, v54  }
0x33: {  	v3 =	vor.u32 v3, v4  }
0x34: {  	v4 =	vperm.xlane v3, v0;
	_ =	sdelay $0x1  }
0x35: {  	v3 =	vperm.xlane v3, v2;
	v4 =	vadd.s32 v1, v4;
	_ =	sdelay $0x1  }
0x36: {  	v3 =	vadd.s32 v1, v3;
	_ =	sdelay $0x1  }
0x37: {  	s28 =	simm.s32 $0x2800  }
0x38: {  	[tilespmem:s28], [sflag:$0x1] =	stream.indirect_vreg.gather [hbm4b:s1+s2], $0x80, v4, vm0, $0xb8;
	[tilespmem:$0x1C800] =	vst v63  }
0x39: {  	s29 =	simm.s32 $0x3000  }
0x3a: {  	[tilespmem:s29], [sflag:$0x1] =	stream.indirect_vreg.gather [hbm4b:s1+s2], $0x80, v3, vm0, $0xb8;
	[tilespmem:$0x1C800] =	vst v63  }
0x3b: {  	v3 =	vld [tilespmem:$0x30];
	_ =	sdelay $0x4  }
0x3c: {  	v55 =	vshll.u32 v3, $0x1  }
0x3d: {  	v3 =	vand.u32 $0x7, v3;
	v4 =	vand.u32 $0xFFFFFFF0, v55  }
0x3e: {  	v3 =	vor.u32 v3, v4  }
0x3f: {  	v4 =	vperm.xlane v3, v0;
	_ =	sdelay $0x1  }
0x40: {  	v3 =	vperm.xlane v3, v2;
	v4 =	vadd.s32 v1, v4;
	_ =	sdelay $0x1  }
0x41: {  	v3 =	vadd.s32 v1, v3;
	_ =	sdelay $0x1  }
0x42: {  	s30 =	simm.s32 $0x3800  }
0x43: {  	[tilespmem:s30], [sflag:$0x1] =	stream.indirect_vreg.gather [hbm4b:s1+s2], $0x80, v4, vm0, $0xb8;
	[tilespmem:$0x1C800] =	vst v63  }
0x44: {  	s31 =	simm.s32 $0x4000  }
0x45: {  	[tilespmem:s31], [sflag:$0x1] =	stream.indirect_vreg.gather [hbm4b:s1+s2], $0x80, v3, vm0, $0xb8;
	[tilespmem:$0x1C800] =	vst v63  }
0x46: {  	v3 =	vld [tilespmem:$0x80];
	_ =	sdelay $0x4  }
0x47: {  	v56 =	vshll.u32 v3, $0x1  }
0x48: {  	v3 =	vand.u32 $0x7, v3;
	v4 =	vand.u32 $0xFFFFFFF0, v56  }
0x49: {  	v3 =	vor.u32 v3, v4  }
0x4a: {  	v4 =	vperm.xlane v3, v0;
	_ =	sdelay $0x1  }
0x4b: {  	v3 =	vperm.xlane v3, v2;
	v4 =	vadd.s32 v1, v4;
	_ =	sdelay $0x1  }
0x4c: {  	v3 =	vadd.s32 v1, v3;
	_ =	sdelay $0x1  }
0x4d: {  	s23 =	simm.s32 $0x4800  }
0x4e: {  	[tilespmem:s23], [sflag:$0x2] =	stream.indirect_vreg.gather [hbm4b:s1+s2], $0x80, v4, vm0, $0xb8;
	[tilespmem:$0x1C800] =	vst v63  }
0x4f: {  	s24 =	simm.s32 $0x5000  }
0x50: {  	[tilespmem:s24], [sflag:$0x2] =	stream.indirect_vreg.gather [hbm4b:s1+s2], $0x80, v3, vm0, $0xb8;
	[tilespmem:$0x1C800] =	vst v63  }
0x51: {  	v3 =	vld [tilespmem:$0x90];
	_ =	sdelay $0x4  }
0x52: {  	v57 =	vshll.u32 v3, $0x1  }
0x53: {  	v3 =	vand.u32 $0x7, v3;
	v4 =	vand.u32 $0xFFFFFFF0, v57  }
0x54: {  	v3 =	vor.u32 v3, v4  }
0x55: {  	v4 =	vperm.xlane v3, v0;
	_ =	sdelay $0x1  }
0x56: {  	v3 =	vperm.xlane v3, v2;
	v4 =	vadd.s32 v1, v4;
	_ =	sdelay $0x1  }
0x57: {  	v3 =	vadd.s32 v1, v3;
	_ =	sdelay $0x1  }
0x58: {  	s25 =	simm.s32 $0x5800  }
0x59: {  	[tilespmem:s25], [sflag:$0x2] =	stream.indirect_vreg.gather [hbm4b:s1+s2], $0x80, v4, vm0, $0xb8;
	[tilespmem:$0x1C800] =	vst v63  }
0x5a: {  	s26 =	simm.s32 $0x6000  }
0x5b: {  	[tilespmem:s26], [sflag:$0x2] =	stream.indirect_vreg.gather [hbm4b:s1+s2], $0x80, v3, vm0, $0xb8;
	[tilespmem:$0x1C800] =	vst v63  }
0x5c: {  	v3 =	vld [tilespmem:$0xA0];
	_ =	sdelay $0x4  }
0x5d: {  	v58 =	vshll.u32 v3, $0x1  }
0x5e: {  	v3 =	vand.u32 $0x7, v3;
	v4 =	vand.u32 $0xFFFFFFF0, v58  }
0x5f: {  	v3 =	vor.u32 v3, v4  }
0x60: {  	v4 =	vperm.xlane v3, v0;
	_ =	sdelay $0x1  }
0x61: {  	v3 =	vperm.xlane v3, v2;
	v4 =	vadd.s32 v1, v4;
	_ =	sdelay $0x1  }
0x62: {  	v3 =	vadd.s32 v1, v3;
	_ =	sdelay $0x1  }
0x63: {  	s28 =	simm.s32 $0x6800  }
0x64: {  	[tilespmem:s28], [sflag:$0x2] =	stream.indirect_vreg.gather [hbm4b:s1+s2], $0x80, v4, vm0, $0xb8;
	[tilespmem:$0x1C800] =	vst v63  }
0x65: {  	s29 =	simm.s32 $0x7000  }
0x66: {  	[tilespmem:s29], [sflag:$0x2] =	stream.indirect_vreg.gather [hbm4b:s1+s2], $0x80, v3, vm0, $0xb8;
	[tilespmem:$0x1C800] =	vst v63  }
0x67: {  	v3 =	vld [tilespmem:$0xB0];
	_ =	sdelay $0x4  }
0x68: {  	v59 =	vshll.u32 v3, $0x1  }
0x69: {  	v3 =	vand.u32 $0x7, v3;
	v4 =	vand.u32 $0xFFFFFFF0, v59  }
0x6a: {  	v3 =	vor.u32 v3, v4  }
0x6b: {  	v4 =	vperm.xlane v3, v0;
	_ =	sdelay $0x1  }
0x6c: {  	v3 =	vperm.xlane v3, v2;
	v4 =	vadd.s32 v1, v4;
	_ =	sdelay $0x1  }
0x6d: {  	v3 =	vadd.s32 v1, v3;
	_ =	sdelay $0x1  }
0x6e: {  	s30 =	simm.s32 $0x7800  }
0x6f: {  	[tilespmem:s30], [sflag:$0x2] =	stream.indirect_vreg.gather [hbm4b:s1+s2], $0x80, v4, vm0, $0xb8;
	[tilespmem:$0x1C800] =	vst v63  }
0x70: {  	s31 =	simm.s32 $0x8000  }
0x71: {  	[tilespmem:s31], [sflag:$0x2] =	stream.indirect_vreg.gather [hbm4b:s1+s2], $0x80, v3, vm0, $0xb8;
	[tilespmem:$0x1C800] =	vst v63  }
0x72: {  	v3 =	vld [tilespmem:$0x100];
	_ =	sdelay $0x4  }
0x73: {  	v60 =	vshll.u32 v3, $0x1  }
0x74: {  	v3 =	vand.u32 $0x7, v3;
	v4 =	vand.u32 $0xFFFFFFF0, v60  }
0x75: {  	v3 =	vor.u32 v3, v4  }
0x76: {  	v4 =	vperm.xlane v3, v0;
	_ =	sdelay $0x1  }
0x77: {  	v3 =	vperm.xlane v3, v2;
	v4 =	vadd.s32 v1, v4;
	_ =	sdelay $0x1  }
0x78: {  	v3 =	vadd.s32 v1, v3;
	_ =	sdelay $0x1  }
0x79: {  	s23 =	simm.s32 $0x8800  }
0x7a: {  	[tilespmem:s23], [sflag:$0x3] =	stream.indirect_vreg.gather [hbm4b:s1+s2], $0x80, v4, vm0, $0xb8;
	[tilespmem:$0x1C800] =	vst v63  }
0x7b: {  	s24 =	simm.s32 $0x9000  }
0x7c: {  	[tilespmem:s24], [sflag:$0x3] =	stream.indirect_vreg.gather [hbm4b:s1+s2], $0x80, v3, vm0, $0xb8;
	[tilespmem:$0x1C800] =	vst v63  }
0x7d: {  	v3 =	vld [tilespmem:$0x110];
	_ =	sdelay $0x4  }
0x7e: {  	v61 =	vshll.u32 v3, $0x1  }
0x7f: {  	v3 =	vand.u32 $0x7, v3;
	v4 =	vand.u32 $0xFFFFFFF0, v61  }
0x80: {  	v3 =	vor.u32 v3, v4  }
0x81: {  	v4 =	vperm.xlane v3, v0;
	_ =	sdelay $0x1  }
0x82: {  	v3 =	vperm.xlane v3, v2;
	v4 =	vadd.s32 v1, v4;
	_ =	sdelay $0x1  }
0x83: {  	v3 =	vadd.s32 v1, v3;
	_ =	sdelay $0x1  }
0x84: {  	s25 =	simm.s32 $0x9800  }
0x85: {  	[tilespmem:s25], [sflag:$0x3] =	stream.indirect_vreg.gather [hbm4b:s1+s2], $0x80, v4, vm0, $0xb8;
	[tilespmem:$0x1C800] =	vst v63  }
0x86: {  	s26 =	simm.s32 $0xA000  }
0x87: {  	[tilespmem:s26], [sflag:$0x3] =	stream.indirect_vreg.gather [hbm4b:s1+s2], $0x80, v3, vm0, $0xb8;
	[tilespmem:$0x1C800] =	vst v63  }
0x88: {  	v3 =	vld [tilespmem:$0x120];
	_ =	sdelay $0x4  }
0x89: {  	v62 =	vshll.u32 v3, $0x1  }
0x8a: {  	v3 =	vand.u32 $0x7, v3;
	v4 =	vand.u32 $0xFFFFFFF0, v62  }
0x8b: {  	v3 =	vor.u32 v3, v4  }
0x8c: {  	v4 =	vperm.xlane v3, v0;
	_ =	sdelay $0x1  }
0x8d: {  	v3 =	vperm.xlane v3, v2;
	v4 =	vadd.s32 v1, v4;
	_ =	sdelay $0x1  }
0x8e: {  	v3 =	vadd.s32 v1, v3;
	_ =	sdelay $0x1  }
0x8f: {  	s28 =	simm.s32 $0xA800  }
0x90: {  	[tilespmem:s28], [sflag:$0x3] =	stream.indirect_vreg.gather [hbm4b:s1+s2], $0x80, v4, vm0, $0xb8;
	[tilespmem:$0x1C800] =	vst v63  }
0x91: {  	s29 =	simm.s32 $0xB000  }
0x92: {  	[tilespmem:s29], [sflag:$0x3] =	stream.indirect_vreg.gather [hbm4b:s1+s2], $0x80, v3, vm0, $0xb8;
	[tilespmem:$0x1C800] =	vst v63  }
0x93: {  	v3 =	vld [tilespmem:$0x130];
	_ =	sdelay $0x4  }
0x94: {  	v63 =	vshll.u32 v3, $0x1  }
0x95: {  	v3 =	vand.u32 $0x7, v3;
	v4 =	vand.u32 $0xFFFFFFF0, v63  }
0x96: {  	v3 =	vor.u32 v3, v4  }
0x97: {  	v4 =	vperm.xlane v3, v0;
	_ =	sdelay $0x1  }
0x98: {  	v3 =	vperm.xlane v3, v2;
	v4 =	vadd.s32 v1, v4;
	_ =	sdelay $0x1  }
0x99: {  	v3 =	vadd.s32 v1, v3;
	_ =	sdelay $0x1  }
0x9a: {  	s30 =	simm.s32 $0xB800  }
0x9b: {  	[tilespmem:s30], [sflag:$0x3] =	stream.indirect_vreg.gather [hbm4b:s1+s2], $0x80, v4, vm0, $0xb8;
	[tilespmem:$0x1C800] =	vst v63  }
0x9c: {  	s22 =	simm.s32 $0x0;
	s31 =	simm.s32 $0xC000  }
0x9d: {  	[tilespmem:s31], [sflag:$0x3] =	stream.indirect_vreg.gather [hbm4b:s1+s2], $0x80, v3, vm0, $0xb8;
	[tilespmem:$0x1C800] =	vst v63  }
.LBB2_2:
0x9e: {  	s23 =	sshll.u32 s22, $0x1  }
0x9f: {  	s23 =	sor.u32 s6, s23  }
0xa0: {  	s24 =	sshll.u32 s23, $0x6  }
0xa1: {  	s25 =	sor.u32 $0x40, s24  }
0xa2: {  	s28 =	simm.s32 $0x200;
	s24 =	simm.s32 $0x0;
	s26 =	sadd.s32 s4, s25  }
0xa3: {  	[tilespmem:s28], [sflag:$0x7] =	stream.linear.gather [hbm4b:s26+s24], $0x180, $0x38;
	[tilespmem:$0x1C800] =	vst v63  }
0xa4: {  	_ =	swait.ge [sflag:s11], $0x180  }
0xa5: {  	[sflag:s11] =	ssyncset.done $0x0  }
0xa6: {  	s29 =	simm.s32 $0x600;
	s25 =	sadd.s32 s5, s25;
	[sflag:s11] =	ssyncadd.s32 $0xFFFFFE80  }
0xa7: {  	[tilespmem:s29], [sflag:$0x7] =	stream.linear.gather [hbm4b:s25+s24], $0x180, $0x38;
	[tilespmem:$0x1C800] =	vst v63  }
0xa8: {  	_ =	swait.ge [sflag:s11], $0x180  }
0xa9: {  	[sflag:s11] =	ssyncset.done $0x0  }
0xaa: {  	[sflag:s11] =	ssyncadd.s32 $0xFFFFFE80  }
0xab: {  	v3 =	vld [tilespmem:$0x200];
	_ =	sdelay $0x4  }
0xac: {  	v4 =	vshll.u32 v3, $0x1  }
0xad: {  	v3 =	vand.u32 $0x7, v3;
	v4 =	vand.u32 $0xFFFFFFF0, v4  }
0xae: {  	v3 =	vor.u32 v3, v4  }
0xaf: {  	v4 =	vperm.xlane v3, v0;
	_ =	sdelay $0x1  }
0xb0: {  	v3 =	vperm.xlane v3, v2;
	v4 =	vadd.s32 v1, v4;
	_ =	sdelay $0x1  }
0xb1: {  	v3 =	vadd.s32 v1, v3;
	_ =	sdelay $0x1  }
0xb2: {  	s30 =	simm.s32 $0xC800  }
0xb3: {  	[tilespmem:s30], [sflag:$0x4] =	stream.indirect_vreg.gather [hbm4b:s1+s24], $0x80, v4, vm0, $0xb8;
	[tilespmem:$0x1C800] =	vst v63  }
0xb4: {  	s31 =	simm.s32 $0xD000  }
0xb5: {  	[tilespmem:s31], [sflag:$0x4] =	stream.indirect_vreg.gather [hbm4b:s1+s24], $0x80, v3, vm0, $0xb8;
	[tilespmem:$0x1C800] =	vst v63  }
0xb6: {  	v3 =	vld [tilespmem:$0x210];
	_ =	sdelay $0x4  }
0xb7: {  	v4 =	vshll.u32 v3, $0x1  }
0xb8: {  	v3 =	vand.u32 $0x7, v3;
	v4 =	vand.u32 $0xFFFFFFF0, v4  }
0xb9: {  	v3 =	vor.u32 v3, v4  }
0xba: {  	v4 =	vperm.xlane v3, v0;
	_ =	sdelay $0x1  }
0xbb: {  	v3 =	vperm.xlane v3, v2;
	v4 =	vadd.s32 v1, v4;
	_ =	sdelay $0x1  }
0xbc: {  	v3 =	vadd.s32 v1, v3;
	_ =	sdelay $0x1  }
0xbd: {  	s26 =	simm.s32 $0xD800  }
0xbe: {  	[tilespmem:s26], [sflag:$0x4] =	stream.indirect_vreg.gather [hbm4b:s1+s24], $0x80, v4, vm0, $0xb8;
	[tilespmem:$0x1C800] =	vst v63  }
0xbf: {  	s29 =	simm.s32 $0xE000  }
0xc0: {  	[tilespmem:s29], [sflag:$0x4] =	stream.indirect_vreg.gather [hbm4b:s1+s24], $0x80, v3, vm0, $0xb8;
	[tilespmem:$0x1C800] =	vst v63  }
0xc1: {  	v3 =	vld [tilespmem:$0x220];
	_ =	sdelay $0x4  }
0xc2: {  	v4 =	vshll.u32 v3, $0x1  }
0xc3: {  	v3 =	vand.u32 $0x7, v3;
	v4 =	vand.u32 $0xFFFFFFF0, v4  }
0xc4: {  	v3 =	vor.u32 v3, v4  }
0xc5: {  	v4 =	vperm.xlane v3, v0;
	_ =	sdelay $0x1  }
0xc6: {  	v3 =	vperm.xlane v3, v2;
	v4 =	vadd.s32 v1, v4;
	_ =	sdelay $0x1  }
0xc7: {  	v3 =	vadd.s32 v1, v3;
	_ =	sdelay $0x1  }
0xc8: {  	s30 =	simm.s32 $0xE800  }
0xc9: {  	[tilespmem:s30], [sflag:$0x4] =	stream.indirect_vreg.gather [hbm4b:s1+s24], $0x80, v4, vm0, $0xb8;
	[tilespmem:$0x1C800] =	vst v63  }
0xca: {  	s31 =	simm.s32 $0xF000  }
0xcb: {  	[tilespmem:s31], [sflag:$0x4] =	stream.indirect_vreg.gather [hbm4b:s1+s24], $0x80, v3, vm0, $0xb8;
	[tilespmem:$0x1C800] =	vst v63  }
0xcc: {  	v3 =	vld [tilespmem:$0x230];
	_ =	sdelay $0x4  }
0xcd: {  	v4 =	vshll.u32 v3, $0x1  }
0xce: {  	v3 =	vand.u32 $0x7, v3;
	v4 =	vand.u32 $0xFFFFFFF0, v4  }
0xcf: {  	v3 =	vor.u32 v3, v4  }
0xd0: {  	v4 =	vperm.xlane v3, v0;
	_ =	sdelay $0x1  }
0xd1: {  	v3 =	vperm.xlane v3, v2;
	v4 =	vadd.s32 v1, v4;
	_ =	sdelay $0x1  }
0xd2: {  	v3 =	vadd.s32 v1, v3;
	_ =	sdelay $0x1  }
0xd3: {  	s26 =	simm.s32 $0xF800  }
0xd4: {  	[tilespmem:s26], [sflag:$0x4] =	stream.indirect_vreg.gather [hbm4b:s1+s24], $0x80, v4, vm0, $0xb8;
	[tilespmem:$0x1C800] =	vst v63  }
0xd5: {  	s29 =	simm.s32 $0x10000  }
0xd6: {  	[tilespmem:s29], [sflag:$0x4] =	stream.indirect_vreg.gather [hbm4b:s1+s24], $0x80, v3, vm0, $0xb8;
	[tilespmem:$0x1C800] =	vst v63  }
0xd7: {  	v3 =	vld [tilespmem:$0x280];
	_ =	sdelay $0x4  }
0xd8: {  	v4 =	vshll.u32 v3, $0x1  }
0xd9: {  	v3 =	vand.u32 $0x7, v3;
	v4 =	vand.u32 $0xFFFFFFF0, v4  }
0xda: {  	v3 =	vor.u32 v3, v4  }
0xdb: {  	v4 =	vperm.xlane v3, v0;
	_ =	sdelay $0x1  }
0xdc: {  	v3 =	vperm.xlane v3, v2;
	v4 =	vadd.s32 v1, v4;
	_ =	sdelay $0x1  }
0xdd: {  	v3 =	vadd.s32 v1, v3;
	_ =	sdelay $0x1  }
0xde: {  	s30 =	simm.s32 $0x10800  }
0xdf: {  	[tilespmem:s30], [sflag:$0x5] =	stream.indirect_vreg.gather [hbm4b:s1+s24], $0x80, v4, vm0, $0xb8;
	[tilespmem:$0x1C800] =	vst v63  }
0xe0: {  	s31 =	simm.s32 $0x11000  }
0xe1: {  	[tilespmem:s31], [sflag:$0x5] =	stream.indirect_vreg.gather [hbm4b:s1+s24], $0x80, v3, vm0, $0xb8;
	[tilespmem:$0x1C800] =	vst v63  }
0xe2: {  	v3 =	vld [tilespmem:$0x290];
	_ =	sdelay $0x4  }
0xe3: {  	v4 =	vshll.u32 v3, $0x1  }
0xe4: {  	v3 =	vand.u32 $0x7, v3;
	v4 =	vand.u32 $0xFFFFFFF0, v4  }
0xe5: {  	v3 =	vor.u32 v3, v4  }
0xe6: {  	v4 =	vperm.xlane v3, v0;
	_ =	sdelay $0x1  }
0xe7: {  	v3 =	vperm.xlane v3, v2;
	v4 =	vadd.s32 v1, v4;
	_ =	sdelay $0x1  }
0xe8: {  	v3 =	vadd.s32 v1, v3;
	_ =	sdelay $0x1  }
0xe9: {  	s26 =	simm.s32 $0x11800  }
0xea: {  	[tilespmem:s26], [sflag:$0x5] =	stream.indirect_vreg.gather [hbm4b:s1+s24], $0x80, v4, vm0, $0xb8;
	[tilespmem:$0x1C800] =	vst v63  }
0xeb: {  	s29 =	simm.s32 $0x12000  }
0xec: {  	[tilespmem:s29], [sflag:$0x5] =	stream.indirect_vreg.gather [hbm4b:s1+s24], $0x80, v3, vm0, $0xb8;
	[tilespmem:$0x1C800] =	vst v63  }
0xed: {  	v3 =	vld [tilespmem:$0x2A0];
	_ =	sdelay $0x4  }
0xee: {  	v4 =	vshll.u32 v3, $0x1  }
0xef: {  	v3 =	vand.u32 $0x7, v3;
	v4 =	vand.u32 $0xFFFFFFF0, v4  }
0xf0: {  	v3 =	vor.u32 v3, v4  }
0xf1: {  	v4 =	vperm.xlane v3, v0;
	_ =	sdelay $0x1  }
0xf2: {  	v3 =	vperm.xlane v3, v2;
	v4 =	vadd.s32 v1, v4;
	_ =	sdelay $0x1  }
0xf3: {  	v3 =	vadd.s32 v1, v3;
	_ =	sdelay $0x1  }
0xf4: {  	s30 =	simm.s32 $0x12800  }
0xf5: {  	[tilespmem:s30], [sflag:$0x5] =	stream.indirect_vreg.gather [hbm4b:s1+s24], $0x80, v4, vm0, $0xb8;
	[tilespmem:$0x1C800] =	vst v63  }
0xf6: {  	s31 =	simm.s32 $0x13000  }
0xf7: {  	[tilespmem:s31], [sflag:$0x5] =	stream.indirect_vreg.gather [hbm4b:s1+s24], $0x80, v3, vm0, $0xb8;
	[tilespmem:$0x1C800] =	vst v63  }
0xf8: {  	v3 =	vld [tilespmem:$0x2B0];
	_ =	sdelay $0x4  }
0xf9: {  	v4 =	vshll.u32 v3, $0x1  }
0xfa: {  	v3 =	vand.u32 $0x7, v3;
	v4 =	vand.u32 $0xFFFFFFF0, v4  }
0xfb: {  	v3 =	vor.u32 v3, v4  }
0xfc: {  	v4 =	vperm.xlane v3, v0;
	_ =	sdelay $0x1  }
0xfd: {  	v3 =	vperm.xlane v3, v2;
	v4 =	vadd.s32 v1, v4;
	_ =	sdelay $0x1  }
0xfe: {  	v3 =	vadd.s32 v1, v3;
	_ =	sdelay $0x1  }
0xff: {  	s26 =	simm.s32 $0x13800  }
0x100: {  	[tilespmem:s26], [sflag:$0x5] =	stream.indirect_vreg.gather [hbm4b:s1+s24], $0x80, v4, vm0, $0xb8;
	[tilespmem:$0x1C800] =	vst v63  }
0x101: {  	s29 =	simm.s32 $0x14000  }
0x102: {  	[tilespmem:s29], [sflag:$0x5] =	stream.indirect_vreg.gather [hbm4b:s1+s24], $0x80, v3, vm0, $0xb8;
	[tilespmem:$0x1C800] =	vst v63  }
0x103: {  	v3 =	vld [tilespmem:$0x300];
	_ =	sdelay $0x4  }
0x104: {  	v4 =	vshll.u32 v3, $0x1  }
0x105: {  	v3 =	vand.u32 $0x7, v3;
	v4 =	vand.u32 $0xFFFFFFF0, v4  }
0x106: {  	v3 =	vor.u32 v3, v4  }
0x107: {  	v4 =	vperm.xlane v3, v0;
	_ =	sdelay $0x1  }
0x108: {  	v3 =	vperm.xlane v3, v2;
	v4 =	vadd.s32 v1, v4;
	_ =	sdelay $0x1  }
0x109: {  	v3 =	vadd.s32 v1, v3;
	_ =	sdelay $0x2  }
0x10a: {  	[tilespmem:s0], [sflag:$0x6] =	stream.indirect_vreg.gather [hbm4b:s1+s24], $0x80, v4, vm0, $0xb8;
	[tilespmem:$0x1C800] =	vst v63  }
0x10b: {  	_ = 	snop  }
0x10c: {  	[tilespmem:s3], [sflag:$0x6] =	stream.indirect_vreg.gather [hbm4b:s1+s24], $0x80, v3, vm0, $0xb8;
	[tilespmem:$0x1C800] =	vst v63  }
0x10d: {  	v3 =	vld [tilespmem:$0x310];
	_ =	sdelay $0x4  }
0x10e: {  	v4 =	vshll.u32 v3, $0x1  }
0x10f: {  	v3 =	vand.u32 $0x7, v3;
	v4 =	vand.u32 $0xFFFFFFF0, v4  }
0x110: {  	v3 =	vor.u32 v3, v4  }
0x111: {  	v4 =	vperm.xlane v3, v0;
	_ =	sdelay $0x1  }
0x112: {  	v3 =	vperm.xlane v3, v2;
	v4 =	vadd.s32 v1, v4;
	_ =	sdelay $0x1  }
0x113: {  	v3 =	vadd.s32 v1, v3;
	_ =	sdelay $0x2  }
0x114: {  	[tilespmem:s8], [sflag:$0x6] =	stream.indirect_vreg.gather [hbm4b:s1+s24], $0x80, v4, vm0, $0xb8;
	[tilespmem:$0x1C800] =	vst v63  }
0x115: {  	_ = 	snop  }
0x116: {  	[tilespmem:s9], [sflag:$0x6] =	stream.indirect_vreg.gather [hbm4b:s1+s24], $0x80, v3, vm0, $0xb8;
	[tilespmem:$0x1C800] =	vst v63  }
0x117: {  	v3 =	vld [tilespmem:$0x320];
	_ =	sdelay $0x4  }
0x118: {  	v4 =	vshll.u32 v3, $0x1  }
0x119: {  	v3 =	vand.u32 $0x7, v3;
	v4 =	vand.u32 $0xFFFFFFF0, v4  }
0x11a: {  	v3 =	vor.u32 v3, v4  }
0x11b: {  	v4 =	vperm.xlane v3, v0;
	_ =	sdelay $0x1  }
0x11c: {  	v3 =	vperm.xlane v3, v2;
	v4 =	vadd.s32 v1, v4;
	_ =	sdelay $0x1  }
0x11d: {  	v3 =	vadd.s32 v1, v3;
	_ =	sdelay $0x2  }
0x11e: {  	[tilespmem:s10], [sflag:$0x6] =	stream.indirect_vreg.gather [hbm4b:s1+s24], $0x80, v4, vm0, $0xb8;
	[tilespmem:$0x1C800] =	vst v63  }
0x11f: {  	_ = 	snop  }
0x120: {  	[tilespmem:s12], [sflag:$0x6] =	stream.indirect_vreg.gather [hbm4b:s1+s24], $0x80, v3, vm0, $0xb8;
	[tilespmem:$0x1C800] =	vst v63  }
0x121: {  	v3 =	vld [tilespmem:$0x330];
	_ =	sdelay $0x4  }
0x122: {  	v4 =	vshll.u32 v3, $0x1  }
0x123: {  	v3 =	vand.u32 $0x7, v3;
	v4 =	vand.u32 $0xFFFFFFF0, v4  }
0x124: {  	v3 =	vor.u32 v3, v4  }
0x125: {  	v4 =	vperm.xlane v3, v0;
	_ =	sdelay $0x1  }
0x126: {  	v3 =	vperm.xlane v3, v2;
	v4 =	vadd.s32 v1, v4;
	_ =	sdelay $0x1  }
0x127: {  	v3 =	vadd.s32 v1, v3;
	_ =	sdelay $0x2  }
0x128: {  	[tilespmem:s13], [sflag:$0x6] =	stream.indirect_vreg.gather [hbm4b:s1+s24], $0x80, v4, vm0, $0xb8;
	[tilespmem:$0x1C800] =	vst v63  }
0x129: {  	_ = 	snop  }
0x12a: {  	[tilespmem:s14], [sflag:$0x6] =	stream.indirect_vreg.gather [hbm4b:s1+s24], $0x80, v3, vm0, $0xb8;
	[tilespmem:$0x1C800] =	vst v63  }
0x12b: {  	_ =	swait.ge [sflag:s15], $0x4000  }
0x12c: {  	[sflag:s15] =	ssyncset.done $0x0  }
0x12d: {  	[sflag:s15] =	ssyncadd.s32 $0xFFFFC000  }
0x12e: {  	_ =	swait.ge [sflag:s16], $0x4000  }
0x12f: {  	[sflag:s16] =	ssyncset.done $0x0  }
0x130: {  	[sflag:s16] =	ssyncadd.s32 $0xFFFFC000  }
0x131: {  	_ =	swait.ge [sflag:s17], $0x4000  }
0x132: {  	s30 =	sand.u32 $0x3800, s24;
	s24 =	sand.u32 $0x380, s24;
	[sflag:s17] =	ssyncset.done $0x0  }
0x133: {  	s24 =	sor.u32 s24, s30;
	[sflag:s17] =	ssyncadd.s32 $0xFFFFC000  }
0x134: {  	v4 =	vld [tilespmem:s24+$0x800]  }
0x135: {  	v6 =	vld [tilespmem:s24+$0x4800]  }
0x136: {  	v29 =	vld [tilespmem:s24+$0x810]  }
0x137: {  	v33 =	vld [tilespmem:s24+$0x4810]  }
0x138: {  	v11 =	vld [tilespmem:s24+$0x820]  }
0x139: {  	v3 =	vld [tilespmem:s24+$0x4820]  }
0x13a: {  	v34 =	vld [tilespmem:s24+$0x830]  }
0x13b: {  	v38 =	vld [tilespmem:s24+$0x4830]  }
0x13c: {  	v24 =	vld [tilespmem:s24+$0x840]  }
0x13d: {  	v8 =	vld [tilespmem:s24+$0x4840]  }
0x13e: {  	v26 =	vld [tilespmem:s24+$0x850]  }
0x13f: {  	v19 =	vld [tilespmem:s24+$0x4850]  }
0x140: {  	v23 =	vld [tilespmem:s24+$0x860]  }
0x141: {  	v36 =	vld [tilespmem:s24+$0x4860]  }
0x142: {  	v27 =	vld [tilespmem:s24+$0x870]  }
0x143: {  	v28 =	vld [tilespmem:s24+$0xC00]  }
0x144: {  	v13 =	vld [tilespmem:s24+$0x8C60]  }
0x145: {  	v5 =	vld [tilespmem:s24+$0x8850]  }
0x146: {  	v7 =	vld [tilespmem:s24+$0x8830]  }
0x147: {  	v10 =	vld [tilespmem:s24+$0x8C50]  }
0x148: {  	v9 =	vld [tilespmem:s24+$0x8C20]  }
0x149: {  	v16 =	vld [tilespmem:s24+$0x8C30]  }
0x14a: {  	v14 =	vld [tilespmem:s24+$0x4C20]  }
0x14b: {  	v20 =	vld [tilespmem:s24+$0x8810]  }
0x14c: {  	v25 =	vld [tilespmem:s24+$0x8870]  }
0x14d: {  	v18 =	vld [tilespmem:s24+$0xC10]  }
0x14e: {  	v17 =	vld [tilespmem:s24+$0x8820]  }
0x14f: {  	v32 =	vld [tilespmem:s24+$0x8860]  }
0x150: {  	v22 =	vld [tilespmem:s24+$0x8C10]  }
0x151: {  	v31 =	vld [tilespmem:s24+$0x8800]  }
0x152: {  	v35 =	vld [tilespmem:s24+$0x8C40]  }
0x153: {  	v47 =	vld [tilespmem:s24+$0x4C40]  }
0x154: {  	v12 =	vld [tilespmem:s24+$0x8C70]  }
0x155: {  	v39 =	vld [tilespmem:s24+$0xC40]  }
0x156: {  	v42 =	vld [tilespmem:s24+$0x4C70]  }
0x157: {  	s31 =	simm.s32 $0x500;
	v37 =	vld [tilespmem:s24+$0x4C50]  }
0x158: {  	v21 =	vld.msk [tilespmem:s31+$0xFFFFFF80 ss:$0x0], $0xffff  }
0x159: {  	v30 =	vld.msk [tilespmem:s31+$0xFFFFFF00 ss:$0x0], $0xffff  }
0x15a: {  	v43 =	vld [tilespmem:s24+$0x4870]  }
0x15b: {  	v44 =	vld [tilespmem:s24+$0xC60]  }
0x15c: {  	v15 =	vld.msk [tilespmem:s31+$0x0 ss:$0x0], $0xffff  }
0x15d: {  	v50 =	vld [tilespmem:s24+$0x4C10]  }
0x15e: {  	v63 =	vld [tilespmem:s24+$0xC20];
	v51 =	vmul.f32 v33, v21;
	v40 =	vmul.f32 v37, v21  }
0x15f: {  	v52 =	vld [tilespmem:s24+$0xC30];
	v41 =	vmul.f32 v34, v30;
	v37 =	vmul.f32 v43, v21  }
0x160: {  	v48 =	vld [tilespmem:s24+$0xC70];
	v53 =	vmul.f32 v29, v30;
	v43 =	vmul.f32 v36, v21  }
0x161: {  	v45 =	vld [tilespmem:s24+$0x4C60];
	v34 =	vmul.f32 v44, v30;
	v36 =	vmul.f32 v42, v21  }
0x162: {  	v46 =	vld [tilespmem:s24+$0x4C00];
	v38 =	vmul.f32 v38, v21;
	v49 =	vmul.f32 v39, v30  }
0x163: {  	v44 =	vld [tilespmem:s24+$0x8C00];
	v29 =	vmul.f32 v50, v21;
	v33 =	vmul.f32 v63, v30  }
0x164: {  	s28 =	simm.s32 $0x100;
	s25 =	simm.s32 $0x80;
	s26 =	simm.s32 $0x501;
	v42 =	vmul.f32 v52, v30;
	v50 =	vmul.f32 v47, v21;
	v47 =	vld [tilespmem:s24+$0xC50];
	v39 =	vadd.f32 v51, v53  }
.LBB2_3:
0x165: {  	s30 =	smov.u32 s28  }
0x166: {  	s29 =	sand.u32 $0x3800, s28;
	s31 =	sand.u32 $0x380, s25;
	v51 =	vmul.f32 v24, v30;
	v24 =	vld [tilespmem:s24+$0x4C30];
	v48 =	vmul.f32 v48, v30;
	s30 =	sadd.s32 $0x100, s28  }
0x167: {  	p0 =	sne.s32 s28, $0x3F00;
	v26 =	vmul.f32 v26, v30;
	s29 =	sor.u32 s31, s29;
	v49 =	vadd.f32 v50, v49;
	v45 =	vmul.f32 v45, v21;
	v52 =	vld [tilespmem:s24+$0x8840]  }
0x168: {  	v53 =	vmul.f32 v11, v30;
	v46 =	vmul.f32 v46, v21;
	v50 =	vld [tilespmem:s29+$0x800]  }
0x169: {  	v19 =	vmul.f32 v19, v21;
	v23 =	vmul.f32 v23, v30;
	v45 =	vadd.f32 v45, v34;
	v54 =	vld [tilespmem:s29+$0x4800]  }
0x16a: {  	v27 =	vmul.f32 v27, v30;
	v48 =	vadd.f32 v36, v48;
	v47 =	vmul.f32 v47, v30;
	v34 =	vld [tilespmem:s29+$0x810]  }
0x16b: {  	v55 =	vadd.f32 v38, v41;
	v28 =	vmul.f32 v28, v30;
	v56 =	vmul.f32 v13, v15;
	v36 =	vld [tilespmem:s29+$0x4810]  }
0x16c: {  	v57 =	vadd.f32 v19, v26;
	v13 =	vmul.f32 v24, v21;
	v11 =	vld [tilespmem:s29+$0x820];
	v52 =	vmul.f32 v52, v15  }
0x16d: {  	v26 =	vadd.f32 v46, v28;
	v28 =	vmul.f32 v44, v15;
	v24 =	vmul.f32 v35, v15;
	v19 =	vld [tilespmem:s29+$0x4820]  }
0x16e: {  	v31 =	vmul.f32 v31, v15;
	v35 =	vmul.f32 v6, v21;
	v40 =	vadd.f32 v40, v47;
	v41 =	vld [tilespmem:s29+$0x830];
	v6 =	vmovc v54  }
0x16f: {  	v22 =	vmul.f32 v22, v15;
	v44 =	vmul.f32 v3, v21;
	v47 =	vadd.f32 v24, v49;
	v38 =	vld [tilespmem:s29+$0x4830]  }
0x170: {  	v32 =	vmul.f32 v32, v15;
	v23 =	vadd.f32 v43, v23;
	v46 =	vmul.f32 v4, v30;
	v4 =	vmovc v50;
	v24 =	vld [tilespmem:s29+$0x840]  }
0x171: {  	v17 =	vmul.f32 v17, v15;
	v18 =	vmul.f32 v18, v30;
	v28 =	vadd.f32 v28, v26;
	v43 =	vld [tilespmem:s29+$0x4840];
	[tilespmem:s24+$0x18C40] =	vst v47  }
0x172: {  	v25 =	vmul.f32 v25, v15;
	v27 =	vadd.f32 v37, v27;
	v30 =	vadd.f32 v32, v23;
	v26 =	vld [tilespmem:s29+$0x850];
	v3 =	vmovc v19  }
0x173: {  	v20 =	vmul.f32 v20, v15;
	v14 =	vmul.f32 v14, v21;
	v32 =	vadd.f32 v44, v53;
	v19 =	vld [tilespmem:s29+$0x4850];
	[tilespmem:s24+$0x18C00] =	vst v28  }
0x174: {  	v16 =	vmul.f32 v16, v15;
	v28 =	vmul.f32 v8, v21;
	v21 =	vadd.f32 v25, v27;
	v23 =	vld [tilespmem:s29+$0x860];
	[tilespmem:s24+$0x18860] =	vst v30  }
0x175: {  	v20 =	vadd.f32 v20, v39;
	v25 =	vmul.f32 v9, v15;
	v9 =	vadd.f32 v13, v42;
	v44 =	vld [tilespmem:s29+$0x4860]  }
0x176: {  	v10 =	vmul.f32 v10, v15;
	v30 =	vadd.f32 v35, v46;
	v35 =	vadd.f32 v28, v51;
	v27 =	vld [tilespmem:s29+$0x870];
	v8 =	vmovc v43  }
0x177: {  	v14 =	vadd.f32 v14, v33;
	v28 =	vld [tilespmem:s29+$0xC00];
	[tilespmem:s24+$0x18810] =	vst v20;
	v20 =	vmul.f32 v7, v15;
	v7 =	vadd.f32 v16, v9  }
0x178: {  	v10 =	vadd.f32 v10, v40;
	v30 =	vadd.f32 v31, v30;
	v9 =	vmul.f32 v5, v15;
	v13 =	vld [tilespmem:s29+$0x8C60];
	[tilespmem:s24+$0x18870] =	vst v21  }
0x179: {  	v12 =	vmul.f32 v12, v15;
	v18 =	vadd.f32 v29, v18;
	v16 =	vadd.f32 v52, v35;
	v5 =	vld [tilespmem:s29+$0x8850];
	[tilespmem:s24+$0x18C30] =	vst v7  }
0x17a: {  	v15 =	vadd.f32 v17, v32;
	v17 =	vadd.f32 v9, v57;
	v7 =	vld [tilespmem:s29+$0x8830];
	[tilespmem:s24+$0x18C50] =	vst v10  }
0x17b: {  	v21 =	vadd.f32 v22, v18;
	v22 =	vadd.f32 v56, v45;
	v10 =	vld [tilespmem:s29+$0x8C50];
	[tilespmem:s24+$0x18840] =	vst v16  }
0x17c: {  	v12 =	vadd.f32 v12, v48;
	v18 =	vadd.f32 v20, v55;
	v9 =	vld [tilespmem:s29+$0x8C20];
	[tilespmem:s24+$0x18850] =	vst v17  }
0x17d: {  	v17 =	vadd.f32 v25, v14;
	v16 =	vld [tilespmem:s29+$0x8C30];
	[tilespmem:s24+$0x18800] =	vst v30  }
0x17e: {  	v14 =	vld [tilespmem:s29+$0x4C20];
	[tilespmem:s24+$0x18830] =	vst v18  }
0x17f: {  	v20 =	vld [tilespmem:s29+$0x8810];
	[tilespmem:s24+$0x18C20] =	vst v17  }
0x180: {  	v25 =	vld [tilespmem:s29+$0x8870];
	[tilespmem:s24+$0x18C70] =	vst v12  }
0x181: {  	v18 =	vld [tilespmem:s29+$0xC10];
	[tilespmem:s24+$0x18C60] =	vst v22  }
0x182: {  	v17 =	vld [tilespmem:s29+$0x8820];
	[tilespmem:s24+$0x18C10] =	vst v21  }
0x183: {  	v32 =	vld [tilespmem:s29+$0x8860];
	[tilespmem:s24+$0x18820] =	vst v15;
	s24 =	smov.u32 s29  }
0x184: {  	v22 =	vld [tilespmem:s24+$0x8C10]  }
0x185: {  	v31 =	vld [tilespmem:s24+$0x8800]  }
0x186: {  	v35 =	vld [tilespmem:s24+$0x8C40]  }
0x187: {  	v47 =	vld [tilespmem:s24+$0x4C40]  }
0x188: {  	v12 =	vld [tilespmem:s24+$0x8C70]  }
0x189: {  	v29 =	vld [tilespmem:s24+$0xC40]  }
0x18a: {  	v33 =	vld [tilespmem:s24+$0x4C70]  }
0x18b: {  	v37 =	vld [tilespmem:s24+$0x4C50]  }
0x18c: {  	v21 =	vld.msk [tilespmem:s26+$0xFFFFFF80 ss:$0x0], $0xffff  }
0x18d: {  	v30 =	vld.msk [tilespmem:s26+$0xFFFFFF00 ss:$0x0], $0xffff  }
0x18e: {  	v39 =	vld [tilespmem:s24+$0x4870]  }
0x18f: {  	v42 =	vld [tilespmem:s24+$0xC60]  }
0x190: {  	v15 =	vld.msk [tilespmem:s26+$0x0 ss:$0x0], $0xffff  }
0x191: {  	v50 =	vld [tilespmem:s24+$0x4C10]  }
0x192: {  	v46 =	vmul.f32 v36, v21;
	v40 =	vmul.f32 v37, v21;
	v51 =	vld [tilespmem:s24+$0xC20]  }
0x193: {  	v41 =	vmul.f32 v41, v30;
	v37 =	vmul.f32 v39, v21;
	v52 =	vld [tilespmem:s24+$0xC30]  }
.Ltmp0:
0x194: {  	v43 =	vmul.f32 v44, v21;
	v39 =	vmul.f32 v34, v30;
	v48 =	vld [tilespmem:s24+$0xC70];
	(pc) =	sbr.rel @p0 .LBB2_3-.Ltmp0, $4  }
0x195: {  	v36 =	vmul.f32 v33, v21;
	v34 =	vmul.f32 v42, v30;
	v45 =	vld [tilespmem:s24+$0x4C60]  }
0x196: {  	v38 =	vmul.f32 v38, v21;
	v49 =	vmul.f32 v29, v30;
	v39 =	vadd.f32 v46, v39;
	v46 =	vld [tilespmem:s24+$0x4C00]  }
0x197: {  	v29 =	vmul.f32 v50, v21;
	v44 =	vld [tilespmem:s24+$0x8C00];
	v33 =	vmul.f32 v51, v30  }
0x198: {  	s25 =	sadd.s32 $0x80, s25;
	s28 =	smov.u32 s30;
	s26 =	sadd.s32 $0x1, s26;
	v50 =	vmul.f32 v47, v21;
	v42 =	vmul.f32 v52, v30;
	v47 =	vld [tilespmem:s24+$0xC50]  }
0x199: {  	v24 =	vmul.f32 v24, v30  }
0x19a: {  	v48 =	vmul.f32 v48, v30;
	v26 =	vmul.f32 v26, v30  }
0x19b: {  	v11 =	vmul.f32 v11, v30;
	v19 =	vmul.f32 v19, v21  }
0x19c: {  	v23 =	vmul.f32 v23, v30;
	v27 =	vmul.f32 v27, v30  }
0x19d: {  	v28 =	vmul.f32 v28, v30;
	v63 =	vmul.f32 v35, v15  }
0x19e: {  	v32 =	vmul.f32 v32, v15;
	v6 =	vmul.f32 v6, v21  }
0x19f: {  	v20 =	vmul.f32 v20, v15;
	v25 =	vmul.f32 v25, v15  }
0x1a0: {  	v8 =	vmul.f32 v8, v21;
	v10 =	vmul.f32 v10, v15  }
0x1a1: {  	v4 =	vmul.f32 v4, v30;
	v53 =	vmul.f32 v31, v15;
	v55 =	vadd.f32 v38, v41  }
0x1a2: {  	v7 =	vmul.f32 v7, v15;
	v49 =	vadd.f32 v50, v49;
	v36 =	vadd.f32 v36, v48  }
0x1a3: {  	v46 =	vmul.f32 v46, v21;
	v19 =	vadd.f32 v19, v26;
	v20 =	vadd.f32 v20, v39  }
0x1a4: {  	v5 =	vmul.f32 v5, v15;
	v23 =	vadd.f32 v43, v23;
	v7 =	vadd.f32 v7, v55  }
0x1a5: {  	v52 =	vld [tilespmem:s24+$0x4C30];
	v14 =	vmul.f32 v14, v21;
	v62 =	vadd.f32 v46, v28;
	v28 =	vadd.f32 v63, v49;
	[tilespmem:s24+$0x18810] =	vst v20  }
0x1a6: {  	v51 =	vld [tilespmem:s24+$0x8840];
	v9 =	vmul.f32 v9, v15;
	v4 =	vadd.f32 v6, v4;
	v23 =	vadd.f32 v32, v23;
	[tilespmem:s24+$0x18830] =	vst v7  }
0x1a7: {  	v58 =	vmul.f32 v13, v15;
	v56 =	vadd.f32 v14, v33;
	v5 =	vadd.f32 v5, v19;
	[tilespmem:s24+$0x18C40] =	vst v28  }
0x1a8: {  	v45 =	vmul.f32 v45, v21;
	v27 =	vadd.f32 v37, v27;
	v4 =	vadd.f32 v53, v4;
	[tilespmem:s24+$0x18860] =	vst v23  }
0x1a9: {  	v8 =	vadd.f32 v8, v24;
	v46 =	vmul.f32 v44, v15;
	v59 =	vadd.f32 v9, v56;
	[tilespmem:s24+$0x18850] =	vst v5  }
0x1aa: {  	v34 =	vadd.f32 v45, v34;
	v48 =	vmul.f32 v52, v21;
	v52 =	vadd.f32 v25, v27;
	[tilespmem:s24+$0x18800] =	vst v4  }
0x1ab: {  	v60 =	vmul.f32 v47, v30;
	v61 =	vmul.f32 v51, v15;
	v26 =	vadd.f32 v46, v62;
	[tilespmem:s24+$0x18C20] =	vst v59  }
0x1ac: {  	v57 =	vmul.f32 v18, v30;
	v12 =	vmul.f32 v12, v15;
	v5 =	vadd.f32 v58, v34;
	[tilespmem:s24+$0x18870] =	vst v52  }
0x1ad: {  	v3 =	vmul.f32 v3, v21;
	v51 =	vadd.f32 v40, v60;
	v54 =	vadd.f32 v61, v8;
	[tilespmem:s24+$0x18C00] =	vst v26  }
0x1ae: {  	v6 =	vadd.f32 v29, v57;
	v60 =	vmul.f32 v22, v15;
	v61 =	vadd.f32 v12, v36;
	[tilespmem:s24+$0x18C60] =	vst v5  }
0x1af: {  	v3 =	vadd.f32 v3, v11;
	v62 =	vmul.f32 v17, v15;
	v10 =	vadd.f32 v10, v51;
	[tilespmem:s24+$0x18840] =	vst v54  }
0x1b0: {  	v16 =	vmul.f32 v16, v15;
	v50 =	vadd.f32 v48, v42;
	v63 =	vadd.f32 v60, v6;
	[tilespmem:s24+$0x18C70] =	vst v61  }
0x1b1: {  	v3 =	vadd.f32 v62, v3;
	[tilespmem:s24+$0x18C50] =	vst v10  }
0x1b2: {  	v16 =	vadd.f32 v16, v50;
	[tilespmem:s24+$0x18C10] =	vst v63  }
0x1b3: {  	s25 =	sshll.u32 s23, $0xB;
	p0 =	seq.s32 s22, $0x7;
	[tilespmem:s24+$0x18820] =	vst v3  }
.Ltmp1:
0x1b4: {  	s31 =	sadd.s32 s7, s25;
	[tilespmem:s24+$0x18C30] =	vst v16;
	(pc) =	sbr.rel @p0 .LBB2_6-.Ltmp1, $4  }
0x1b5: {  	[hbm4b:s31+s2] =	stream.linear.scatter [tilespmem:s18], [sflag:$0x7], $0x4000, $0x38;
	[tilespmem:$0x1C800] =	vst v63  }
0x1b6: {  	_ =	swait.ge [sflag:s11], $0x4000  }
0x1b7: {  	[sflag:s11] =	ssyncset.done $0x0  }
0x1b8: {  	s23 =	sor.u32 $0x1, s23;
	[sflag:s11] =	ssyncadd.s32 $0xFFFFC000  }
0x1b9: {  	s24 =	sshll.u32 s23, $0x6  }
0x1ba: {  	s24 =	sadd.s32 $0x40, s24  }
0x1bb: {  	s25 =	sadd.s32 s4, s24  }
0x1bc: {  	[tilespmem:s2], [sflag:$0x7] =	stream.linear.gather [hbm4b:s25+s2], $0x180, $0x38;
	[tilespmem:$0x1C800] =	vst v63  }
0x1bd: {  	_ =	swait.ge [sflag:s11], $0x180  }
0x1be: {  	[sflag:s11] =	ssyncset.done $0x0  }
0x1bf: {  	s31 =	simm.s32 $0x400;
	s24 =	sadd.s32 s5, s24;
	[sflag:s11] =	ssyncadd.s32 $0xFFFFFE80  }
0x1c0: {  	[tilespmem:s31], [sflag:$0x7] =	stream.linear.gather [hbm4b:s24+s2], $0x180, $0x38;
	[tilespmem:$0x1C800] =	vst v63  }
0x1c1: {  	_ =	swait.ge [sflag:s11], $0x180  }
0x1c2: {  	[sflag:s11] =	ssyncset.done $0x0  }
0x1c3: {  	[sflag:s11] =	ssyncadd.s32 $0xFFFFFE80  }
0x1c4: {  	v3 =	vld [tilespmem:$0x0];
	_ =	sdelay $0x4  }
0x1c5: {  	v4 =	vshll.u32 v3, $0x1  }
0x1c6: {  	v3 =	vand.u32 $0x7, v3;
	v4 =	vand.u32 $0xFFFFFFF0, v4  }
0x1c7: {  	v3 =	vor.u32 v3, v4  }
0x1c8: {  	v4 =	vperm.xlane v3, v0;
	_ =	sdelay $0x1  }
0x1c9: {  	v3 =	vperm.xlane v3, v2;
	v4 =	vadd.s32 v1, v4;
	_ =	sdelay $0x1  }
0x1ca: {  	v3 =	vadd.s32 v1, v3;
	_ =	sdelay $0x1  }
0x1cb: {  	s25 =	simm.s32 $0x800  }
0x1cc: {  	[tilespmem:s25], [sflag:$0x1] =	stream.indirect_vreg.gather [hbm4b:s1+s2], $0x80, v4, vm0, $0xb8;
	[tilespmem:$0x1C800] =	vst v63  }
0x1cd: {  	s26 =	simm.s32 $0x1000  }
0x1ce: {  	[tilespmem:s26], [sflag:$0x1] =	stream.indirect_vreg.gather [hbm4b:s1+s2], $0x80, v3, vm0, $0xb8;
	[tilespmem:$0x1C800] =	vst v63  }
0x1cf: {  	v3 =	vld [tilespmem:$0x10];
	_ =	sdelay $0x4  }
0x1d0: {  	v53 =	vshll.u32 v3, $0x1  }
0x1d1: {  	v3 =	vand.u32 $0x7, v3;
	v4 =	vand.u32 $0xFFFFFFF0, v53  }
0x1d2: {  	v3 =	vor.u32 v3, v4  }
0x1d3: {  	v4 =	vperm.xlane v3, v0;
	_ =	sdelay $0x1  }
0x1d4: {  	v3 =	vperm.xlane v3, v2;
	v4 =	vadd.s32 v1, v4;
	_ =	sdelay $0x1  }
0x1d5: {  	v3 =	vadd.s32 v1, v3;
	_ =	sdelay $0x1  }
0x1d6: {  	s28 =	simm.s32 $0x1800  }
0x1d7: {  	[tilespmem:s28], [sflag:$0x1] =	stream.indirect_vreg.gather [hbm4b:s1+s2], $0x80, v4, vm0, $0xb8;
	[tilespmem:$0x1C800] =	vst v63  }
0x1d8: {  	s29 =	simm.s32 $0x2000  }
0x1d9: {  	[tilespmem:s29], [sflag:$0x1] =	stream.indirect_vreg.gather [hbm4b:s1+s2], $0x80, v3, vm0, $0xb8;
	[tilespmem:$0x1C800] =	vst v63  }
0x1da: {  	v3 =	vld [tilespmem:$0x20];
	_ =	sdelay $0x4  }
0x1db: {  	v54 =	vshll.u32 v3, $0x1  }
0x1dc: {  	v3 =	vand.u32 $0x7, v3;
	v4 =	vand.u32 $0xFFFFFFF0, v54  }
0x1dd: {  	v3 =	vor.u32 v3, v4  }
0x1de: {  	v4 =	vperm.xlane v3, v0;
	_ =	sdelay $0x1  }
0x1df: {  	v3 =	vperm.xlane v3, v2;
	v4 =	vadd.s32 v1, v4;
	_ =	sdelay $0x1  }
0x1e0: {  	v3 =	vadd.s32 v1, v3;
	_ =	sdelay $0x1  }
0x1e1: {  	s30 =	simm.s32 $0x2800  }
0x1e2: {  	[tilespmem:s30], [sflag:$0x1] =	stream.indirect_vreg.gather [hbm4b:s1+s2], $0x80, v4, vm0, $0xb8;
	[tilespmem:$0x1C800] =	vst v63  }
0x1e3: {  	s31 =	simm.s32 $0x3000  }
0x1e4: {  	[tilespmem:s31], [sflag:$0x1] =	stream.indirect_vreg.gather [hbm4b:s1+s2], $0x80, v3, vm0, $0xb8;
	[tilespmem:$0x1C800] =	vst v63  }
0x1e5: {  	v3 =	vld [tilespmem:$0x30];
	_ =	sdelay $0x4  }
0x1e6: {  	v55 =	vshll.u32 v3, $0x1  }
0x1e7: {  	v3 =	vand.u32 $0x7, v3;
	v4 =	vand.u32 $0xFFFFFFF0, v55  }
0x1e8: {  	v3 =	vor.u32 v3, v4  }
0x1e9: {  	v4 =	vperm.xlane v3, v0;
	_ =	sdelay $0x1  }
0x1ea: {  	v3 =	vperm.xlane v3, v2;
	v4 =	vadd.s32 v1, v4;
	_ =	sdelay $0x1  }
0x1eb: {  	v3 =	vadd.s32 v1, v3;
	_ =	sdelay $0x1  }
0x1ec: {  	s25 =	simm.s32 $0x3800  }
0x1ed: {  	[tilespmem:s25], [sflag:$0x1] =	stream.indirect_vreg.gather [hbm4b:s1+s2], $0x80, v4, vm0, $0xb8;
	[tilespmem:$0x1C800] =	vst v63  }
0x1ee: {  	s26 =	simm.s32 $0x4000  }
0x1ef: {  	[tilespmem:s26], [sflag:$0x1] =	stream.indirect_vreg.gather [hbm4b:s1+s2], $0x80, v3, vm0, $0xb8;
	[tilespmem:$0x1C800] =	vst v63  }
0x1f0: {  	v3 =	vld [tilespmem:$0x80];
	_ =	sdelay $0x4  }
0x1f1: {  	v56 =	vshll.u32 v3, $0x1  }
0x1f2: {  	v3 =	vand.u32 $0x7, v3;
	v4 =	vand.u32 $0xFFFFFFF0, v56  }
0x1f3: {  	v3 =	vor.u32 v3, v4  }
0x1f4: {  	v4 =	vperm.xlane v3, v0;
	_ =	sdelay $0x1  }
0x1f5: {  	v3 =	vperm.xlane v3, v2;
	v4 =	vadd.s32 v1, v4;
	_ =	sdelay $0x1  }
0x1f6: {  	v3 =	vadd.s32 v1, v3;
	_ =	sdelay $0x1  }
0x1f7: {  	s28 =	simm.s32 $0x4800  }
0x1f8: {  	[tilespmem:s28], [sflag:$0x2] =	stream.indirect_vreg.gather [hbm4b:s1+s2], $0x80, v4, vm0, $0xb8;
	[tilespmem:$0x1C800] =	vst v63  }
0x1f9: {  	s29 =	simm.s32 $0x5000  }
0x1fa: {  	[tilespmem:s29], [sflag:$0x2] =	stream.indirect_vreg.gather [hbm4b:s1+s2], $0x80, v3, vm0, $0xb8;
	[tilespmem:$0x1C800] =	vst v63  }
0x1fb: {  	v3 =	vld [tilespmem:$0x90];
	_ =	sdelay $0x4  }
0x1fc: {  	v57 =	vshll.u32 v3, $0x1  }
0x1fd: {  	v3 =	vand.u32 $0x7, v3;
	v4 =	vand.u32 $0xFFFFFFF0, v57  }
0x1fe: {  	v3 =	vor.u32 v3, v4  }
0x1ff: {  	v4 =	vperm.xlane v3, v0;
	_ =	sdelay $0x1  }
0x200: {  	v3 =	vperm.xlane v3, v2;
	v4 =	vadd.s32 v1, v4;
	_ =	sdelay $0x1  }
0x201: {  	v3 =	vadd.s32 v1, v3;
	_ =	sdelay $0x1  }
0x202: {  	s30 =	simm.s32 $0x5800  }
0x203: {  	[tilespmem:s30], [sflag:$0x2] =	stream.indirect_vreg.gather [hbm4b:s1+s2], $0x80, v4, vm0, $0xb8;
	[tilespmem:$0x1C800] =	vst v63  }
0x204: {  	s31 =	simm.s32 $0x6000  }
0x205: {  	[tilespmem:s31], [sflag:$0x2] =	stream.indirect_vreg.gather [hbm4b:s1+s2], $0x80, v3, vm0, $0xb8;
	[tilespmem:$0x1C800] =	vst v63  }
0x206: {  	v3 =	vld [tilespmem:$0xA0];
	_ =	sdelay $0x4  }
0x207: {  	v58 =	vshll.u32 v3, $0x1  }
0x208: {  	v3 =	vand.u32 $0x7, v3;
	v4 =	vand.u32 $0xFFFFFFF0, v58  }
0x209: {  	v3 =	vor.u32 v3, v4  }
0x20a: {  	v4 =	vperm.xlane v3, v0;
	_ =	sdelay $0x1  }
0x20b: {  	v3 =	vperm.xlane v3, v2;
	v4 =	vadd.s32 v1, v4;
	_ =	sdelay $0x1  }
0x20c: {  	v3 =	vadd.s32 v1, v3;
	_ =	sdelay $0x1  }
0x20d: {  	s25 =	simm.s32 $0x6800  }
0x20e: {  	[tilespmem:s25], [sflag:$0x2] =	stream.indirect_vreg.gather [hbm4b:s1+s2], $0x80, v4, vm0, $0xb8;
	[tilespmem:$0x1C800] =	vst v63  }
0x20f: {  	s26 =	simm.s32 $0x7000  }
0x210: {  	[tilespmem:s26], [sflag:$0x2] =	stream.indirect_vreg.gather [hbm4b:s1+s2], $0x80, v3, vm0, $0xb8;
	[tilespmem:$0x1C800] =	vst v63  }
0x211: {  	v3 =	vld [tilespmem:$0xB0];
	_ =	sdelay $0x4  }
0x212: {  	v59 =	vshll.u32 v3, $0x1  }
0x213: {  	v3 =	vand.u32 $0x7, v3;
	v4 =	vand.u32 $0xFFFFFFF0, v59  }
0x214: {  	v3 =	vor.u32 v3, v4  }
0x215: {  	v4 =	vperm.xlane v3, v0;
	_ =	sdelay $0x1  }
0x216: {  	v3 =	vperm.xlane v3, v2;
	v4 =	vadd.s32 v1, v4;
	_ =	sdelay $0x1  }
0x217: {  	v3 =	vadd.s32 v1, v3;
	_ =	sdelay $0x1  }
0x218: {  	s28 =	simm.s32 $0x7800  }
0x219: {  	[tilespmem:s28], [sflag:$0x2] =	stream.indirect_vreg.gather [hbm4b:s1+s2], $0x80, v4, vm0, $0xb8;
	[tilespmem:$0x1C800] =	vst v63  }
0x21a: {  	s29 =	simm.s32 $0x8000  }
0x21b: {  	[tilespmem:s29], [sflag:$0x2] =	stream.indirect_vreg.gather [hbm4b:s1+s2], $0x80, v3, vm0, $0xb8;
	[tilespmem:$0x1C800] =	vst v63  }
0x21c: {  	v3 =	vld [tilespmem:$0x100];
	_ =	sdelay $0x4  }
0x21d: {  	v60 =	vshll.u32 v3, $0x1  }
0x21e: {  	v3 =	vand.u32 $0x7, v3;
	v4 =	vand.u32 $0xFFFFFFF0, v60  }
0x21f: {  	v3 =	vor.u32 v3, v4  }
0x220: {  	v4 =	vperm.xlane v3, v0;
	_ =	sdelay $0x1  }
0x221: {  	v3 =	vperm.xlane v3, v2;
	v4 =	vadd.s32 v1, v4;
	_ =	sdelay $0x1  }
0x222: {  	v3 =	vadd.s32 v1, v3;
	_ =	sdelay $0x1  }
0x223: {  	s30 =	simm.s32 $0x8800  }
0x224: {  	[tilespmem:s30], [sflag:$0x3] =	stream.indirect_vreg.gather [hbm4b:s1+s2], $0x80, v4, vm0, $0xb8;
	[tilespmem:$0x1C800] =	vst v63  }
0x225: {  	s31 =	simm.s32 $0x9000  }
0x226: {  	[tilespmem:s31], [sflag:$0x3] =	stream.indirect_vreg.gather [hbm4b:s1+s2], $0x80, v3, vm0, $0xb8;
	[tilespmem:$0x1C800] =	vst v63  }
0x227: {  	v3 =	vld [tilespmem:$0x110];
	_ =	sdelay $0x4  }
0x228: {  	v61 =	vshll.u32 v3, $0x1  }
0x229: {  	v3 =	vand.u32 $0x7, v3;
	v4 =	vand.u32 $0xFFFFFFF0, v61  }
0x22a: {  	v3 =	vor.u32 v3, v4  }
0x22b: {  	v4 =	vperm.xlane v3, v0;
	_ =	sdelay $0x1  }
0x22c: {  	v3 =	vperm.xlane v3, v2;
	v4 =	vadd.s32 v1, v4;
	_ =	sdelay $0x1  }
0x22d: {  	v3 =	vadd.s32 v1, v3;
	_ =	sdelay $0x1  }
0x22e: {  	s25 =	simm.s32 $0x9800  }
0x22f: {  	[tilespmem:s25], [sflag:$0x3] =	stream.indirect_vreg.gather [hbm4b:s1+s2], $0x80, v4, vm0, $0xb8;
	[tilespmem:$0x1C800] =	vst v63  }
0x230: {  	s26 =	simm.s32 $0xA000  }
0x231: {  	[tilespmem:s26], [sflag:$0x3] =	stream.indirect_vreg.gather [hbm4b:s1+s2], $0x80, v3, vm0, $0xb8;
	[tilespmem:$0x1C800] =	vst v63  }
0x232: {  	v3 =	vld [tilespmem:$0x120];
	_ =	sdelay $0x4  }
0x233: {  	v62 =	vshll.u32 v3, $0x1  }
0x234: {  	v3 =	vand.u32 $0x7, v3;
	v4 =	vand.u32 $0xFFFFFFF0, v62  }
0x235: {  	v3 =	vor.u32 v3, v4  }
0x236: {  	v4 =	vperm.xlane v3, v0;
	_ =	sdelay $0x1  }
0x237: {  	v3 =	vperm.xlane v3, v2;
	v4 =	vadd.s32 v1, v4;
	_ =	sdelay $0x1  }
0x238: {  	v3 =	vadd.s32 v1, v3;
	_ =	sdelay $0x1  }
0x239: {  	s28 =	simm.s32 $0xA800  }
0x23a: {  	[tilespmem:s28], [sflag:$0x3] =	stream.indirect_vreg.gather [hbm4b:s1+s2], $0x80, v4, vm0, $0xb8;
	[tilespmem:$0x1C800] =	vst v63  }
0x23b: {  	s29 =	simm.s32 $0xB000  }
0x23c: {  	[tilespmem:s29], [sflag:$0x3] =	stream.indirect_vreg.gather [hbm4b:s1+s2], $0x80, v3, vm0, $0xb8;
	[tilespmem:$0x1C800] =	vst v63  }
0x23d: {  	v3 =	vld [tilespmem:$0x130];
	_ =	sdelay $0x4  }
0x23e: {  	v63 =	vshll.u32 v3, $0x1  }
0x23f: {  	v3 =	vand.u32 $0x7, v3;
	v4 =	vand.u32 $0xFFFFFFF0, v63  }
0x240: {  	v3 =	vor.u32 v3, v4  }
0x241: {  	v4 =	vperm.xlane v3, v0;
	_ =	sdelay $0x1  }
0x242: {  	v3 =	vperm.xlane v3, v2;
	v4 =	vadd.s32 v1, v4;
	_ =	sdelay $0x1  }
0x243: {  	v3 =	vadd.s32 v1, v3;
	_ =	sdelay $0x1  }
0x244: {  	s30 =	simm.s32 $0xB800  }
0x245: {  	[tilespmem:s30], [sflag:$0x3] =	stream.indirect_vreg.gather [hbm4b:s1+s2], $0x80, v4, vm0, $0xb8;
	[tilespmem:$0x1C800] =	vst v63  }
0x246: {  	s31 =	simm.s32 $0xC000  }
0x247: {  	[tilespmem:s31], [sflag:$0x3] =	stream.indirect_vreg.gather [hbm4b:s1+s2], $0x80, v3, vm0, $0xb8;
	[tilespmem:$0x1C800] =	vst v63  }
.LBB2_6:
0x248: {  	_ =	swait.ge [sflag:s19], $0x4000  }
0x249: {  	[sflag:s19] =	ssyncset.done $0x0  }
0x24a: {  	[sflag:s19] =	ssyncadd.s32 $0xFFFFC000  }
0x24b: {  	_ =	swait.ge [sflag:s20], $0x4000  }
0x24c: {  	[sflag:s20] =	ssyncset.done $0x0  }
0x24d: {  	[sflag:s20] =	ssyncadd.s32 $0xFFFFC000  }
0x24e: {  	s24 =	simm.s32 $0x0;
	_ =	swait.ge [sflag:s21], $0x4000  }
0x24f: {  	s25 =	sand.u32 $0x3800, s24;
	s24 =	sand.u32 $0x380, s24;
	[sflag:s21] =	ssyncset.done $0x0  }
0x250: {  	s24 =	sor.u32 s24, s25;
	[sflag:s21] =	ssyncadd.s32 $0xFFFFC000  }
0x251: {  	v4 =	vld [tilespmem:s24+$0xC800]  }
0x252: {  	v6 =	vld [tilespmem:s24+$0x10800]  }
0x253: {  	v29 =	vld [tilespmem:s24+$0xC810]  }
0x254: {  	v33 =	vld [tilespmem:s24+$0x10810]  }
0x255: {  	v11 =	vld [tilespmem:s24+$0xC820]  }
0x256: {  	v3 =	vld [tilespmem:s24+$0x10820]  }
0x257: {  	v34 =	vld [tilespmem:s24+$0xC830]  }
0x258: {  	v38 =	vld [tilespmem:s24+$0x10830]  }
0x259: {  	v24 =	vld [tilespmem:s24+$0xC840]  }
0x25a: {  	v8 =	vld [tilespmem:s24+$0x10840]  }
0x25b: {  	v26 =	vld [tilespmem:s24+$0xC850]  }
0x25c: {  	v19 =	vld [tilespmem:s24+$0x10850]  }
0x25d: {  	v23 =	vld [tilespmem:s24+$0xC860]  }
0x25e: {  	v36 =	vld [tilespmem:s24+$0x10860]  }
0x25f: {  	v27 =	vld [tilespmem:s24+$0xC870]  }
0x260: {  	v28 =	vld [tilespmem:s24+$0xCC00]  }
0x261: {  	v13 =	vld [tilespmem:s24+$0x14C60]  }
0x262: {  	v5 =	vld [tilespmem:s24+$0x14850]  }
0x263: {  	v7 =	vld [tilespmem:s24+$0x14830]  }
0x264: {  	v10 =	vld [tilespmem:s24+$0x14C50]  }
0x265: {  	v9 =	vld [tilespmem:s24+$0x14C20]  }
0x266: {  	v16 =	vld [tilespmem:s24+$0x14C30]  }
0x267: {  	v14 =	vld [tilespmem:s24+$0x10C20]  }
0x268: {  	v20 =	vld [tilespmem:s24+$0x14810]  }
0x269: {  	v25 =	vld [tilespmem:s24+$0x14870]  }
0x26a: {  	v18 =	vld [tilespmem:s24+$0xCC10]  }
0x26b: {  	v17 =	vld [tilespmem:s24+$0x14820]  }
0x26c: {  	v32 =	vld [tilespmem:s24+$0x14860]  }
0x26d: {  	v22 =	vld [tilespmem:s24+$0x14C10]  }
0x26e: {  	v31 =	vld [tilespmem:s24+$0x14800]  }
0x26f: {  	v35 =	vld [tilespmem:s24+$0x14C40]  }
0x270: {  	v47 =	vld [tilespmem:s24+$0x10C40]  }
0x271: {  	v12 =	vld [tilespmem:s24+$0x14C70]  }
0x272: {  	v39 =	vld [tilespmem:s24+$0xCC40]  }
0x273: {  	v42 =	vld [tilespmem:s24+$0x10C70]  }
0x274: {  	s31 =	simm.s32 $0x700;
	v37 =	vld [tilespmem:s24+$0x10C50]  }
0x275: {  	v21 =	vld.msk [tilespmem:s31+$0xFFFFFF80 ss:$0x0], $0xffff  }
0x276: {  	v30 =	vld.msk [tilespmem:s31+$0xFFFFFF00 ss:$0x0], $0xffff  }
0x277: {  	v43 =	vld [tilespmem:s24+$0x10870]  }
0x278: {  	v44 =	vld [tilespmem:s24+$0xCC60]  }
0x279: {  	v15 =	vld.msk [tilespmem:s31+$0x0 ss:$0x0], $0xffff  }
0x27a: {  	v50 =	vld [tilespmem:s24+$0x10C10]  }
0x27b: {  	v63 =	vld [tilespmem:s24+$0xCC20];
	v51 =	vmul.f32 v33, v21;
	v40 =	vmul.f32 v37, v21  }
0x27c: {  	v52 =	vld [tilespmem:s24+$0xCC30];
	v41 =	vmul.f32 v34, v30;
	v37 =	vmul.f32 v43, v21  }
0x27d: {  	v48 =	vld [tilespmem:s24+$0xCC70];
	v53 =	vmul.f32 v29, v30;
	v43 =	vmul.f32 v36, v21  }
0x27e: {  	v45 =	vld [tilespmem:s24+$0x10C60];
	v34 =	vmul.f32 v44, v30;
	v36 =	vmul.f32 v42, v21  }
0x27f: {  	v46 =	vld [tilespmem:s24+$0x10C00];
	v38 =	vmul.f32 v38, v21;
	v49 =	vmul.f32 v39, v30  }
0x280: {  	v44 =	vld [tilespmem:s24+$0x14C00];
	v29 =	vmul.f32 v50, v21;
	v33 =	vmul.f32 v63, v30  }
0x281: {  	s30 =	simm.s32 $0x100;
	s26 =	simm.s32 $0x701;
	s25 =	simm.s32 $0x80;
	v42 =	vmul.f32 v52, v30;
	v50 =	vmul.f32 v47, v21;
	v47 =	vld [tilespmem:s24+$0xCC50];
	v39 =	vadd.f32 v51, v53  }
.LBB2_7:
0x282: {  	s28 =	smov.u32 s30  }
0x283: {  	s29 =	sand.u32 $0x3800, s30;
	s31 =	sand.u32 $0x380, s25;
	v51 =	vmul.f32 v24, v30;
	v24 =	vld [tilespmem:s24+$0x10C30];
	v48 =	vmul.f32 v48, v30;
	s28 =	sadd.s32 $0x100, s30  }
0x284: {  	p0 =	sne.s32 s30, $0x3F00;
	v26 =	vmul.f32 v26, v30;
	s29 =	sor.u32 s31, s29;
	v49 =	vadd.f32 v50, v49;
	v45 =	vmul.f32 v45, v21;
	v52 =	vld [tilespmem:s24+$0x14840]  }
0x285: {  	v53 =	vmul.f32 v11, v30;
	v46 =	vmul.f32 v46, v21;
	v50 =	vld [tilespmem:s29+$0xC800]  }
0x286: {  	v19 =	vmul.f32 v19, v21;
	v23 =	vmul.f32 v23, v30;
	v45 =	vadd.f32 v45, v34;
	v54 =	vld [tilespmem:s29+$0x10800]  }
0x287: {  	v27 =	vmul.f32 v27, v30;
	v48 =	vadd.f32 v36, v48;
	v47 =	vmul.f32 v47, v30;
	v34 =	vld [tilespmem:s29+$0xC810]  }
0x288: {  	v55 =	vadd.f32 v38, v41;
	v28 =	vmul.f32 v28, v30;
	v56 =	vmul.f32 v13, v15;
	v36 =	vld [tilespmem:s29+$0x10810]  }
0x289: {  	v57 =	vadd.f32 v19, v26;
	v13 =	vmul.f32 v24, v21;
	v11 =	vld [tilespmem:s29+$0xC820];
	v52 =	vmul.f32 v52, v15  }
0x28a: {  	v26 =	vadd.f32 v46, v28;
	v28 =	vmul.f32 v44, v15;
	v24 =	vmul.f32 v35, v15;
	v19 =	vld [tilespmem:s29+$0x10820]  }
0x28b: {  	v31 =	vmul.f32 v31, v15;
	v35 =	vmul.f32 v6, v21;
	v40 =	vadd.f32 v40, v47;
	v41 =	vld [tilespmem:s29+$0xC830];
	v6 =	vmovc v54  }
0x28c: {  	v22 =	vmul.f32 v22, v15;
	v44 =	vmul.f32 v3, v21;
	v47 =	vadd.f32 v24, v49;
	v38 =	vld [tilespmem:s29+$0x10830]  }
0x28d: {  	v32 =	vmul.f32 v32, v15;
	v23 =	vadd.f32 v43, v23;
	v46 =	vmul.f32 v4, v30;
	v4 =	vmovc v50;
	v24 =	vld [tilespmem:s29+$0xC840]  }
0x28e: {  	v17 =	vmul.f32 v17, v15;
	v18 =	vmul.f32 v18, v30;
	v28 =	vadd.f32 v28, v26;
	v43 =	vld [tilespmem:s29+$0x10840];
	[tilespmem:s24+$0x18C40] =	vst v47  }
0x28f: {  	v25 =	vmul.f32 v25, v15;
	v27 =	vadd.f32 v37, v27;
	v30 =	vadd.f32 v32, v23;
	v26 =	vld [tilespmem:s29+$0xC850];
	v3 =	vmovc v19  }
0x290: {  	v20 =	vmul.f32 v20, v15;
	v14 =	vmul.f32 v14, v21;
	v32 =	vadd.f32 v44, v53;
	v19 =	vld [tilespmem:s29+$0x10850];
	[tilespmem:s24+$0x18C00] =	vst v28  }
0x291: {  	v16 =	vmul.f32 v16, v15;
	v28 =	vmul.f32 v8, v21;
	v21 =	vadd.f32 v25, v27;
	v23 =	vld [tilespmem:s29+$0xC860];
	[tilespmem:s24+$0x18860] =	vst v30  }
0x292: {  	v20 =	vadd.f32 v20, v39;
	v25 =	vmul.f32 v9, v15;
	v9 =	vadd.f32 v13, v42;
	v44 =	vld [tilespmem:s29+$0x10860]  }
0x293: {  	v10 =	vmul.f32 v10, v15;
	v30 =	vadd.f32 v35, v46;
	v35 =	vadd.f32 v28, v51;
	v27 =	vld [tilespmem:s29+$0xC870];
	v8 =	vmovc v43  }
0x294: {  	v14 =	vadd.f32 v14, v33;
	v28 =	vld [tilespmem:s29+$0xCC00];
	[tilespmem:s24+$0x18810] =	vst v20;
	v20 =	vmul.f32 v7, v15;
	v7 =	vadd.f32 v16, v9  }
0x295: {  	v10 =	vadd.f32 v10, v40;
	v30 =	vadd.f32 v31, v30;
	v9 =	vmul.f32 v5, v15;
	v13 =	vld [tilespmem:s29+$0x14C60];
	[tilespmem:s24+$0x18870] =	vst v21  }
0x296: {  	v12 =	vmul.f32 v12, v15;
	v18 =	vadd.f32 v29, v18;
	v16 =	vadd.f32 v52, v35;
	v5 =	vld [tilespmem:s29+$0x14850];
	[tilespmem:s24+$0x18C30] =	vst v7  }
0x297: {  	v15 =	vadd.f32 v17, v32;
	v17 =	vadd.f32 v9, v57;
	v7 =	vld [tilespmem:s29+$0x14830];
	[tilespmem:s24+$0x18C50] =	vst v10  }
0x298: {  	v21 =	vadd.f32 v22, v18;
	v22 =	vadd.f32 v56, v45;
	v10 =	vld [tilespmem:s29+$0x14C50];
	[tilespmem:s24+$0x18840] =	vst v16  }
0x299: {  	v12 =	vadd.f32 v12, v48;
	v18 =	vadd.f32 v20, v55;
	v9 =	vld [tilespmem:s29+$0x14C20];
	[tilespmem:s24+$0x18850] =	vst v17  }
0x29a: {  	v17 =	vadd.f32 v25, v14;
	v16 =	vld [tilespmem:s29+$0x14C30];
	[tilespmem:s24+$0x18800] =	vst v30  }
0x29b: {  	v14 =	vld [tilespmem:s29+$0x10C20];
	[tilespmem:s24+$0x18830] =	vst v18  }
0x29c: {  	v20 =	vld [tilespmem:s29+$0x14810];
	[tilespmem:s24+$0x18C20] =	vst v17  }
0x29d: {  	v25 =	vld [tilespmem:s29+$0x14870];
	[tilespmem:s24+$0x18C70] =	vst v12  }
0x29e: {  	v18 =	vld [tilespmem:s29+$0xCC10];
	[tilespmem:s24+$0x18C60] =	vst v22  }
0x29f: {  	v17 =	vld [tilespmem:s29+$0x14820];
	[tilespmem:s24+$0x18C10] =	vst v21  }
0x2a0: {  	v32 =	vld [tilespmem:s29+$0x14860];
	[tilespmem:s24+$0x18820] =	vst v15;
	s24 =	smov.u32 s29  }
0x2a1: {  	v22 =	vld [tilespmem:s24+$0x14C10]  }
0x2a2: {  	v31 =	vld [tilespmem:s24+$0x14800]  }
0x2a3: {  	v35 =	vld [tilespmem:s24+$0x14C40]  }
0x2a4: {  	v47 =	vld [tilespmem:s24+$0x10C40]  }
0x2a5: {  	v12 =	vld [tilespmem:s24+$0x14C70]  }
0x2a6: {  	v29 =	vld [tilespmem:s24+$0xCC40]  }
0x2a7: {  	v33 =	vld [tilespmem:s24+$0x10C70]  }
0x2a8: {  	v37 =	vld [tilespmem:s24+$0x10C50]  }
0x2a9: {  	v21 =	vld.msk [tilespmem:s26+$0xFFFFFF80 ss:$0x0], $0xffff  }
0x2aa: {  	v30 =	vld.msk [tilespmem:s26+$0xFFFFFF00 ss:$0x0], $0xffff  }
0x2ab: {  	v39 =	vld [tilespmem:s24+$0x10870]  }
0x2ac: {  	v42 =	vld [tilespmem:s24+$0xCC60]  }
0x2ad: {  	v15 =	vld.msk [tilespmem:s26+$0x0 ss:$0x0], $0xffff  }
0x2ae: {  	v50 =	vld [tilespmem:s24+$0x10C10]  }
0x2af: {  	v46 =	vmul.f32 v36, v21;
	v40 =	vmul.f32 v37, v21;
	v51 =	vld [tilespmem:s24+$0xCC20]  }
0x2b0: {  	v41 =	vmul.f32 v41, v30;
	v37 =	vmul.f32 v39, v21;
	v52 =	vld [tilespmem:s24+$0xCC30]  }
.Ltmp2:
0x2b1: {  	v43 =	vmul.f32 v44, v21;
	v39 =	vmul.f32 v34, v30;
	v48 =	vld [tilespmem:s24+$0xCC70];
	(pc) =	sbr.rel @p0 .LBB2_7-.Ltmp2, $4  }
0x2b2: {  	v36 =	vmul.f32 v33, v21;
	v34 =	vmul.f32 v42, v30;
	v45 =	vld [tilespmem:s24+$0x10C60]  }
0x2b3: {  	v38 =	vmul.f32 v38, v21;
	v49 =	vmul.f32 v29, v30;
	v39 =	vadd.f32 v46, v39;
	v46 =	vld [tilespmem:s24+$0x10C00]  }
0x2b4: {  	v29 =	vmul.f32 v50, v21;
	v44 =	vld [tilespmem:s24+$0x14C00];
	v33 =	vmul.f32 v51, v30  }
0x2b5: {  	s25 =	sadd.s32 $0x80, s25;
	s30 =	smov.u32 s28;
	s26 =	sadd.s32 $0x1, s26;
	v50 =	vmul.f32 v47, v21;
	v42 =	vmul.f32 v52, v30;
	v47 =	vld [tilespmem:s24+$0xCC50]  }
0x2b6: {  	v24 =	vmul.f32 v24, v30  }
0x2b7: {  	v48 =	vmul.f32 v48, v30;
	v26 =	vmul.f32 v26, v30  }
0x2b8: {  	v11 =	vmul.f32 v11, v30;
	v19 =	vmul.f32 v19, v21  }
0x2b9: {  	v23 =	vmul.f32 v23, v30;
	v27 =	vmul.f32 v27, v30  }
0x2ba: {  	v28 =	vmul.f32 v28, v30;
	v63 =	vmul.f32 v35, v15  }
0x2bb: {  	v32 =	vmul.f32 v32, v15;
	v6 =	vmul.f32 v6, v21  }
0x2bc: {  	v20 =	vmul.f32 v20, v15;
	v25 =	vmul.f32 v25, v15  }
0x2bd: {  	v8 =	vmul.f32 v8, v21;
	v10 =	vmul.f32 v10, v15  }
0x2be: {  	v4 =	vmul.f32 v4, v30;
	v53 =	vmul.f32 v31, v15;
	v55 =	vadd.f32 v38, v41  }
0x2bf: {  	v7 =	vmul.f32 v7, v15;
	v49 =	vadd.f32 v50, v49;
	v36 =	vadd.f32 v36, v48  }
0x2c0: {  	v46 =	vmul.f32 v46, v21;
	v19 =	vadd.f32 v19, v26;
	v20 =	vadd.f32 v20, v39  }
0x2c1: {  	v5 =	vmul.f32 v5, v15;
	v23 =	vadd.f32 v43, v23;
	v7 =	vadd.f32 v7, v55  }
0x2c2: {  	v52 =	vld [tilespmem:s24+$0x10C30];
	v14 =	vmul.f32 v14, v21;
	v62 =	vadd.f32 v46, v28;
	v28 =	vadd.f32 v63, v49;
	[tilespmem:s24+$0x18810] =	vst v20  }
0x2c3: {  	v51 =	vld [tilespmem:s24+$0x14840];
	v9 =	vmul.f32 v9, v15;
	v4 =	vadd.f32 v6, v4;
	v23 =	vadd.f32 v32, v23;
	[tilespmem:s24+$0x18830] =	vst v7  }
0x2c4: {  	v58 =	vmul.f32 v13, v15;
	v56 =	vadd.f32 v14, v33;
	v5 =	vadd.f32 v5, v19;
	[tilespmem:s24+$0x18C40] =	vst v28  }
0x2c5: {  	v45 =	vmul.f32 v45, v21;
	v27 =	vadd.f32 v37, v27;
	v4 =	vadd.f32 v53, v4;
	[tilespmem:s24+$0x18860] =	vst v23  }
0x2c6: {  	v8 =	vadd.f32 v8, v24;
	v46 =	vmul.f32 v44, v15;
	v59 =	vadd.f32 v9, v56;
	[tilespmem:s24+$0x18850] =	vst v5  }
0x2c7: {  	v34 =	vadd.f32 v45, v34;
	v48 =	vmul.f32 v52, v21;
	v52 =	vadd.f32 v25, v27;
	[tilespmem:s24+$0x18800] =	vst v4  }
0x2c8: {  	v60 =	vmul.f32 v47, v30;
	v61 =	vmul.f32 v51, v15;
	v26 =	vadd.f32 v46, v62;
	[tilespmem:s24+$0x18C20] =	vst v59  }
0x2c9: {  	v57 =	vmul.f32 v18, v30;
	v12 =	vmul.f32 v12, v15;
	v5 =	vadd.f32 v58, v34;
	[tilespmem:s24+$0x18870] =	vst v52  }
0x2ca: {  	v3 =	vmul.f32 v3, v21;
	v51 =	vadd.f32 v40, v60;
	v54 =	vadd.f32 v61, v8;
	[tilespmem:s24+$0x18C00] =	vst v26  }
0x2cb: {  	v6 =	vadd.f32 v29, v57;
	v60 =	vmul.f32 v22, v15;
	v61 =	vadd.f32 v12, v36;
	[tilespmem:s24+$0x18C60] =	vst v5  }
0x2cc: {  	v3 =	vadd.f32 v3, v11;
	v62 =	vmul.f32 v17, v15;
	v10 =	vadd.f32 v10, v51;
	[tilespmem:s24+$0x18840] =	vst v54  }
0x2cd: {  	v16 =	vmul.f32 v16, v15;
	v50 =	vadd.f32 v48, v42;
	v63 =	vadd.f32 v60, v6;
	[tilespmem:s24+$0x18C70] =	vst v61  }
0x2ce: {  	v3 =	vadd.f32 v62, v3;
	[tilespmem:s24+$0x18C50] =	vst v10  }
0x2cf: {  	s22 =	sadd.s32 $0x1, s22;
	v16 =	vadd.f32 v16, v50;
	[tilespmem:s24+$0x18C10] =	vst v63  }
0x2d0: {  	s23 =	sshll.u32 s23, $0xB;
	p0 =	sne.s32 s22, $0x8;
	[tilespmem:s24+$0x18820] =	vst v3  }
.Ltmp3:
0x2d1: {  	s23 =	sadd.s32 s7, s23;
	[tilespmem:s24+$0x18C30] =	vst v16;
	(pc) =	sbr.rel @p0 .LBB2_2-.Ltmp3, $4  }
0x2d2: {  	[hbm4b:s23+s2] =	stream.linear.scatter [tilespmem:s18], [sflag:$0x7], $0x4000, $0x38;
	[tilespmem:$0x1C800] =	vst v63  }
0x2d3: {  	_ =	swait.ge [sflag:s11], $0x4000  }
0x2d4: {  	[sflag:s11] =	ssyncset.done $0x0  }
0x2d5: {  	[sflag:s11] =	ssyncadd.s32 $0xFFFFC000  }
0x2d6: {  	s23 =	rddreg [dreg:$0x6]  }
0x2d7: {  	s22 =	rddreg [dreg:$0x5];
	s23 =	sadd.s32 $0x1, s23  }
0x2d8: {  	p0 =	sne.s32 s23, s22  }
.Ltmp4:
0x2d9: {  	_ = 	snop;
	(pc) =	sbr.rel @p0 .LBB2_1-.Ltmp4, $1  }
0x2da: {  	_ =	sdelay $0x3  }
0x2db: {  	_ =	sfence.sel $0x180000  }
0x2dc: {  	[bflag:$0x0] =	sbarrier.arrive $0xFFFF  }
0x2dd: {  	_ =	strace $0x90000047  }
0x2de: {  	s0 =	stileid.u32;
	[bflag:$0x2] =	sbarrier.arrive $0xFFFF  }
0x2df: {  	p0 =	sne.s32 s0, $0x0;
	s0 =	rddreg [dreg:$0x2]  }
0x2e0: {  	s0 =	sadd.s32 @!p0 $0x100000, s0  }
0x2e1: {  	[sflag:s0] =	ssyncadd.tile.s32 @!p0 $0x1;
	_ =	shalt  }
.Lfunc_end2:
_tile_overlayer_lowered:
.L_overlay_start_2:
0x2e2: {  	(tag) =	ssettag $0x2  }
0x2e3: {  	s0 =	rddreg [dreg:$0x0];
	s2 =	stileid.u32  }
0x2e4: {  	s1 =	rddreg [dreg:$0x1];
	p0 =	sne.s32 s2, $0x0  }
0x2e5: {  	s3 =	rddreg [dreg:$0x2];
	[bflag:$0x3] =	sbarrier.arrive $0xFFFF;
	s2 =	simm.s32 @!p0 $0x1C07  }
0x2e6: {  	[timem:s3], [sflag:s2] =	dma.local @!p0 [hbm:s0], s1  }
0x2e7: {  	s0 =	simm.s32 @!p0 $0x7  }
0x2e8: {  	_ =	swait.ge @!p0 [sflag:s0], s1  }
0x2e9: {  	s1 =	ssub.s32 @!p0 $0x0, s1;
	[sflag:s0] =	ssyncset.done @!p0 $0x0  }
0x2ea: {  	[sflag:s0] =	ssyncadd.s32 @!p0 s1  }
0x2eb: {  	[bflag:$0x3] =	sbarrier.arrive $0xFFFF  }
0x2ec: {  	_ =	shalt  }

</sc_bundles>
